<compile_context>
chip_gen: v7x
topology: tpu7x:2x2x1
jax: 0.10.2.dev20260603
libtpu: 0.0.44.dev20260713+nightly
codegen_flags: <defaults>
</compile_context>

<pallas_src>
import functools

import jax
import jax.numpy as jnp
from jax import lax
from jax.experimental import pallas as pl
from jax.experimental.pallas import tpu as pltpu
from jax.experimental.pallas import tpu_sc as plsc

N = 10000
NP = 10240
E = 320000
C = 128
H = 256

NC = 2
NS = 16
NW = NC * NS
K = 128
RPW = 80
ROWS = NW * RPW
EP = ROWS * K
BLK = 4
NBLK = RPW // BLK
RPT = NP // NS

_MESH = plsc.VectorSubcoreMesh(core_axis_name="c", subcore_axis_name="s",
                               num_cores=NC, num_subcores=NS)


def _worker_id():
    cid = lax.axis_index("c")
    sid = lax.axis_index("s")
    return cid, sid, sid * NC + cid



@functools.partial(
    pl.kernel,
    out_type=jax.ShapeDtypeStruct((NC * NP,), jnp.float32),
    mesh=_MESH,
    scratch_types=[
        pltpu.VMEM((RPW, K), jnp.int32),
        pltpu.VMEM((K,), jnp.float32),
        pltpu.VMEM((RPT,), jnp.float32),
        pltpu.VMEM_SHARED((NP,), jnp.float32),
        pltpu.SemaphoreType.DMA,
    ],
)
def _deg_kernel(dst_hbm, out_hbm, didx, onesv, zb, acc, dsem):
    cid, sid, wid = _worker_id()
    zvec = jnp.zeros((16,), jnp.float32)
    ovec = jnp.ones((16,), jnp.float32)

    def fill(i, _):
        zb[pl.ds(i * 16, 16)] = zvec
        return 0

    lax.fori_loop(0, RPT // 16, fill, 0)

    def fill1(i, _):
        onesv[pl.ds(i * 16, 16)] = ovec
        return 0

    lax.fori_loop(0, K // 16, fill1, 0)
    pltpu.sync_copy(dst_hbm.at[pl.ds(wid * RPW, RPW)], didx)
    pltpu.sync_copy(zb, acc.at[pl.ds(sid * RPT, RPT)])
    plsc.subcore_barrier()

    @pl.loop(0, RPW, step=8)
    def chunk(c):
        for j in range(8):
            pltpu.async_copy(onesv, acc.at[didx.at[c + j]], add=True,
                             sem=dsem)
        for j in range(8):
            pltpu.make_async_copy(onesv, acc.at[didx.at[c + j]], dsem).wait()

    plsc.subcore_barrier()
    pltpu.sync_copy(acc.at[pl.ds(sid * RPT, RPT)], zb)
    pltpu.sync_copy(zb, out_hbm.at[pl.ds(cid * NP + sid * RPT, RPT)])



@functools.partial(
    pl.kernel,
    out_type=jax.ShapeDtypeStruct((NC, NP, C), jnp.float32),
    mesh=_MESH,
    scratch_types=[
        pltpu.VMEM((2 * BLK, K), jnp.int32),
        pltpu.VMEM((2 * BLK, K), jnp.int32),
        pltpu.VMEM((K, C), jnp.float32),
        pltpu.VMEM((K, C), jnp.float32),
        pltpu.VMEM_SHARED((NP, C), jnp.float32),
        pltpu.SemaphoreType.DMA,
        pltpu.SemaphoreType.DMA,
        pltpu.SemaphoreType.DMA,
        pltpu.SemaphoreType.DMA,
    ],
)
def _agg_kernel(u_hbm, ei_hbm, out_hbm, idx0, idx1, rows0, rows1,
                acc, isem0, isem1, gsem0, gsem1):
    cid, sid, wid = _worker_id()
    zvec = jnp.zeros((16,), jnp.float32)
    rbufs = (rows0, rows1)
    gsems = (gsem0, gsem1)

    def fill(k, _):
        rows0[k // 8, pl.ds((k % 8) * 16, 16)] = zvec
        return 0

    lax.fori_loop(0, K * 8, fill, 0)

    def zcopy(j, _):
        pltpu.sync_copy(rows0, acc.at[pl.ds(sid * RPT + j * K, K)])
        return 0

    lax.fori_loop(0, RPT // K, zcopy, 0)
    plsc.subcore_barrier()

    base2 = wid * RPW * 2

    def idx_slice(b):
        return ei_hbm.at[pl.ds(base2 + b * 2 * BLK, 2 * BLK)]

    def one_block(b, ix, iy, isy):
        for j in range(BLK):
            cur = rbufs[j % 2]
            nxt = rbufs[(j + 1) % 2]
            if j < BLK - 1:
                pltpu.async_copy(u_hbm.at[ix.at[2 * (j + 1)]], nxt,
                                 gsems[(j + 1) % 2])
            else:
                @pl.when(b + 1 < NBLK)
                def _():
                    pltpu.make_async_copy(idx_slice(b + 1), iy, isy).wait()
                    pltpu.async_copy(u_hbm.at[iy.at[0]], nxt,
                                     gsems[(j + 1) % 2])
            pltpu.make_async_copy(u_hbm.at[ix.at[2 * j]], cur,
                                  gsems[j % 2]).wait()
            pltpu.sync_copy(cur, acc.at[ix.at[2 * j + 1]], add=True)

    pltpu.sync_copy(idx_slice(0), idx0)
    pltpu.async_copy(idx_slice(1), idx1, isem1)
    pltpu.async_copy(u_hbm.at[idx0.at[0]], rows0, gsem0)

    @pl.loop(0, NBLK, step=2)
    def blocks(b):
        one_block(b, idx0, idx1, isem1)

        @pl.when(b + 2 < NBLK)
        def _():
            pltpu.async_copy(idx_slice(b + 2), idx0, isem0)

        one_block(b + 1, idx1, idx0, isem0)

        @pl.when(b + 3 < NBLK)
        def _():
            pltpu.async_copy(idx_slice(b + 3), idx1, isem1)

    plsc.subcore_barrier()

    row0 = sid * RPT
    pltpu.async_copy(acc.at[pl.ds(row0, K)], rows0, gsem0)
    for j in range(RPT // K):
        cur = rbufs[j % 2]
        if j + 1 < RPT // K:
            pltpu.async_copy(acc.at[pl.ds(row0 + (j + 1) * K, K)],
                             rbufs[(j + 1) % 2], gsems[(j + 1) % 2])
        pltpu.make_async_copy(acc.at[pl.ds(row0 + j * K, K)], cur,
                              gsems[j % 2]).wait()
        pltpu.sync_copy(cur, out_hbm.at[cid, pl.ds(row0 + j * K, K)])



_BS = 1024


def _scale_body(degp_ref, x_ref, d_ref, u1_ref):
    deg = degp_ref[0] + degp_ref[1] + 1.0
    d = lax.rsqrt(deg)
    d_ref[...] = d
    u1_ref[...] = x_ref[...] * d


def _scale_call(degp, x):
    return pl.pallas_call(
        _scale_body,
        grid=(NP // _BS,),
        in_specs=[
            pl.BlockSpec((NC, _BS, 1), lambda i: (0, i, 0)),
            pl.BlockSpec((_BS, C), lambda i: (i, 0)),
        ],
        out_specs=[
            pl.BlockSpec((_BS, 1), lambda i: (i, 0)),
            pl.BlockSpec((_BS, C), lambda i: (i, 0)),
        ],
        out_shape=[
            jax.ShapeDtypeStruct((NP, 1), jnp.float32),
            jax.ShapeDtypeStruct((NP, C), jnp.float32),
        ],
    )(degp, x)


def _dense_body(s1p_ref, u1_ref, d_ref, W1_ref, b1_ref, W2_ref, u2_ref):
    t = s1p_ref[0] + s1p_ref[1] + u1_ref[...]
    d = d_ref[...]
    y = jnp.dot(t.astype(jnp.bfloat16), W1_ref[...].astype(jnp.bfloat16),
                preferred_element_type=jnp.float32) * d
    r = jnp.maximum(y + b1_ref[...], 0.0)
    u2_ref[...] = jnp.dot(r.astype(jnp.bfloat16),
                          W2_ref[...].astype(jnp.bfloat16),
                          preferred_element_type=jnp.float32) * d


def _dense_call(s1p, u1, d, W1, b1, W2):
    return pl.pallas_call(
        _dense_body,
        grid=(NP // _BS,),
        in_specs=[
            pl.BlockSpec((NC, _BS, C), lambda i: (0, i, 0)),
            pl.BlockSpec((_BS, C), lambda i: (i, 0)),
            pl.BlockSpec((_BS, 1), lambda i: (i, 0)),
            pl.BlockSpec((C, H), lambda i: (0, 0)),
            pl.BlockSpec((1, H), lambda i: (0, 0)),
            pl.BlockSpec((H, C), lambda i: (0, 0)),
        ],
        out_specs=pl.BlockSpec((_BS, C), lambda i: (i, 0)),
        out_shape=jax.ShapeDtypeStruct((NP, C), jnp.float32),
    )(s1p, u1, d, W1, b1.reshape(1, H), W2)


def _final_body(s2p_ref, u2_ref, d_ref, b2_ref, out_ref):
    out_ref[...] = ((s2p_ref[0] + s2p_ref[1] + u2_ref[...]) * d_ref[...]
                    + b2_ref[...])


def _final_call(s2p, u2, d, b2):
    return pl.pallas_call(
        _final_body,
        grid=(NP // _BS,),
        in_specs=[
            pl.BlockSpec((NC, _BS, C), lambda i: (0, i, 0)),
            pl.BlockSpec((_BS, C), lambda i: (i, 0)),
            pl.BlockSpec((_BS, 1), lambda i: (i, 0)),
            pl.BlockSpec((1, C), lambda i: (0, 0)),
        ],
        out_specs=pl.BlockSpec((_BS, C), lambda i: (i, 0)),
        out_shape=jax.ShapeDtypeStruct((NP, C), jnp.float32),
    )(s2p, u2, d, b2.reshape(1, C))


def kernel(x, edge_index, W1, b1, W2, b2):
    pad = N + jnp.arange(EP - E, dtype=jnp.int32) % (NP - N)
    src = jnp.concatenate([edge_index[0].astype(jnp.int32), pad]).reshape(ROWS, K)
    dst = jnp.concatenate([edge_index[1].astype(jnp.int32), pad]).reshape(ROWS, K)
    ei = jnp.stack([src, dst], axis=1).reshape(2 * ROWS, K)
    xp = jnp.pad(x, ((0, NP - N), (0, 0)))
    degp = _deg_kernel(dst).reshape(NC, NP, 1)
    d, u1 = _scale_call(degp, xp)
    s1p = _agg_kernel(u1, ei)
    u2 = _dense_call(s1p, u1, d, W1, b1, W2)
    s2p = _agg_kernel(u2, ei)
    return _final_call(s2p, u2, d, b2)[:N]

# --- scband reference (transcript-rebuilt; emitter-appended) ---
"""Pipeline reference for scband-gcnencoder-57071525429450 (READ-ONLY COPY).

The authoritative reference and input builder live on the scoring server;
editing this copy changes nothing except your own understanding.
"""

import jax, jax.numpy as jnp
import numpy as np

N_NODES = 10000
IN_CH = 128
OUT_CH = 128
N_EDGES = 320000


def gcn_conv(x, edge_index, W, b):
    num_nodes = x.shape[0]
    src = edge_index[0]
    dst = edge_index[1]
    # add self loops (PyG GCNConv default add_self_loops=True)
    loop = jnp.arange(num_nodes, dtype=src.dtype)
    src = jnp.concatenate([src, loop])
    dst = jnp.concatenate([dst, loop])
    # symmetric normalization D^{-1/2} A_hat D^{-1/2}
    deg = jnp.zeros((num_nodes,), dtype=x.dtype).at[dst].add(1.0)
    deg_inv_sqrt = jnp.where(deg > 0, deg ** -0.5, 0.0)
    norm = deg_inv_sqrt[src] * deg_inv_sqrt[dst]
    h = x @ W
    msg = h[src] * norm[:, None]
    out = jax.ops.segment_sum(msg, dst, num_segments=num_nodes)
    return out + b


def setup_inputs(seed: int = 0) -> dict:
    key = jax.random.key(seed)
    k1, k2, k3, k4, k5, k6 = jax.random.split(key, 6)
    x = jax.random.normal(k1, (N_NODES, IN_CH), dtype=jnp.float32)
    edge_index = jax.random.randint(k2, (2, N_EDGES), 0, N_NODES, dtype=jnp.int64)
    # GCNConv uses glorot init for the linear weight; bias zeros
    s1 = (6.0 / (IN_CH + 2 * OUT_CH)) ** 0.5
    W1 = jax.random.uniform(k3, (IN_CH, 2 * OUT_CH), dtype=jnp.float32, minval=-s1, maxval=s1)
    b1 = jnp.zeros((2 * OUT_CH,), dtype=jnp.float32)
    s2 = (6.0 / (2 * OUT_CH + OUT_CH)) ** 0.5
    W2 = jax.random.uniform(k4, (2 * OUT_CH, OUT_CH), dtype=jnp.float32, minval=-s2, maxval=s2)
    b2 = jnp.zeros((OUT_CH,), dtype=jnp.float32)
    return {"x": x, "edge_index": edge_index, "W1": W1, "b1": b1, "W2": W2, "b2": b2}


def reference(x, edge_index, W1, b1, W2, b2):
    h = gcn_conv(x, edge_index, W1, b1)
    h = jax.nn.relu(h)
    out = gcn_conv(h, edge_index, W2, b2)
    return out

if __name__ == "__main__":
    import jax
    _d = setup_inputs()
    print(jax.jit(kernel)(*tuple(_d.values())))

</pallas_src>

<mosaic_0001>
#map = affine_map<(d0, d1) -> (0, 0)>
#map1 = affine_map<(d0, d1) -> (0, 0, 0)>
module attributes {stable_mosaic.version = 14 : i64} {
  func.func @_agg_kernel(%arg0: i32, %arg1: i32, %arg2: memref<10240x128xf32, #tpu.memory_space<hbm>>, %arg3: memref<5120x128xi32, #tpu.memory_space<hbm>>, %arg4: memref<2x10240x128xf32, #tpu.memory_space<hbm>>, %arg5: memref<8x128xi32, #tpu.memory_space<vmem>>, %arg6: memref<8x128xi32, #tpu.memory_space<vmem>>, %arg7: memref<128x128xf32, #tpu.memory_space<vmem>>, %arg8: memref<128x128xf32, #tpu.memory_space<vmem>>, %arg9: memref<10240x128xf32, #tpu.memory_space<vmem_shared>>, %arg10: memref<!tpu.dma_semaphore, #tpu.memory_space<semaphore_mem>>, %arg11: memref<!tpu.dma_semaphore, #tpu.memory_space<semaphore_mem>>, %arg12: memref<!tpu.dma_semaphore, #tpu.memory_space<semaphore_mem>>, %arg13: memref<!tpu.dma_semaphore, #tpu.memory_space<semaphore_mem>>) attributes {dimension_semantics = [#tpu.dimension_semantics<core_parallel>, #tpu.dimension_semantics<subcore_parallel>], iteration_bounds = array<i64: 2, 16>, scalar_prefetch = 0 : i64, scratch_operands = 9 : i64, tpu.core_type = #tpu.core_type<sc_vector_subcore>, window_params = [{transform_indices = #map}, {transform_indices = #map}, {transform_indices = #map1}]} {
    %mul3A = arith.constant 2 : i32
    %mul3A_0 = arith.muli %arg1, %mul3A : i32
    %add3A = arith.addi %mul3A_0, %arg0 : i32
    %broadcast_in_dim3A = arith.constant 0.000000e+00 : f32
    %broadcast_in_dim3A_1 = vector.broadcast %broadcast_in_dim3A : f32 to vector<16xf32>
    %scan3A = arith.constant 0 : i32
    %scan3A_2 = arith.constant 0 : i32
    %scan3A_3 = arith.constant 1024 : i32
    %scan3A_4 = arith.addi %scan3A_2, %scan3A_3 : i32
    %scan3A_5 = arith.constant 1 : i32
    %scan3A_6 = scf.for %scan3A_108 = %scan3A_2 to %scan3A_4 step %scan3A_5 iter_args(%scan3A_109 = %scan3A) -> (i32)  : i32 {
      %jit3A = arith.constant 8 : i32
      %div3A = arith.divsi %scan3A_108, %jit3A : i32
      %sign3A = arith.constant 0 : i32
      %sign3A_110 = arith.cmpi sgt, %scan3A_108, %sign3A : i32
      %sign3A_111 = arith.extui %sign3A_110 : i1 to i32
      %sign3A_112 = arith.constant 0 : i32
      %sign3A_113 = arith.cmpi slt, %scan3A_108, %sign3A_112 : i32
      %sign3A_114 = arith.extui %sign3A_113 : i1 to i32
      %sign3A_115 = arith.subi %sign3A_111, %sign3A_114 : i32
      %sign3A_116 = arith.constant 0 : i32
      %sign3A_117 = arith.cmpi sgt, %jit3A, %sign3A_116 : i32
      %sign3A_118 = arith.extui %sign3A_117 : i1 to i32
      %sign3A_119 = arith.constant 0 : i32
      %sign3A_120 = arith.cmpi slt, %jit3A, %sign3A_119 : i32
      %sign3A_121 = arith.extui %sign3A_120 : i1 to i32
      %sign3A_122 = arith.subi %sign3A_118, %sign3A_121 : i32
      %ne3A = arith.cmpi ne, %sign3A_115, %sign3A_122 : i32
      %rem3A = arith.remsi %scan3A_108, %jit3A : i32
      %ne3A_123 = arith.constant 0 : i32
      %ne3A_124 = arith.cmpi ne, %rem3A, %ne3A_123 : i32
      %and3A = arith.andi %ne3A, %ne3A_124 : i1
      %sub3A = arith.constant 1 : i32
      %sub3A_125 = arith.subi %div3A, %sub3A : i32
      %select_n3A = arith.select %and3A, %sub3A_125, %div3A : i32
      %jit3A_126 = arith.constant 8 : i32
      %eq3A = arith.constant 0 : i32
      %eq3A_127 = arith.cmpi eq, %jit3A_126, %eq3A : i32
      %jit3A_128 = arith.constant 1 : i32
      %select_n3A_129 = arith.select %eq3A_127, %jit3A_128, %jit3A_126 : i32
      %rem3A_130 = arith.remsi %scan3A_108, %select_n3A_129 : i32
      %ne3A_131 = arith.constant 0 : i32
      %ne3A_132 = arith.cmpi ne, %rem3A_130, %ne3A_131 : i32
      %lt3A = arith.constant 0 : i32
      %lt3A_133 = arith.cmpi slt, %rem3A_130, %lt3A : i32
      %lt3A_134 = arith.constant 0 : i32
      %lt3A_135 = arith.cmpi slt, %select_n3A_129, %lt3A_134 : i32
      %ne3A_136 = arith.xori %lt3A_133, %lt3A_135 : i1
      %and3A_137 = arith.andi %ne3A_136, %ne3A_132 : i1
      %add3A_138 = arith.addi %rem3A_130, %select_n3A_129 : i32
      %select_n3A_139 = arith.select %and3A_137, %add3A_138, %rem3A_130 : i32
      %mul3A_140 = arith.constant 16 : i32
      %mul3A_141 = arith.muli %select_n3A_139, %mul3A_140 : i32
      %swap3A = arith.index_cast %select_n3A : i32 to index
      %swap3A_142 = arith.index_cast %mul3A_141 : i32 to index
      %swap3A_143 = tpu.vector_load %arg7[%swap3A, %swap3A_142] {strides = array<i32>} : memref<128x128xf32, #tpu.memory_space<vmem>>, vector<1x16xf32>,
      %swap3A_144 = vector.shape_cast %swap3A_143 : vector<1x16xf32> to vector<16xf32>
      %swap3A_145 = vector.shape_cast %broadcast_in_dim3A_1 : vector<16xf32> to vector<1x16xf32>
      tpu.vector_store %arg7[%swap3A, %swap3A_142], %swap3A_145 {strides = array<i32>} : memref<128x128xf32, #tpu.memory_space<vmem>>, vector<1x16xf32>,
      %scan3A_146 = arith.constant 0 : i32
      scf.yield %scan3A_146 : i32
    }
    %scan3A_7 = arith.constant 1024 : i32
    %scan3A_8 = arith.constant 0 : i32
    %scan3A_9 = arith.constant 0 : i32
    %scan3A_10 = arith.constant 5 : i32
    %scan3A_11 = arith.addi %scan3A_9, %scan3A_10 : i32
    %scan3A_12 = arith.constant 1 : i32
    %scan3A_13 = scf.for %scan3A_108 = %scan3A_9 to %scan3A_11 step %scan3A_12 iter_args(%scan3A_109 = %scan3A_8) -> (i32)  : i32 {
      %mul3A_110 = arith.constant 640 : i32
      %mul3A_111 = arith.muli %arg1, %mul3A_110 : i32
      %mul3A_112 = arith.constant 128 : i32
      %mul3A_113 = arith.muli %scan3A_108, %mul3A_112 : i32
      %add3A_114 = arith.addi %mul3A_111, %mul3A_113 : i32
      "tpu.region"() ({
        %run_scoped3A = tpu.sem_alloc : memref<!tpu.dma_semaphore, #tpu.memory_space<semaphore_mem>>
        %dma_start3A_116 = arith.constant 0 : i32
        %dma_start3A_117 = tpu.memref_slice %arg9[%add3A_114, %dma_start3A_116] : memref<10240x128xf32, #tpu.memory_space<vmem_shared>> -> memref<128x128xf32, #tpu.memory_space<vmem_shared>>
        %dma_start3A_118 = arith.constant 0 : i32
        %dma_start3A_119 = tpu.memref_slice %arg9[%add3A_114, %dma_start3A_118] : memref<10240x128xf32, #tpu.memory_space<vmem_shared>> -> memref<128x128xf32, #tpu.memory_space<vmem_shared>>
        tpu.enqueue_dma source(%arg7 : memref<128x128xf32, #tpu.memory_space<vmem>>) target(%dma_start3A_119 : memref<128x128xf32, #tpu.memory_space<vmem_shared>>) target_semaphore(%run_scoped3A : memref<!tpu.dma_semaphore, #tpu.memory_space<semaphore_mem>>)
        %dma_wait3A_120 = arith.constant 0 : i32
        %dma_wait3A_121 = tpu.memref_slice %arg9[%add3A_114, %dma_wait3A_120] : memref<10240x128xf32, #tpu.memory_space<vmem_shared>> -> memref<128x128xf32, #tpu.memory_space<vmem_shared>>
        %dma_wait3A_122 = arith.constant 0 : i32
        %dma_wait3A_123 = tpu.memref_slice %arg9[%add3A_114, %dma_wait3A_122] : memref<10240x128xf32, #tpu.memory_space<vmem_shared>> -> memref<128x128xf32, #tpu.memory_space<vmem_shared>>
        tpu.wait_dma2 semaphore(%run_scoped3A : memref<!tpu.dma_semaphore, #tpu.memory_space<semaphore_mem>>) src(%arg7 : memref<128x128xf32, #tpu.memory_space<vmem>>) dst(%dma_wait3A_123 : memref<128x128xf32, #tpu.memory_space<vmem_shared>>)
        tpu.yield
      }) : () -> ()
      %scan3A_115 = arith.constant 0 : i32
      scf.yield %scan3A_115 : i32
    }
    %scan3A_14 = arith.constant 5 : i32
    %barrier3A = arith.constant 0 : index
    tpu.barrier barrier_id(%barrier3A)
    %mul3A_15 = arith.constant 80 : i32
    %mul3A_16 = arith.muli %add3A, %mul3A_15 : i32
    %mul3A_17 = arith.constant 2 : i32
    %mul3A_18 = arith.muli %mul3A_16, %mul3A_17 : i32
    %add3A_19 = arith.constant 0 : i32
    %add3A_20 = arith.addi %mul3A_18, %add3A_19 : i32
    "tpu.region"() ({
      %run_scoped3A = tpu.sem_alloc : memref<!tpu.dma_semaphore, #tpu.memory_space<semaphore_mem>>
      %dma_start3A_108 = arith.constant 0 : i32
      %dma_start3A_109 = tpu.memref_slice %arg3[%add3A_20, %dma_start3A_108] : memref<5120x128xi32, #tpu.memory_space<hbm>> -> memref<8x128xi32, #tpu.memory_space<hbm>>
      %dma_start3A_110 = arith.constant 0 : i32
      %dma_start3A_111 = tpu.memref_slice %arg3[%add3A_20, %dma_start3A_110] : memref<5120x128xi32, #tpu.memory_space<hbm>> -> memref<8x128xi32, #tpu.memory_space<hbm>>
      tpu.enqueue_dma source(%dma_start3A_111 : memref<8x128xi32, #tpu.memory_space<hbm>>) target(%arg5 : memref<8x128xi32, #tpu.memory_space<vmem>>) target_semaphore(%run_scoped3A : memref<!tpu.dma_semaphore, #tpu.memory_space<semaphore_mem>>)
      %dma_wait3A_112 = arith.constant 0 : i32
      %dma_wait3A_113 = tpu.memref_slice %arg3[%add3A_20, %dma_wait3A_112] : memref<5120x128xi32, #tpu.memory_space<hbm>> -> memref<8x128xi32, #tpu.memory_space<hbm>>
      %dma_wait3A_114 = arith.constant 0 : i32
      %dma_wait3A_115 = tpu.memref_slice %arg3[%add3A_20, %dma_wait3A_114] : memref<5120x128xi32, #tpu.memory_space<hbm>> -> memref<8x128xi32, #tpu.memory_space<hbm>>
      tpu.wait_dma2 semaphore(%run_scoped3A : memref<!tpu.dma_semaphore, #tpu.memory_space<semaphore_mem>>) src(%dma_wait3A_115 : memref<8x128xi32, #tpu.memory_space<hbm>>) dst(%arg5 : memref<8x128xi32, #tpu.memory_space<vmem>>)
      tpu.yield
    }) : () -> ()
    %add3A_21 = arith.constant 8 : i32
    %add3A_22 = arith.addi %mul3A_18, %add3A_21 : i32
    %dma_start3A = arith.constant 0 : i32
    %dma_start3A_23 = tpu.memref_slice %arg3[%add3A_22, %dma_start3A] : memref<5120x128xi32, #tpu.memory_space<hbm>> -> memref<8x128xi32, #tpu.memory_space<hbm>>
    %dma_start3A_24 = arith.constant 0 : i32
    %dma_start3A_25 = tpu.memref_slice %arg3[%add3A_22, %dma_start3A_24] : memref<5120x128xi32, #tpu.memory_space<hbm>> -> memref<8x128xi32, #tpu.memory_space<hbm>>
    tpu.enqueue_dma source(%dma_start3A_25 : memref<8x128xi32, #tpu.memory_space<hbm>>) target(%arg6 : memref<8x128xi32, #tpu.memory_space<vmem>>) target_semaphore(%arg11 : memref<!tpu.dma_semaphore, #tpu.memory_space<semaphore_mem>>)
    %dma_start3A_26 = arith.constant 0 : i32
    %dma_start3A_27 = arith.constant 0 : i32
    %dma_start3A_28 = tpu.memref_slice %arg5[%dma_start3A_26, %dma_start3A_27] : memref<8x128xi32, #tpu.memory_space<vmem>> -> memref<1x128xi32, #tpu.memory_space<vmem>>
    %dma_start3A_29 = tpu.memref_squeeze %dma_start3A_28 : memref<1x128xi32, #tpu.memory_space<vmem>> -> memref<128xi32, #tpu.memory_space<vmem>>
    %dma_start3A_30 = arith.constant 0 : i32
    %dma_start3A_31 = arith.constant 0 : i32
    %dma_start3A_32 = tpu.memref_slice %arg2[%dma_start3A_30, %dma_start3A_31] : memref<10240x128xf32, #tpu.memory_space<hbm>> -> memref<10240x128xf32, #tpu.memory_space<hbm>>
    tpu.enqueue_indirect_dma source(%dma_start3A_32 : memref<10240x128xf32, #tpu.memory_space<hbm>>) target(%arg7 : memref<128x128xf32, #tpu.memory_space<vmem>>) offsets(%dma_start3A_29 : memref<128xi32, #tpu.memory_space<vmem>>) semaphore(%arg12 : memref<!tpu.dma_semaphore, #tpu.memory_space<semaphore_mem>>)
    %scan3A_33 = arith.constant 0 : i32
    %scan3A_34 = arith.constant 10 : i32
    %scan3A_35 = arith.addi %scan3A_33, %scan3A_34 : i32
    %scan3A_36 = arith.constant 1 : i32
    scf.for %scan3A_108 = %scan3A_33 to %scan3A_35 step %scan3A_36  : i32 {
      %mul3A_109 = arith.constant 2 : i32
      %mul3A_110 = arith.muli %scan3A_108, %mul3A_109 : i32
      %add3A_111 = arith.constant 0 : i32
      %add3A_112 = arith.addi %add3A_111, %mul3A_110 : i32
      %dma_start3A_113 = arith.constant 2 : i32
      %dma_start3A_114 = arith.constant 0 : i32
      %dma_start3A_115 = tpu.memref_slice %arg5[%dma_start3A_113, %dma_start3A_114] : memref<8x128xi32, #tpu.memory_space<vmem>> -> memref<1x128xi32, #tpu.memory_space<vmem>>
      %dma_start3A_116 = tpu.memref_squeeze %dma_start3A_115 : memref<1x128xi32, #tpu.memory_space<vmem>> -> memref<128xi32, #tpu.memory_space<vmem>>
      %dma_start3A_117 = arith.constant 0 : i32
      %dma_start3A_118 = arith.constant 0 : i32
      %dma_start3A_119 = tpu.memref_slice %arg2[%dma_start3A_117, %dma_start3A_118] : memref<10240x128xf32, #tpu.memory_space<hbm>> -> memref<10240x128xf32, #tpu.memory_space<hbm>>
      tpu.enqueue_indirect_dma source(%dma_start3A_119 : memref<10240x128xf32, #tpu.memory_space<hbm>>) target(%arg8 : memref<128x128xf32, #tpu.memory_space<vmem>>) offsets(%dma_start3A_116 : memref<128xi32, #tpu.memory_space<vmem>>) semaphore(%arg13 : memref<!tpu.dma_semaphore, #tpu.memory_space<semaphore_mem>>)
      %dma_wait3A_120 = arith.constant 0 : i32
      %dma_wait3A_121 = arith.constant 0 : i32
      %dma_wait3A_122 = tpu.memref_slice %arg5[%dma_wait3A_120, %dma_wait3A_121] : memref<8x128xi32, #tpu.memory_space<vmem>> -> memref<1x128xi32, #tpu.memory_space<vmem>>
      %dma_wait3A_123 = tpu.memref_squeeze %dma_wait3A_122 : memref<1x128xi32, #tpu.memory_space<vmem>> -> memref<128xi32, #tpu.memory_space<vmem>>
      %dma_wait3A_124 = arith.constant 0 : i32
      %dma_wait3A_125 = arith.constant 0 : i32
      %dma_wait3A_126 = tpu.memref_slice %arg2[%dma_wait3A_124, %dma_wait3A_125] : memref<10240x128xf32, #tpu.memory_space<hbm>> -> memref<10240x128xf32, #tpu.memory_space<hbm>>
      tpu.wait_indirect_dma semaphore(%arg12 : memref<!tpu.dma_semaphore, #tpu.memory_space<semaphore_mem>>) src(%dma_wait3A_126 : memref<10240x128xf32, #tpu.memory_space<hbm>>) dst(%arg7 : memref<128x128xf32, #tpu.memory_space<vmem>>)
      %run_scoped3A = arith.constant 1 : i32
      "tpu.region"() ({
        %run_scoped3A_245 = tpu.sem_alloc : memref<!tpu.dma_semaphore, #tpu.memory_space<semaphore_mem>>
        %dma_start3A_246 = arith.constant 0 : i32
        %dma_start3A_247 = tpu.memref_slice %arg5[%run_scoped3A, %dma_start3A_246] : memref<8x128xi32, #tpu.memory_space<vmem>> -> memref<1x128xi32, #tpu.memory_space<vmem>>
        %dma_start3A_248 = tpu.memref_squeeze %dma_start3A_247 : memref<1x128xi32, #tpu.memory_space<vmem>> -> memref<128xi32, #tpu.memory_space<vmem>>
        %dma_start3A_249 = arith.constant 0 : i32
        %dma_start3A_250 = arith.constant 0 : i32
        %dma_start3A_251 = tpu.memref_slice %arg9[%dma_start3A_249, %dma_start3A_250] : memref<10240x128xf32, #tpu.memory_space<vmem_shared>> -> memref<10240x128xf32, #tpu.memory_space<vmem_shared>>
        tpu.enqueue_indirect_dma source(%arg7 : memref<128x128xf32, #tpu.memory_space<vmem>>) target(%dma_start3A_251 : memref<10240x128xf32, #tpu.memory_space<vmem_shared>>) offsets(%dma_start3A_248 : memref<128xi32, #tpu.memory_space<vmem>>) semaphore(%run_scoped3A_245 : memref<!tpu.dma_semaphore, #tpu.memory_space<semaphore_mem>>) {add = true}
        %dma_wait3A_252 = arith.constant 0 : i32
        %dma_wait3A_253 = tpu.memref_slice %arg5[%run_scoped3A, %dma_wait3A_252] : memref<8x128xi32, #tpu.memory_space<vmem>> -> memref<1x128xi32, #tpu.memory_space<vmem>>
        %dma_wait3A_254 = tpu.memref_squeeze %dma_wait3A_253 : memref<1x128xi32, #tpu.memory_space<vmem>> -> memref<128xi32, #tpu.memory_space<vmem>>
        %dma_wait3A_255 = arith.constant 0 : i32
        %dma_wait3A_256 = arith.constant 0 : i32
        %dma_wait3A_257 = tpu.memref_slice %arg9[%dma_wait3A_255, %dma_wait3A_256] : memref<10240x128xf32, #tpu.memory_space<vmem_shared>> -> memref<10240x128xf32, #tpu.memory_space<vmem_shared>>
        tpu.wait_indirect_dma semaphore(%run_scoped3A_245 : memref<!tpu.dma_semaphore, #tpu.memory_space<semaphore_mem>>) src(%arg7 : memref<128x128xf32, #tpu.memory_space<vmem>>) dst(%dma_wait3A_257 : memref<10240x128xf32, #tpu.memory_space<vmem_shared>>)
        tpu.yield
      }) : () -> ()
      %dma_start3A_127 = arith.constant 4 : i32
      %dma_start3A_128 = arith.constant 0 : i32
      %dma_start3A_129 = tpu.memref_slice %arg5[%dma_start3A_127, %dma_start3A_128] : memref<8x128xi32, #tpu.memory_space<vmem>> -> memref<1x128xi32, #tpu.memory_space<vmem>>
      %dma_start3A_130 = tpu.memref_squeeze %dma_start3A_129 : memref<1x128xi32, #tpu.memory_space<vmem>> -> memref<128xi32, #tpu.memory_space<vmem>>
      %dma_start3A_131 = arith.constant 0 : i32
      %dma_start3A_132 = arith.constant 0 : i32
      %dma_start3A_133 = tpu.memref_slice %arg2[%dma_start3A_131, %dma_start3A_132] : memref<10240x128xf32, #tpu.memory_space<hbm>> -> memref<10240x128xf32, #tpu.memory_space<hbm>>
      tpu.enqueue_indirect_dma source(%dma_start3A_133 : memref<10240x128xf32, #tpu.memory_space<hbm>>) target(%arg7 : memref<128x128xf32, #tpu.memory_space<vmem>>) offsets(%dma_start3A_130 : memref<128xi32, #tpu.memory_space<vmem>>) semaphore(%arg12 : memref<!tpu.dma_semaphore, #tpu.memory_space<semaphore_mem>>)
      %dma_wait3A_134 = arith.constant 2 : i32
      %dma_wait3A_135 = arith.constant 0 : i32
      %dma_wait3A_136 = tpu.memref_slice %arg5[%dma_wait3A_134, %dma_wait3A_135] : memref<8x128xi32, #tpu.memory_space<vmem>> -> memref<1x128xi32, #tpu.memory_space<vmem>>
      %dma_wait3A_137 = tpu.memref_squeeze %dma_wait3A_136 : memref<1x128xi32, #tpu.memory_space<vmem>> -> memref<128xi32, #tpu.memory_space<vmem>>
      %dma_wait3A_138 = arith.constant 0 : i32
      %dma_wait3A_139 = arith.constant 0 : i32
      %dma_wait3A_140 = tpu.memref_slice %arg2[%dma_wait3A_138, %dma_wait3A_139] : memref<10240x128xf32, #tpu.memory_space<hbm>> -> memref<10240x128xf32, #tpu.memory_space<hbm>>
      tpu.wait_indirect_dma semaphore(%arg13 : memref<!tpu.dma_semaphore, #tpu.memory_space<semaphore_mem>>) src(%dma_wait3A_140 : memref<10240x128xf32, #tpu.memory_space<hbm>>) dst(%arg8 : memref<128x128xf32, #tpu.memory_space<vmem>>)
      %run_scoped3A_141 = arith.constant 3 : i32
      "tpu.region"() ({
        %run_scoped3A_245 = tpu.sem_alloc : memref<!tpu.dma_semaphore, #tpu.memory_space<semaphore_mem>>
        %dma_start3A_246 = arith.constant 0 : i32
        %dma_start3A_247 = tpu.memref_slice %arg5[%run_scoped3A_141, %dma_start3A_246] : memref<8x128xi32, #tpu.memory_space<vmem>> -> memref<1x128xi32, #tpu.memory_space<vmem>>
        %dma_start3A_248 = tpu.memref_squeeze %dma_start3A_247 : memref<1x128xi32, #tpu.memory_space<vmem>> -> memref<128xi32, #tpu.memory_space<vmem>>
        %dma_start3A_249 = arith.constant 0 : i32
        %dma_start3A_250 = arith.constant 0 : i32
        %dma_start3A_251 = tpu.memref_slice %arg9[%dma_start3A_249, %dma_start3A_250] : memref<10240x128xf32, #tpu.memory_space<vmem_shared>> -> memref<10240x128xf32, #tpu.memory_space<vmem_shared>>
        tpu.enqueue_indirect_dma source(%arg8 : memref<128x128xf32, #tpu.memory_space<vmem>>) target(%dma_start3A_251 : memref<10240x128xf32, #tpu.memory_space<vmem_shared>>) offsets(%dma_start3A_248 : memref<128xi32, #tpu.memory_space<vmem>>) semaphore(%run_scoped3A_245 : memref<!tpu.dma_semaphore, #tpu.memory_space<semaphore_mem>>) {add = true}
        %dma_wait3A_252 = arith.constant 0 : i32
        %dma_wait3A_253 = tpu.memref_slice %arg5[%run_scoped3A_141, %dma_wait3A_252] : memref<8x128xi32, #tpu.memory_space<vmem>> -> memref<1x128xi32, #tpu.memory_space<vmem>>
        %dma_wait3A_254 = tpu.memref_squeeze %dma_wait3A_253 : memref<1x128xi32, #tpu.memory_space<vmem>> -> memref<128xi32, #tpu.memory_space<vmem>>
        %dma_wait3A_255 = arith.constant 0 : i32
        %dma_wait3A_256 = arith.constant 0 : i32
        %dma_wait3A_257 = tpu.memref_slice %arg9[%dma_wait3A_255, %dma_wait3A_256] : memref<10240x128xf32, #tpu.memory_space<vmem_shared>> -> memref<10240x128xf32, #tpu.memory_space<vmem_shared>>
        tpu.wait_indirect_dma semaphore(%run_scoped3A_245 : memref<!tpu.dma_semaphore, #tpu.memory_space<semaphore_mem>>) src(%arg8 : memref<128x128xf32, #tpu.memory_space<vmem>>) dst(%dma_wait3A_257 : memref<10240x128xf32, #tpu.memory_space<vmem_shared>>)
        tpu.yield
      }) : () -> ()
      %dma_start3A_142 = arith.constant 6 : i32
      %dma_start3A_143 = arith.constant 0 : i32
      %dma_start3A_144 = tpu.memref_slice %arg5[%dma_start3A_142, %dma_start3A_143] : memref<8x128xi32, #tpu.memory_space<vmem>> -> memref<1x128xi32, #tpu.memory_space<vmem>>
      %dma_start3A_145 = tpu.memref_squeeze %dma_start3A_144 : memref<1x128xi32, #tpu.memory_space<vmem>> -> memref<128xi32, #tpu.memory_space<vmem>>
      %dma_start3A_146 = arith.constant 0 : i32
      %dma_start3A_147 = arith.constant 0 : i32
      %dma_start3A_148 = tpu.memref_slice %arg2[%dma_start3A_146, %dma_start3A_147] : memref<10240x128xf32, #tpu.memory_space<hbm>> -> memref<10240x128xf32, #tpu.memory_space<hbm>>
      tpu.enqueue_indirect_dma source(%dma_start3A_148 : memref<10240x128xf32, #tpu.memory_space<hbm>>) target(%arg8 : memref<128x128xf32, #tpu.memory_space<vmem>>) offsets(%dma_start3A_145 : memref<128xi32, #tpu.memory_space<vmem>>) semaphore(%arg13 : memref<!tpu.dma_semaphore, #tpu.memory_space<semaphore_mem>>)
      %dma_wait3A_149 = arith.constant 4 : i32
      %dma_wait3A_150 = arith.constant 0 : i32
      %dma_wait3A_151 = tpu.memref_slice %arg5[%dma_wait3A_149, %dma_wait3A_150] : memref<8x128xi32, #tpu.memory_space<vmem>> -> memref<1x128xi32, #tpu.memory_space<vmem>>
      %dma_wait3A_152 = tpu.memref_squeeze %dma_wait3A_151 : memref<1x128xi32, #tpu.memory_space<vmem>> -> memref<128xi32, #tpu.memory_space<vmem>>
      %dma_wait3A_153 = arith.constant 0 : i32
      %dma_wait3A_154 = arith.constant 0 : i32
      %dma_wait3A_155 = tpu.memref_slice %arg2[%dma_wait3A_153, %dma_wait3A_154] : memref<10240x128xf32, #tpu.memory_space<hbm>> -> memref<10240x128xf32, #tpu.memory_space<hbm>>
      tpu.wait_indirect_dma semaphore(%arg12 : memref<!tpu.dma_semaphore, #tpu.memory_space<semaphore_mem>>) src(%dma_wait3A_155 : memref<10240x128xf32, #tpu.memory_space<hbm>>) dst(%arg7 : memref<128x128xf32, #tpu.memory_space<vmem>>)
      %run_scoped3A_156 = arith.constant 5 : i32
      "tpu.region"() ({
        %run_scoped3A_245 = tpu.sem_alloc : memref<!tpu.dma_semaphore, #tpu.memory_space<semaphore_mem>>
        %dma_start3A_246 = arith.constant 0 : i32
        %dma_start3A_247 = tpu.memref_slice %arg5[%run_scoped3A_156, %dma_start3A_246] : memref<8x128xi32, #tpu.memory_space<vmem>> -> memref<1x128xi32, #tpu.memory_space<vmem>>
        %dma_start3A_248 = tpu.memref_squeeze %dma_start3A_247 : memref<1x128xi32, #tpu.memory_space<vmem>> -> memref<128xi32, #tpu.memory_space<vmem>>
        %dma_start3A_249 = arith.constant 0 : i32
        %dma_start3A_250 = arith.constant 0 : i32
        %dma_start3A_251 = tpu.memref_slice %arg9[%dma_start3A_249, %dma_start3A_250] : memref<10240x128xf32, #tpu.memory_space<vmem_shared>> -> memref<10240x128xf32, #tpu.memory_space<vmem_shared>>
        tpu.enqueue_indirect_dma source(%arg7 : memref<128x128xf32, #tpu.memory_space<vmem>>) target(%dma_start3A_251 : memref<10240x128xf32, #tpu.memory_space<vmem_shared>>) offsets(%dma_start3A_248 : memref<128xi32, #tpu.memory_space<vmem>>) semaphore(%run_scoped3A_245 : memref<!tpu.dma_semaphore, #tpu.memory_space<semaphore_mem>>) {add = true}
        %dma_wait3A_252 = arith.constant 0 : i32
        %dma_wait3A_253 = tpu.memref_slice %arg5[%run_scoped3A_156, %dma_wait3A_252] : memref<8x128xi32, #tpu.memory_space<vmem>> -> memref<1x128xi32, #tpu.memory_space<vmem>>
        %dma_wait3A_254 = tpu.memref_squeeze %dma_wait3A_253 : memref<1x128xi32, #tpu.memory_space<vmem>> -> memref<128xi32, #tpu.memory_space<vmem>>
        %dma_wait3A_255 = arith.constant 0 : i32
        %dma_wait3A_256 = arith.constant 0 : i32
        %dma_wait3A_257 = tpu.memref_slice %arg9[%dma_wait3A_255, %dma_wait3A_256] : memref<10240x128xf32, #tpu.memory_space<vmem_shared>> -> memref<10240x128xf32, #tpu.memory_space<vmem_shared>>
        tpu.wait_indirect_dma semaphore(%run_scoped3A_245 : memref<!tpu.dma_semaphore, #tpu.memory_space<semaphore_mem>>) src(%arg7 : memref<128x128xf32, #tpu.memory_space<vmem>>) dst(%dma_wait3A_257 : memref<10240x128xf32, #tpu.memory_space<vmem_shared>>)
        tpu.yield
      }) : () -> ()
      %add3A_157 = arith.constant 1 : i32
      %add3A_158 = arith.addi %add3A_112, %add3A_157 : i32
      %lt3A = arith.constant 20 : i32
      %lt3A_159 = arith.cmpi slt, %add3A_158, %lt3A : i32
      %convert_element_type3A = arith.extui %lt3A_159 : i1 to i32
      %cond3A = arith.constant 0 : i32
      %cond3A_160 = arith.cmpi ne, %convert_element_type3A, %cond3A : i32
      scf.if %cond3A_160 {
        %add3A_245 = arith.constant 1 : i32
        %add3A_246 = arith.addi %add3A_112, %add3A_245 : i32
        %mul3A_247 = arith.constant 2 : i32
        %mul3A_248 = arith.muli %add3A_246, %mul3A_247 : i32
        %mul3A_249 = arith.constant 4 : i32
        %mul3A_250 = arith.muli %mul3A_248, %mul3A_249 : i32
        %add3A_251 = arith.addi %mul3A_18, %mul3A_250 : i32
        %dma_wait3A_252 = arith.constant 0 : i32
        %dma_wait3A_253 = tpu.memref_slice %arg3[%add3A_251, %dma_wait3A_252] : memref<5120x128xi32, #tpu.memory_space<hbm>> -> memref<8x128xi32, #tpu.memory_space<hbm>>
        %dma_wait3A_254 = arith.constant 0 : i32
        %dma_wait3A_255 = tpu.memref_slice %arg3[%add3A_251, %dma_wait3A_254] : memref<5120x128xi32, #tpu.memory_space<hbm>> -> memref<8x128xi32, #tpu.memory_space<hbm>>
        tpu.wait_dma2 semaphore(%arg11 : memref<!tpu.dma_semaphore, #tpu.memory_space<semaphore_mem>>) src(%dma_wait3A_255 : memref<8x128xi32, #tpu.memory_space<hbm>>) dst(%arg6 : memref<8x128xi32, #tpu.memory_space<vmem>>)
        %dma_start3A_256 = arith.constant 0 : i32
        %dma_start3A_257 = arith.constant 0 : i32
        %dma_start3A_258 = tpu.memref_slice %arg6[%dma_start3A_256, %dma_start3A_257] : memref<8x128xi32, #tpu.memory_space<vmem>> -> memref<1x128xi32, #tpu.memory_space<vmem>>
        %dma_start3A_259 = tpu.memref_squeeze %dma_start3A_258 : memref<1x128xi32, #tpu.memory_space<vmem>> -> memref<128xi32, #tpu.memory_space<vmem>>
        %dma_start3A_260 = arith.constant 0 : i32
        %dma_start3A_261 = arith.constant 0 : i32
        %dma_start3A_262 = tpu.memref_slice %arg2[%dma_start3A_260, %dma_start3A_261] : memref<10240x128xf32, #tpu.memory_space<hbm>> -> memref<10240x128xf32, #tpu.memory_space<hbm>>
        tpu.enqueue_indirect_dma source(%dma_start3A_262 : memref<10240x128xf32, #tpu.memory_space<hbm>>) target(%arg7 : memref<128x128xf32, #tpu.memory_space<vmem>>) offsets(%dma_start3A_259 : memref<128xi32, #tpu.memory_space<vmem>>) semaphore(%arg12 : memref<!tpu.dma_semaphore, #tpu.memory_space<semaphore_mem>>)
      } else {
      }
      %dma_wait3A_161 = arith.constant 6 : i32
      %dma_wait3A_162 = arith.constant 0 : i32
      %dma_wait3A_163 = tpu.memref_slice %arg5[%dma_wait3A_161, %dma_wait3A_162] : memref<8x128xi32, #tpu.memory_space<vmem>> -> memref<1x128xi32, #tpu.memory_space<vmem>>
      %dma_wait3A_164 = tpu.memref_squeeze %dma_wait3A_163 : memref<1x128xi32, #tpu.memory_space<vmem>> -> memref<128xi32, #tpu.memory_space<vmem>>
      %dma_wait3A_165 = arith.constant 0 : i32
      %dma_wait3A_166 = arith.constant 0 : i32
      %dma_wait3A_167 = tpu.memref_slice %arg2[%dma_wait3A_165, %dma_wait3A_166] : memref<10240x128xf32, #tpu.memory_space<hbm>> -> memref<10240x128xf32, #tpu.memory_space<hbm>>
      tpu.wait_indirect_dma semaphore(%arg13 : memref<!tpu.dma_semaphore, #tpu.memory_space<semaphore_mem>>) src(%dma_wait3A_167 : memref<10240x128xf32, #tpu.memory_space<hbm>>) dst(%arg8 : memref<128x128xf32, #tpu.memory_space<vmem>>)
      %run_scoped3A_168 = arith.constant 7 : i32
      "tpu.region"() ({
        %run_scoped3A_245 = tpu.sem_alloc : memref<!tpu.dma_semaphore, #tpu.memory_space<semaphore_mem>>
        %dma_start3A_246 = arith.constant 0 : i32
        %dma_start3A_247 = tpu.memref_slice %arg5[%run_scoped3A_168, %dma_start3A_246] : memref<8x128xi32, #tpu.memory_space<vmem>> -> memref<1x128xi32, #tpu.memory_space<vmem>>
        %dma_start3A_248 = tpu.memref_squeeze %dma_start3A_247 : memref<1x128xi32, #tpu.memory_space<vmem>> -> memref<128xi32, #tpu.memory_space<vmem>>
        %dma_start3A_249 = arith.constant 0 : i32
        %dma_start3A_250 = arith.constant 0 : i32
        %dma_start3A_251 = tpu.memref_slice %arg9[%dma_start3A_249, %dma_start3A_250] : memref<10240x128xf32, #tpu.memory_space<vmem_shared>> -> memref<10240x128xf32, #tpu.memory_space<vmem_shared>>
        tpu.enqueue_indirect_dma source(%arg8 : memref<128x128xf32, #tpu.memory_space<vmem>>) target(%dma_start3A_251 : memref<10240x128xf32, #tpu.memory_space<vmem_shared>>) offsets(%dma_start3A_248 : memref<128xi32, #tpu.memory_space<vmem>>) semaphore(%run_scoped3A_245 : memref<!tpu.dma_semaphore, #tpu.memory_space<semaphore_mem>>) {add = true}
        %dma_wait3A_252 = arith.constant 0 : i32
        %dma_wait3A_253 = tpu.memref_slice %arg5[%run_scoped3A_168, %dma_wait3A_252] : memref<8x128xi32, #tpu.memory_space<vmem>> -> memref<1x128xi32, #tpu.memory_space<vmem>>
        %dma_wait3A_254 = tpu.memref_squeeze %dma_wait3A_253 : memref<1x128xi32, #tpu.memory_space<vmem>> -> memref<128xi32, #tpu.memory_space<vmem>>
        %dma_wait3A_255 = arith.constant 0 : i32
        %dma_wait3A_256 = arith.constant 0 : i32
        %dma_wait3A_257 = tpu.memref_slice %arg9[%dma_wait3A_255, %dma_wait3A_256] : memref<10240x128xf32, #tpu.memory_space<vmem_shared>> -> memref<10240x128xf32, #tpu.memory_space<vmem_shared>>
        tpu.wait_indirect_dma semaphore(%run_scoped3A_245 : memref<!tpu.dma_semaphore, #tpu.memory_space<semaphore_mem>>) src(%arg8 : memref<128x128xf32, #tpu.memory_space<vmem>>) dst(%dma_wait3A_257 : memref<10240x128xf32, #tpu.memory_space<vmem_shared>>)
        tpu.yield
      }) : () -> ()
      %add3A_169 = arith.constant 2 : i32
      %add3A_170 = arith.addi %add3A_112, %add3A_169 : i32
      %lt3A_171 = arith.constant 20 : i32
      %lt3A_172 = arith.cmpi slt, %add3A_170, %lt3A_171 : i32
      %convert_element_type3A_173 = arith.extui %lt3A_172 : i1 to i32
      %cond3A_174 = arith.constant 0 : i32
      %cond3A_175 = arith.cmpi ne, %convert_element_type3A_173, %cond3A_174 : i32
      scf.if %cond3A_175 {
        %add3A_245 = arith.constant 2 : i32
        %add3A_246 = arith.addi %add3A_112, %add3A_245 : i32
        %mul3A_247 = arith.constant 2 : i32
        %mul3A_248 = arith.muli %add3A_246, %mul3A_247 : i32
        %mul3A_249 = arith.constant 4 : i32
        %mul3A_250 = arith.muli %mul3A_248, %mul3A_249 : i32
        %add3A_251 = arith.addi %mul3A_18, %mul3A_250 : i32
        %dma_start3A_252 = arith.constant 0 : i32
        %dma_start3A_253 = tpu.memref_slice %arg3[%add3A_251, %dma_start3A_252] : memref<5120x128xi32, #tpu.memory_space<hbm>> -> memref<8x128xi32, #tpu.memory_space<hbm>>
        %dma_start3A_254 = arith.constant 0 : i32
        %dma_start3A_255 = tpu.memref_slice %arg3[%add3A_251, %dma_start3A_254] : memref<5120x128xi32, #tpu.memory_space<hbm>> -> memref<8x128xi32, #tpu.memory_space<hbm>>
        tpu.enqueue_dma source(%dma_start3A_255 : memref<8x128xi32, #tpu.memory_space<hbm>>) target(%arg5 : memref<8x128xi32, #tpu.memory_space<vmem>>) target_semaphore(%arg10 : memref<!tpu.dma_semaphore, #tpu.memory_space<semaphore_mem>>)
      } else {
      }
      %add3A_176 = arith.constant 1 : i32
      %add3A_177 = arith.addi %add3A_112, %add3A_176 : i32
      %dma_start3A_178 = arith.constant 2 : i32
      %dma_start3A_179 = arith.constant 0 : i32
      %dma_start3A_180 = tpu.memref_slice %arg6[%dma_start3A_178, %dma_start3A_179] : memref<8x128xi32, #tpu.memory_space<vmem>> -> memref<1x128xi32, #tpu.memory_space<vmem>>
      %dma_start3A_181 = tpu.memref_squeeze %dma_start3A_180 : memref<1x128xi32, #tpu.memory_space<vmem>> -> memref<128xi32, #tpu.memory_space<vmem>>
      %dma_start3A_182 = arith.constant 0 : i32
      %dma_start3A_183 = arith.constant 0 : i32
      %dma_start3A_184 = tpu.memref_slice %arg2[%dma_start3A_182, %dma_start3A_183] : memref<10240x128xf32, #tpu.memory_space<hbm>> -> memref<10240x128xf32, #tpu.memory_space<hbm>>
      tpu.enqueue_indirect_dma source(%dma_start3A_184 : memref<10240x128xf32, #tpu.memory_space<hbm>>) target(%arg8 : memref<128x128xf32, #tpu.memory_space<vmem>>) offsets(%dma_start3A_181 : memref<128xi32, #tpu.memory_space<vmem>>) semaphore(%arg13 : memref<!tpu.dma_semaphore, #tpu.memory_space<semaphore_mem>>)
      %dma_wait3A_185 = arith.constant 0 : i32
      %dma_wait3A_186 = arith.constant 0 : i32
      %dma_wait3A_187 = tpu.memref_slice %arg6[%dma_wait3A_185, %dma_wait3A_186] : memref<8x128xi32, #tpu.memory_space<vmem>> -> memref<1x128xi32, #tpu.memory_space<vmem>>
      %dma_wait3A_188 = tpu.memref_squeeze %dma_wait3A_187 : memref<1x128xi32, #tpu.memory_space<vmem>> -> memref<128xi32, #tpu.memory_space<vmem>>
      %dma_wait3A_189 = arith.constant 0 : i32
      %dma_wait3A_190 = arith.constant 0 : i32
      %dma_wait3A_191 = tpu.memref_slice %arg2[%dma_wait3A_189, %dma_wait3A_190] : memref<10240x128xf32, #tpu.memory_space<hbm>> -> memref<10240x128xf32, #tpu.memory_space<hbm>>
      tpu.wait_indirect_dma semaphore(%arg12 : memref<!tpu.dma_semaphore, #tpu.memory_space<semaphore_mem>>) src(%dma_wait3A_191 : memref<10240x128xf32, #tpu.memory_space<hbm>>) dst(%arg7 : memref<128x128xf32, #tpu.memory_space<vmem>>)
      %run_scoped3A_192 = arith.constant 1 : i32
      "tpu.region"() ({
        %run_scoped3A_245 = tpu.sem_alloc : memref<!tpu.dma_semaphore, #tpu.memory_space<semaphore_mem>>
        %dma_start3A_246 = arith.constant 0 : i32
        %dma_start3A_247 = tpu.memref_slice %arg6[%run_scoped3A_192, %dma_start3A_246] : memref<8x128xi32, #tpu.memory_space<vmem>> -> memref<1x128xi32, #tpu.memory_space<vmem>>
        %dma_start3A_248 = tpu.memref_squeeze %dma_start3A_247 : memref<1x128xi32, #tpu.memory_space<vmem>> -> memref<128xi32, #tpu.memory_space<vmem>>
        %dma_start3A_249 = arith.constant 0 : i32
        %dma_start3A_250 = arith.constant 0 : i32
        %dma_start3A_251 = tpu.memref_slice %arg9[%dma_start3A_249, %dma_start3A_250] : memref<10240x128xf32, #tpu.memory_space<vmem_shared>> -> memref<10240x128xf32, #tpu.memory_space<vmem_shared>>
        tpu.enqueue_indirect_dma source(%arg7 : memref<128x128xf32, #tpu.memory_space<vmem>>) target(%dma_start3A_251 : memref<10240x128xf32, #tpu.memory_space<vmem_shared>>) offsets(%dma_start3A_248 : memref<128xi32, #tpu.memory_space<vmem>>) semaphore(%run_scoped3A_245 : memref<!tpu.dma_semaphore, #tpu.memory_space<semaphore_mem>>) {add = true}
        %dma_wait3A_252 = arith.constant 0 : i32
        %dma_wait3A_253 = tpu.memref_slice %arg6[%run_scoped3A_192, %dma_wait3A_252] : memref<8x128xi32, #tpu.memory_space<vmem>> -> memref<1x128xi32, #tpu.memory_space<vmem>>
        %dma_wait3A_254 = tpu.memref_squeeze %dma_wait3A_253 : memref<1x128xi32, #tpu.memory_space<vmem>> -> memref<128xi32, #tpu.memory_space<vmem>>
        %dma_wait3A_255 = arith.constant 0 : i32
        %dma_wait3A_256 = arith.constant 0 : i32
        %dma_wait3A_257 = tpu.memref_slice %arg9[%dma_wait3A_255, %dma_wait3A_256] : memref<10240x128xf32, #tpu.memory_space<vmem_shared>> -> memref<10240x128xf32, #tpu.memory_space<vmem_shared>>
        tpu.wait_indirect_dma semaphore(%run_scoped3A_245 : memref<!tpu.dma_semaphore, #tpu.memory_space<semaphore_mem>>) src(%arg7 : memref<128x128xf32, #tpu.memory_space<vmem>>) dst(%dma_wait3A_257 : memref<10240x128xf32, #tpu.memory_space<vmem_shared>>)
        tpu.yield
      }) : () -> ()
      %dma_start3A_193 = arith.constant 4 : i32
      %dma_start3A_194 = arith.constant 0 : i32
      %dma_start3A_195 = tpu.memref_slice %arg6[%dma_start3A_193, %dma_start3A_194] : memref<8x128xi32, #tpu.memory_space<vmem>> -> memref<1x128xi32, #tpu.memory_space<vmem>>
      %dma_start3A_196 = tpu.memref_squeeze %dma_start3A_195 : memref<1x128xi32, #tpu.memory_space<vmem>> -> memref<128xi32, #tpu.memory_space<vmem>>
      %dma_start3A_197 = arith.constant 0 : i32
      %dma_start3A_198 = arith.constant 0 : i32
      %dma_start3A_199 = tpu.memref_slice %arg2[%dma_start3A_197, %dma_start3A_198] : memref<10240x128xf32, #tpu.memory_space<hbm>> -> memref<10240x128xf32, #tpu.memory_space<hbm>>
      tpu.enqueue_indirect_dma source(%dma_start3A_199 : memref<10240x128xf32, #tpu.memory_space<hbm>>) target(%arg7 : memref<128x128xf32, #tpu.memory_space<vmem>>) offsets(%dma_start3A_196 : memref<128xi32, #tpu.memory_space<vmem>>) semaphore(%arg12 : memref<!tpu.dma_semaphore, #tpu.memory_space<semaphore_mem>>)
      %dma_wait3A_200 = arith.constant 2 : i32
      %dma_wait3A_201 = arith.constant 0 : i32
      %dma_wait3A_202 = tpu.memref_slice %arg6[%dma_wait3A_200, %dma_wait3A_201] : memref<8x128xi32, #tpu.memory_space<vmem>> -> memref<1x128xi32, #tpu.memory_space<vmem>>
      %dma_wait3A_203 = tpu.memref_squeeze %dma_wait3A_202 : memref<1x128xi32, #tpu.memory_space<vmem>> -> memref<128xi32, #tpu.memory_space<vmem>>
      %dma_wait3A_204 = arith.constant 0 : i32
      %dma_wait3A_205 = arith.constant 0 : i32
      %dma_wait3A_206 = tpu.memref_slice %arg2[%dma_wait3A_204, %dma_wait3A_205] : memref<10240x128xf32, #tpu.memory_space<hbm>> -> memref<10240x128xf32, #tpu.memory_space<hbm>>
      tpu.wait_indirect_dma semaphore(%arg13 : memref<!tpu.dma_semaphore, #tpu.memory_space<semaphore_mem>>) src(%dma_wait3A_206 : memref<10240x128xf32, #tpu.memory_space<hbm>>) dst(%arg8 : memref<128x128xf32, #tpu.memory_space<vmem>>)
      %run_scoped3A_207 = arith.constant 3 : i32
      "tpu.region"() ({
        %run_scoped3A_245 = tpu.sem_alloc : memref<!tpu.dma_semaphore, #tpu.memory_space<semaphore_mem>>
        %dma_start3A_246 = arith.constant 0 : i32
        %dma_start3A_247 = tpu.memref_slice %arg6[%run_scoped3A_207, %dma_start3A_246] : memref<8x128xi32, #tpu.memory_space<vmem>> -> memref<1x128xi32, #tpu.memory_space<vmem>>
        %dma_start3A_248 = tpu.memref_squeeze %dma_start3A_247 : memref<1x128xi32, #tpu.memory_space<vmem>> -> memref<128xi32, #tpu.memory_space<vmem>>
        %dma_start3A_249 = arith.constant 0 : i32
        %dma_start3A_250 = arith.constant 0 : i32
        %dma_start3A_251 = tpu.memref_slice %arg9[%dma_start3A_249, %dma_start3A_250] : memref<10240x128xf32, #tpu.memory_space<vmem_shared>> -> memref<10240x128xf32, #tpu.memory_space<vmem_shared>>
        tpu.enqueue_indirect_dma source(%arg8 : memref<128x128xf32, #tpu.memory_space<vmem>>) target(%dma_start3A_251 : memref<10240x128xf32, #tpu.memory_space<vmem_shared>>) offsets(%dma_start3A_248 : memref<128xi32, #tpu.memory_space<vmem>>) semaphore(%run_scoped3A_245 : memref<!tpu.dma_semaphore, #tpu.memory_space<semaphore_mem>>) {add = true}
        %dma_wait3A_252 = arith.constant 0 : i32
        %dma_wait3A_253 = tpu.memref_slice %arg6[%run_scoped3A_207, %dma_wait3A_252] : memref<8x128xi32, #tpu.memory_space<vmem>> -> memref<1x128xi32, #tpu.memory_space<vmem>>
        %dma_wait3A_254 = tpu.memref_squeeze %dma_wait3A_253 : memref<1x128xi32, #tpu.memory_space<vmem>> -> memref<128xi32, #tpu.memory_space<vmem>>
        %dma_wait3A_255 = arith.constant 0 : i32
        %dma_wait3A_256 = arith.constant 0 : i32
        %dma_wait3A_257 = tpu.memref_slice %arg9[%dma_wait3A_255, %dma_wait3A_256] : memref<10240x128xf32, #tpu.memory_space<vmem_shared>> -> memref<10240x128xf32, #tpu.memory_space<vmem_shared>>
        tpu.wait_indirect_dma semaphore(%run_scoped3A_245 : memref<!tpu.dma_semaphore, #tpu.memory_space<semaphore_mem>>) src(%arg8 : memref<128x128xf32, #tpu.memory_space<vmem>>) dst(%dma_wait3A_257 : memref<10240x128xf32, #tpu.memory_space<vmem_shared>>)
        tpu.yield
      }) : () -> ()
      %dma_start3A_208 = arith.constant 6 : i32
      %dma_start3A_209 = arith.constant 0 : i32
      %dma_start3A_210 = tpu.memref_slice %arg6[%dma_start3A_208, %dma_start3A_209] : memref<8x128xi32, #tpu.memory_space<vmem>> -> memref<1x128xi32, #tpu.memory_space<vmem>>
      %dma_start3A_211 = tpu.memref_squeeze %dma_start3A_210 : memref<1x128xi32, #tpu.memory_space<vmem>> -> memref<128xi32, #tpu.memory_space<vmem>>
      %dma_start3A_212 = arith.constant 0 : i32
      %dma_start3A_213 = arith.constant 0 : i32
      %dma_start3A_214 = tpu.memref_slice %arg2[%dma_start3A_212, %dma_start3A_213] : memref<10240x128xf32, #tpu.memory_space<hbm>> -> memref<10240x128xf32, #tpu.memory_space<hbm>>
      tpu.enqueue_indirect_dma source(%dma_start3A_214 : memref<10240x128xf32, #tpu.memory_space<hbm>>) target(%arg8 : memref<128x128xf32, #tpu.memory_space<vmem>>) offsets(%dma_start3A_211 : memref<128xi32, #tpu.memory_space<vmem>>) semaphore(%arg13 : memref<!tpu.dma_semaphore, #tpu.memory_space<semaphore_mem>>)
      %dma_wait3A_215 = arith.constant 4 : i32
      %dma_wait3A_216 = arith.constant 0 : i32
      %dma_wait3A_217 = tpu.memref_slice %arg6[%dma_wait3A_215, %dma_wait3A_216] : memref<8x128xi32, #tpu.memory_space<vmem>> -> memref<1x128xi32, #tpu.memory_space<vmem>>
      %dma_wait3A_218 = tpu.memref_squeeze %dma_wait3A_217 : memref<1x128xi32, #tpu.memory_space<vmem>> -> memref<128xi32, #tpu.memory_space<vmem>>
      %dma_wait3A_219 = arith.constant 0 : i32
      %dma_wait3A_220 = arith.constant 0 : i32
      %dma_wait3A_221 = tpu.memref_slice %arg2[%dma_wait3A_219, %dma_wait3A_220] : memref<10240x128xf32, #tpu.memory_space<hbm>> -> memref<10240x128xf32, #tpu.memory_space<hbm>>
      tpu.wait_indirect_dma semaphore(%arg12 : memref<!tpu.dma_semaphore, #tpu.memory_space<semaphore_mem>>) src(%dma_wait3A_221 : memref<10240x128xf32, #tpu.memory_space<hbm>>) dst(%arg7 : memref<128x128xf32, #tpu.memory_space<vmem>>)
      %run_scoped3A_222 = arith.constant 5 : i32
      "tpu.region"() ({
        %run_scoped3A_245 = tpu.sem_alloc : memref<!tpu.dma_semaphore, #tpu.memory_space<semaphore_mem>>
        %dma_start3A_246 = arith.constant 0 : i32
        %dma_start3A_247 = tpu.memref_slice %arg6[%run_scoped3A_222, %dma_start3A_246] : memref<8x128xi32, #tpu.memory_space<vmem>> -> memref<1x128xi32, #tpu.memory_space<vmem>>
        %dma_start3A_248 = tpu.memref_squeeze %dma_start3A_247 : memref<1x128xi32, #tpu.memory_space<vmem>> -> memref<128xi32, #tpu.memory_space<vmem>>
        %dma_start3A_249 = arith.constant 0 : i32
        %dma_start3A_250 = arith.constant 0 : i32
        %dma_start3A_251 = tpu.memref_slice %arg9[%dma_start3A_249, %dma_start3A_250] : memref<10240x128xf32, #tpu.memory_space<vmem_shared>> -> memref<10240x128xf32, #tpu.memory_space<vmem_shared>>
        tpu.enqueue_indirect_dma source(%arg7 : memref<128x128xf32, #tpu.memory_space<vmem>>) target(%dma_start3A_251 : memref<10240x128xf32, #tpu.memory_space<vmem_shared>>) offsets(%dma_start3A_248 : memref<128xi32, #tpu.memory_space<vmem>>) semaphore(%run_scoped3A_245 : memref<!tpu.dma_semaphore, #tpu.memory_space<semaphore_mem>>) {add = true}
        %dma_wait3A_252 = arith.constant 0 : i32
        %dma_wait3A_253 = tpu.memref_slice %arg6[%run_scoped3A_222, %dma_wait3A_252] : memref<8x128xi32, #tpu.memory_space<vmem>> -> memref<1x128xi32, #tpu.memory_space<vmem>>
        %dma_wait3A_254 = tpu.memref_squeeze %dma_wait3A_253 : memref<1x128xi32, #tpu.memory_space<vmem>> -> memref<128xi32, #tpu.memory_space<vmem>>
        %dma_wait3A_255 = arith.constant 0 : i32
        %dma_wait3A_256 = arith.constant 0 : i32
        %dma_wait3A_257 = tpu.memref_slice %arg9[%dma_wait3A_255, %dma_wait3A_256] : memref<10240x128xf32, #tpu.memory_space<vmem_shared>> -> memref<10240x128xf32, #tpu.memory_space<vmem_shared>>
        tpu.wait_indirect_dma semaphore(%run_scoped3A_245 : memref<!tpu.dma_semaphore, #tpu.memory_space<semaphore_mem>>) src(%arg7 : memref<128x128xf32, #tpu.memory_space<vmem>>) dst(%dma_wait3A_257 : memref<10240x128xf32, #tpu.memory_space<vmem_shared>>)
        tpu.yield
      }) : () -> ()
      %add3A_223 = arith.constant 1 : i32
      %add3A_224 = arith.addi %add3A_177, %add3A_223 : i32
      %lt3A_225 = arith.constant 20 : i32
      %lt3A_226 = arith.cmpi slt, %add3A_224, %lt3A_225 : i32
      %convert_element_type3A_227 = arith.extui %lt3A_226 : i1 to i32
      %cond3A_228 = arith.constant 0 : i32
      %cond3A_229 = arith.cmpi ne, %convert_element_type3A_227, %cond3A_228 : i32
      scf.if %cond3A_229 {
        %add3A_245 = arith.constant 1 : i32
        %add3A_246 = arith.addi %add3A_177, %add3A_245 : i32
        %mul3A_247 = arith.constant 2 : i32
        %mul3A_248 = arith.muli %add3A_246, %mul3A_247 : i32
        %mul3A_249 = arith.constant 4 : i32
        %mul3A_250 = arith.muli %mul3A_248, %mul3A_249 : i32
        %add3A_251 = arith.addi %mul3A_18, %mul3A_250 : i32
        %dma_wait3A_252 = arith.constant 0 : i32
        %dma_wait3A_253 = tpu.memref_slice %arg3[%add3A_251, %dma_wait3A_252] : memref<5120x128xi32, #tpu.memory_space<hbm>> -> memref<8x128xi32, #tpu.memory_space<hbm>>
        %dma_wait3A_254 = arith.constant 0 : i32
        %dma_wait3A_255 = tpu.memref_slice %arg3[%add3A_251, %dma_wait3A_254] : memref<5120x128xi32, #tpu.memory_space<hbm>> -> memref<8x128xi32, #tpu.memory_space<hbm>>
        tpu.wait_dma2 semaphore(%arg10 : memref<!tpu.dma_semaphore, #tpu.memory_space<semaphore_mem>>) src(%dma_wait3A_255 : memref<8x128xi32, #tpu.memory_space<hbm>>) dst(%arg5 : memref<8x128xi32, #tpu.memory_space<vmem>>)
        %dma_start3A_256 = arith.constant 0 : i32
        %dma_start3A_257 = arith.constant 0 : i32
        %dma_start3A_258 = tpu.memref_slice %arg5[%dma_start3A_256, %dma_start3A_257] : memref<8x128xi32, #tpu.memory_space<vmem>> -> memref<1x128xi32, #tpu.memory_space<vmem>>
        %dma_start3A_259 = tpu.memref_squeeze %dma_start3A_258 : memref<1x128xi32, #tpu.memory_space<vmem>> -> memref<128xi32, #tpu.memory_space<vmem>>
        %dma_start3A_260 = arith.constant 0 : i32
        %dma_start3A_261 = arith.constant 0 : i32
        %dma_start3A_262 = tpu.memref_slice %arg2[%dma_start3A_260, %dma_start3A_261] : memref<10240x128xf32, #tpu.memory_space<hbm>> -> memref<10240x128xf32, #tpu.memory_space<hbm>>
        tpu.enqueue_indirect_dma source(%dma_start3A_262 : memref<10240x128xf32, #tpu.memory_space<hbm>>) target(%arg7 : memref<128x128xf32, #tpu.memory_space<vmem>>) offsets(%dma_start3A_259 : memref<128xi32, #tpu.memory_space<vmem>>) semaphore(%arg12 : memref<!tpu.dma_semaphore, #tpu.memory_space<semaphore_mem>>)
      } else {
      }
      %dma_wait3A_230 = arith.constant 6 : i32
      %dma_wait3A_231 = arith.constant 0 : i32
      %dma_wait3A_232 = tpu.memref_slice %arg6[%dma_wait3A_230, %dma_wait3A_231] : memref<8x128xi32, #tpu.memory_space<vmem>> -> memref<1x128xi32, #tpu.memory_space<vmem>>
      %dma_wait3A_233 = tpu.memref_squeeze %dma_wait3A_232 : memref<1x128xi32, #tpu.memory_space<vmem>> -> memref<128xi32, #tpu.memory_space<vmem>>
      %dma_wait3A_234 = arith.constant 0 : i32
      %dma_wait3A_235 = arith.constant 0 : i32
      %dma_wait3A_236 = tpu.memref_slice %arg2[%dma_wait3A_234, %dma_wait3A_235] : memref<10240x128xf32, #tpu.memory_space<hbm>> -> memref<10240x128xf32, #tpu.memory_space<hbm>>
      tpu.wait_indirect_dma semaphore(%arg13 : memref<!tpu.dma_semaphore, #tpu.memory_space<semaphore_mem>>) src(%dma_wait3A_236 : memref<10240x128xf32, #tpu.memory_space<hbm>>) dst(%arg8 : memref<128x128xf32, #tpu.memory_space<vmem>>)
      %run_scoped3A_237 = arith.constant 7 : i32
      "tpu.region"() ({
        %run_scoped3A_245 = tpu.sem_alloc : memref<!tpu.dma_semaphore, #tpu.memory_space<semaphore_mem>>
        %dma_start3A_246 = arith.constant 0 : i32
        %dma_start3A_247 = tpu.memref_slice %arg6[%run_scoped3A_237, %dma_start3A_246] : memref<8x128xi32, #tpu.memory_space<vmem>> -> memref<1x128xi32, #tpu.memory_space<vmem>>
        %dma_start3A_248 = tpu.memref_squeeze %dma_start3A_247 : memref<1x128xi32, #tpu.memory_space<vmem>> -> memref<128xi32, #tpu.memory_space<vmem>>
        %dma_start3A_249 = arith.constant 0 : i32
        %dma_start3A_250 = arith.constant 0 : i32
        %dma_start3A_251 = tpu.memref_slice %arg9[%dma_start3A_249, %dma_start3A_250] : memref<10240x128xf32, #tpu.memory_space<vmem_shared>> -> memref<10240x128xf32, #tpu.memory_space<vmem_shared>>
        tpu.enqueue_indirect_dma source(%arg8 : memref<128x128xf32, #tpu.memory_space<vmem>>) target(%dma_start3A_251 : memref<10240x128xf32, #tpu.memory_space<vmem_shared>>) offsets(%dma_start3A_248 : memref<128xi32, #tpu.memory_space<vmem>>) semaphore(%run_scoped3A_245 : memref<!tpu.dma_semaphore, #tpu.memory_space<semaphore_mem>>) {add = true}
        %dma_wait3A_252 = arith.constant 0 : i32
        %dma_wait3A_253 = tpu.memref_slice %arg6[%run_scoped3A_237, %dma_wait3A_252] : memref<8x128xi32, #tpu.memory_space<vmem>> -> memref<1x128xi32, #tpu.memory_space<vmem>>
        %dma_wait3A_254 = tpu.memref_squeeze %dma_wait3A_253 : memref<1x128xi32, #tpu.memory_space<vmem>> -> memref<128xi32, #tpu.memory_space<vmem>>
        %dma_wait3A_255 = arith.constant 0 : i32
        %dma_wait3A_256 = arith.constant 0 : i32
        %dma_wait3A_257 = tpu.memref_slice %arg9[%dma_wait3A_255, %dma_wait3A_256] : memref<10240x128xf32, #tpu.memory_space<vmem_shared>> -> memref<10240x128xf32, #tpu.memory_space<vmem_shared>>
        tpu.wait_indirect_dma semaphore(%run_scoped3A_245 : memref<!tpu.dma_semaphore, #tpu.memory_space<semaphore_mem>>) src(%arg8 : memref<128x128xf32, #tpu.memory_space<vmem>>) dst(%dma_wait3A_257 : memref<10240x128xf32, #tpu.memory_space<vmem_shared>>)
        tpu.yield
      }) : () -> ()
      %add3A_238 = arith.constant 3 : i32
      %add3A_239 = arith.addi %add3A_112, %add3A_238 : i32
      %lt3A_240 = arith.constant 20 : i32
      %lt3A_241 = arith.cmpi slt, %add3A_239, %lt3A_240 : i32
      %convert_element_type3A_242 = arith.extui %lt3A_241 : i1 to i32
      %cond3A_243 = arith.constant 0 : i32
      %cond3A_244 = arith.cmpi ne, %convert_element_type3A_242, %cond3A_243 : i32
      scf.if %cond3A_244 {
        %add3A_245 = arith.constant 3 : i32
        %add3A_246 = arith.addi %add3A_112, %add3A_245 : i32
        %mul3A_247 = arith.constant 2 : i32
        %mul3A_248 = arith.muli %add3A_246, %mul3A_247 : i32
        %mul3A_249 = arith.constant 4 : i32
        %mul3A_250 = arith.muli %mul3A_248, %mul3A_249 : i32
        %add3A_251 = arith.addi %mul3A_18, %mul3A_250 : i32
        %dma_start3A_252 = arith.constant 0 : i32
        %dma_start3A_253 = tpu.memref_slice %arg3[%add3A_251, %dma_start3A_252] : memref<5120x128xi32, #tpu.memory_space<hbm>> -> memref<8x128xi32, #tpu.memory_space<hbm>>
        %dma_start3A_254 = arith.constant 0 : i32
        %dma_start3A_255 = tpu.memref_slice %arg3[%add3A_251, %dma_start3A_254] : memref<5120x128xi32, #tpu.memory_space<hbm>> -> memref<8x128xi32, #tpu.memory_space<hbm>>
        tpu.enqueue_dma source(%dma_start3A_255 : memref<8x128xi32, #tpu.memory_space<hbm>>) target(%arg6 : memref<8x128xi32, #tpu.memory_space<vmem>>) target_semaphore(%arg11 : memref<!tpu.dma_semaphore, #tpu.memory_space<semaphore_mem>>)
      } else {
      }
    }
    %scan3A_37 = arith.constant 10 : i32
    %barrier3A_38 = arith.constant 0 : index
    tpu.barrier barrier_id(%barrier3A_38)
    %mul3A_39 = arith.constant 640 : i32
    %mul3A_40 = arith.muli %arg1, %mul3A_39 : i32
    %dma_start3A_41 = arith.constant 0 : i32
    %dma_start3A_42 = tpu.memref_slice %arg9[%mul3A_40, %dma_start3A_41] : memref<10240x128xf32, #tpu.memory_space<vmem_shared>> -> memref<128x128xf32, #tpu.memory_space<vmem_shared>>
    %dma_start3A_43 = arith.constant 0 : i32
    %dma_start3A_44 = tpu.memref_slice %arg9[%mul3A_40, %dma_start3A_43] : memref<10240x128xf32, #tpu.memory_space<vmem_shared>> -> memref<128x128xf32, #tpu.memory_space<vmem_shared>>
    tpu.enqueue_dma source(%dma_start3A_44 : memref<128x128xf32, #tpu.memory_space<vmem_shared>>) target(%arg7 : memref<128x128xf32, #tpu.memory_space<vmem>>) target_semaphore(%arg12 : memref<!tpu.dma_semaphore, #tpu.memory_space<semaphore_mem>>)
    %add3A_45 = arith.constant 128 : i32
    %add3A_46 = arith.addi %mul3A_40, %add3A_45 : i32
    %dma_start3A_47 = arith.constant 0 : i32
    %dma_start3A_48 = tpu.memref_slice %arg9[%add3A_46, %dma_start3A_47] : memref<10240x128xf32, #tpu.memory_space<vmem_shared>> -> memref<128x128xf32, #tpu.memory_space<vmem_shared>>
    %dma_start3A_49 = arith.constant 0 : i32
    %dma_start3A_50 = tpu.memref_slice %arg9[%add3A_46, %dma_start3A_49] : memref<10240x128xf32, #tpu.memory_space<vmem_shared>> -> memref<128x128xf32, #tpu.memory_space<vmem_shared>>
    tpu.enqueue_dma source(%dma_start3A_50 : memref<128x128xf32, #tpu.memory_space<vmem_shared>>) target(%arg8 : memref<128x128xf32, #tpu.memory_space<vmem>>) target_semaphore(%arg13 : memref<!tpu.dma_semaphore, #tpu.memory_space<semaphore_mem>>)
    %add3A_51 = arith.constant 0 : i32
    %add3A_52 = arith.addi %mul3A_40, %add3A_51 : i32
    %dma_wait3A = arith.constant 0 : i32
    %dma_wait3A_53 = tpu.memref_slice %arg9[%add3A_52, %dma_wait3A] : memref<10240x128xf32, #tpu.memory_space<vmem_shared>> -> memref<128x128xf32, #tpu.memory_space<vmem_shared>>
    %dma_wait3A_54 = arith.constant 0 : i32
    %dma_wait3A_55 = tpu.memref_slice %arg9[%add3A_52, %dma_wait3A_54] : memref<10240x128xf32, #tpu.memory_space<vmem_shared>> -> memref<128x128xf32, #tpu.memory_space<vmem_shared>>
    tpu.wait_dma2 semaphore(%arg12 : memref<!tpu.dma_semaphore, #tpu.memory_space<semaphore_mem>>) src(%dma_wait3A_55 : memref<128x128xf32, #tpu.memory_space<vmem_shared>>) dst(%arg7 : memref<128x128xf32, #tpu.memory_space<vmem>>)
    %add3A_56 = arith.constant 0 : i32
    %add3A_57 = arith.addi %mul3A_40, %add3A_56 : i32
    "tpu.region"() ({
      %run_scoped3A = tpu.sem_alloc : memref<!tpu.dma_semaphore, #tpu.memory_space<semaphore_mem>>
      %dma_start3A_108 = arith.constant 0 : i32
      %dma_start3A_109 = tpu.memref_slice %arg4[%arg0, %add3A_57, %dma_start3A_108] : memref<2x10240x128xf32, #tpu.memory_space<hbm>> -> memref<1x128x128xf32, #tpu.memory_space<hbm>>
      %dma_start3A_110 = tpu.memref_squeeze %dma_start3A_109 : memref<1x128x128xf32, #tpu.memory_space<hbm>> -> memref<128x128xf32, #tpu.memory_space<hbm>>
      %dma_start3A_111 = arith.constant 0 : i32
      %dma_start3A_112 = tpu.memref_slice %arg4[%arg0, %add3A_57, %dma_start3A_111] : memref<2x10240x128xf32, #tpu.memory_space<hbm>> -> memref<1x128x128xf32, #tpu.memory_space<hbm>>
      %dma_start3A_113 = tpu.memref_squeeze %dma_start3A_112 : memref<1x128x128xf32, #tpu.memory_space<hbm>> -> memref<128x128xf32, #tpu.memory_space<hbm>>
      tpu.enqueue_dma source(%arg7 : memref<128x128xf32, #tpu.memory_space<vmem>>) target(%dma_start3A_113 : memref<128x128xf32, #tpu.memory_space<hbm>>) target_semaphore(%run_scoped3A : memref<!tpu.dma_semaphore, #tpu.memory_space<semaphore_mem>>)
      %dma_wait3A_114 = arith.constant 0 : i32
      %dma_wait3A_115 = tpu.memref_slice %arg4[%arg0, %add3A_57, %dma_wait3A_114] : memref<2x10240x128xf32, #tpu.memory_space<hbm>> -> memref<1x128x128xf32, #tpu.memory_space<hbm>>
      %dma_wait3A_116 = tpu.memref_squeeze %dma_wait3A_115 : memref<1x128x128xf32, #tpu.memory_space<hbm>> -> memref<128x128xf32, #tpu.memory_space<hbm>>
      %dma_wait3A_117 = arith.constant 0 : i32
      %dma_wait3A_118 = tpu.memref_slice %arg4[%arg0, %add3A_57, %dma_wait3A_117] : memref<2x10240x128xf32, #tpu.memory_space<hbm>> -> memref<1x128x128xf32, #tpu.memory_space<hbm>>
      %dma_wait3A_119 = tpu.memref_squeeze %dma_wait3A_118 : memref<1x128x128xf32, #tpu.memory_space<hbm>> -> memref<128x128xf32, #tpu.memory_space<hbm>>
      tpu.wait_dma2 semaphore(%run_scoped3A : memref<!tpu.dma_semaphore, #tpu.memory_space<semaphore_mem>>) src(%arg7 : memref<128x128xf32, #tpu.memory_space<vmem>>) dst(%dma_wait3A_119 : memref<128x128xf32, #tpu.memory_space<hbm>>)
      tpu.yield
    }) : () -> ()
    %add3A_58 = arith.constant 256 : i32
    %add3A_59 = arith.addi %mul3A_40, %add3A_58 : i32
    %dma_start3A_60 = arith.constant 0 : i32
    %dma_start3A_61 = tpu.memref_slice %arg9[%add3A_59, %dma_start3A_60] : memref<10240x128xf32, #tpu.memory_space<vmem_shared>> -> memref<128x128xf32, #tpu.memory_space<vmem_shared>>
    %dma_start3A_62 = arith.constant 0 : i32
    %dma_start3A_63 = tpu.memref_slice %arg9[%add3A_59, %dma_start3A_62] : memref<10240x128xf32, #tpu.memory_space<vmem_shared>> -> memref<128x128xf32, #tpu.memory_space<vmem_shared>>
    tpu.enqueue_dma source(%dma_start3A_63 : memref<128x128xf32, #tpu.memory_space<vmem_shared>>) target(%arg7 : memref<128x128xf32, #tpu.memory_space<vmem>>) target_semaphore(%arg12 : memref<!tpu.dma_semaphore, #tpu.memory_space<semaphore_mem>>)
    %add3A_64 = arith.constant 128 : i32
    %add3A_65 = arith.addi %mul3A_40, %add3A_64 : i32
    %dma_wait3A_66 = arith.constant 0 : i32
    %dma_wait3A_67 = tpu.memref_slice %arg9[%add3A_65, %dma_wait3A_66] : memref<10240x128xf32, #tpu.memory_space<vmem_shared>> -> memref<128x128xf32, #tpu.memory_space<vmem_shared>>
    %dma_wait3A_68 = arith.constant 0 : i32
    %dma_wait3A_69 = tpu.memref_slice %arg9[%add3A_65, %dma_wait3A_68] : memref<10240x128xf32, #tpu.memory_space<vmem_shared>> -> memref<128x128xf32, #tpu.memory_space<vmem_shared>>
    tpu.wait_dma2 semaphore(%arg13 : memref<!tpu.dma_semaphore, #tpu.memory_space<semaphore_mem>>) src(%dma_wait3A_69 : memref<128x128xf32, #tpu.memory_space<vmem_shared>>) dst(%arg8 : memref<128x128xf32, #tpu.memory_space<vmem>>)
    %add3A_70 = arith.constant 128 : i32
    %add3A_71 = arith.addi %mul3A_40, %add3A_70 : i32
    "tpu.region"() ({
      %run_scoped3A = tpu.sem_alloc : memref<!tpu.dma_semaphore, #tpu.memory_space<semaphore_mem>>
      %dma_start3A_108 = arith.constant 0 : i32
      %dma_start3A_109 = tpu.memref_slice %arg4[%arg0, %add3A_71, %dma_start3A_108] : memref<2x10240x128xf32, #tpu.memory_space<hbm>> -> memref<1x128x128xf32, #tpu.memory_space<hbm>>
      %dma_start3A_110 = tpu.memref_squeeze %dma_start3A_109 : memref<1x128x128xf32, #tpu.memory_space<hbm>> -> memref<128x128xf32, #tpu.memory_space<hbm>>
      %dma_start3A_111 = arith.constant 0 : i32
      %dma_start3A_112 = tpu.memref_slice %arg4[%arg0, %add3A_71, %dma_start3A_111] : memref<2x10240x128xf32, #tpu.memory_space<hbm>> -> memref<1x128x128xf32, #tpu.memory_space<hbm>>
      %dma_start3A_113 = tpu.memref_squeeze %dma_start3A_112 : memref<1x128x128xf32, #tpu.memory_space<hbm>> -> memref<128x128xf32, #tpu.memory_space<hbm>>
      tpu.enqueue_dma source(%arg8 : memref<128x128xf32, #tpu.memory_space<vmem>>) target(%dma_start3A_113 : memref<128x128xf32, #tpu.memory_space<hbm>>) target_semaphore(%run_scoped3A : memref<!tpu.dma_semaphore, #tpu.memory_space<semaphore_mem>>)
      %dma_wait3A_114 = arith.constant 0 : i32
      %dma_wait3A_115 = tpu.memref_slice %arg4[%arg0, %add3A_71, %dma_wait3A_114] : memref<2x10240x128xf32, #tpu.memory_space<hbm>> -> memref<1x128x128xf32, #tpu.memory_space<hbm>>
      %dma_wait3A_116 = tpu.memref_squeeze %dma_wait3A_115 : memref<1x128x128xf32, #tpu.memory_space<hbm>> -> memref<128x128xf32, #tpu.memory_space<hbm>>
      %dma_wait3A_117 = arith.constant 0 : i32
      %dma_wait3A_118 = tpu.memref_slice %arg4[%arg0, %add3A_71, %dma_wait3A_117] : memref<2x10240x128xf32, #tpu.memory_space<hbm>> -> memref<1x128x128xf32, #tpu.memory_space<hbm>>
      %dma_wait3A_119 = tpu.memref_squeeze %dma_wait3A_118 : memref<1x128x128xf32, #tpu.memory_space<hbm>> -> memref<128x128xf32, #tpu.memory_space<hbm>>
      tpu.wait_dma2 semaphore(%run_scoped3A : memref<!tpu.dma_semaphore, #tpu.memory_space<semaphore_mem>>) src(%arg8 : memref<128x128xf32, #tpu.memory_space<vmem>>) dst(%dma_wait3A_119 : memref<128x128xf32, #tpu.memory_space<hbm>>)
      tpu.yield
    }) : () -> ()
    %add3A_72 = arith.constant 384 : i32
    %add3A_73 = arith.addi %mul3A_40, %add3A_72 : i32
    %dma_start3A_74 = arith.constant 0 : i32
    %dma_start3A_75 = tpu.memref_slice %arg9[%add3A_73, %dma_start3A_74] : memref<10240x128xf32, #tpu.memory_space<vmem_shared>> -> memref<128x128xf32, #tpu.memory_space<vmem_shared>>
    %dma_start3A_76 = arith.constant 0 : i32
    %dma_start3A_77 = tpu.memref_slice %arg9[%add3A_73, %dma_start3A_76] : memref<10240x128xf32, #tpu.memory_space<vmem_shared>> -> memref<128x128xf32, #tpu.memory_space<vmem_shared>>
    tpu.enqueue_dma source(%dma_start3A_77 : memref<128x128xf32, #tpu.memory_space<vmem_shared>>) target(%arg8 : memref<128x128xf32, #tpu.memory_space<vmem>>) target_semaphore(%arg13 : memref<!tpu.dma_semaphore, #tpu.memory_space<semaphore_mem>>)
    %add3A_78 = arith.constant 256 : i32
    %add3A_79 = arith.addi %mul3A_40, %add3A_78 : i32
    %dma_wait3A_80 = arith.constant 0 : i32
    %dma_wait3A_81 = tpu.memref_slice %arg9[%add3A_79, %dma_wait3A_80] : memref<10240x128xf32, #tpu.memory_space<vmem_shared>> -> memref<128x128xf32, #tpu.memory_space<vmem_shared>>
    %dma_wait3A_82 = arith.constant 0 : i32
    %dma_wait3A_83 = tpu.memref_slice %arg9[%add3A_79, %dma_wait3A_82] : memref<10240x128xf32, #tpu.memory_space<vmem_shared>> -> memref<128x128xf32, #tpu.memory_space<vmem_shared>>
    tpu.wait_dma2 semaphore(%arg12 : memref<!tpu.dma_semaphore, #tpu.memory_space<semaphore_mem>>) src(%dma_wait3A_83 : memref<128x128xf32, #tpu.memory_space<vmem_shared>>) dst(%arg7 : memref<128x128xf32, #tpu.memory_space<vmem>>)
    %add3A_84 = arith.constant 256 : i32
    %add3A_85 = arith.addi %mul3A_40, %add3A_84 : i32
    "tpu.region"() ({
      %run_scoped3A = tpu.sem_alloc : memref<!tpu.dma_semaphore, #tpu.memory_space<semaphore_mem>>
      %dma_start3A_108 = arith.constant 0 : i32
      %dma_start3A_109 = tpu.memref_slice %arg4[%arg0, %add3A_85, %dma_start3A_108] : memref<2x10240x128xf32, #tpu.memory_space<hbm>> -> memref<1x128x128xf32, #tpu.memory_space<hbm>>
      %dma_start3A_110 = tpu.memref_squeeze %dma_start3A_109 : memref<1x128x128xf32, #tpu.memory_space<hbm>> -> memref<128x128xf32, #tpu.memory_space<hbm>>
      %dma_start3A_111 = arith.constant 0 : i32
      %dma_start3A_112 = tpu.memref_slice %arg4[%arg0, %add3A_85, %dma_start3A_111] : memref<2x10240x128xf32, #tpu.memory_space<hbm>> -> memref<1x128x128xf32, #tpu.memory_space<hbm>>
      %dma_start3A_113 = tpu.memref_squeeze %dma_start3A_112 : memref<1x128x128xf32, #tpu.memory_space<hbm>> -> memref<128x128xf32, #tpu.memory_space<hbm>>
      tpu.enqueue_dma source(%arg7 : memref<128x128xf32, #tpu.memory_space<vmem>>) target(%dma_start3A_113 : memref<128x128xf32, #tpu.memory_space<hbm>>) target_semaphore(%run_scoped3A : memref<!tpu.dma_semaphore, #tpu.memory_space<semaphore_mem>>)
      %dma_wait3A_114 = arith.constant 0 : i32
      %dma_wait3A_115 = tpu.memref_slice %arg4[%arg0, %add3A_85, %dma_wait3A_114] : memref<2x10240x128xf32, #tpu.memory_space<hbm>> -> memref<1x128x128xf32, #tpu.memory_space<hbm>>
      %dma_wait3A_116 = tpu.memref_squeeze %dma_wait3A_115 : memref<1x128x128xf32, #tpu.memory_space<hbm>> -> memref<128x128xf32, #tpu.memory_space<hbm>>
      %dma_wait3A_117 = arith.constant 0 : i32
      %dma_wait3A_118 = tpu.memref_slice %arg4[%arg0, %add3A_85, %dma_wait3A_117] : memref<2x10240x128xf32, #tpu.memory_space<hbm>> -> memref<1x128x128xf32, #tpu.memory_space<hbm>>
      %dma_wait3A_119 = tpu.memref_squeeze %dma_wait3A_118 : memref<1x128x128xf32, #tpu.memory_space<hbm>> -> memref<128x128xf32, #tpu.memory_space<hbm>>
      tpu.wait_dma2 semaphore(%run_scoped3A : memref<!tpu.dma_semaphore, #tpu.memory_space<semaphore_mem>>) src(%arg7 : memref<128x128xf32, #tpu.memory_space<vmem>>) dst(%dma_wait3A_119 : memref<128x128xf32, #tpu.memory_space<hbm>>)
      tpu.yield
    }) : () -> ()
    %add3A_86 = arith.constant 512 : i32
    %add3A_87 = arith.addi %mul3A_40, %add3A_86 : i32
    %dma_start3A_88 = arith.constant 0 : i32
    %dma_start3A_89 = tpu.memref_slice %arg9[%add3A_87, %dma_start3A_88] : memref<10240x128xf32, #tpu.memory_space<vmem_shared>> -> memref<128x128xf32, #tpu.memory_space<vmem_shared>>
    %dma_start3A_90 = arith.constant 0 : i32
    %dma_start3A_91 = tpu.memref_slice %arg9[%add3A_87, %dma_start3A_90] : memref<10240x128xf32, #tpu.memory_space<vmem_shared>> -> memref<128x128xf32, #tpu.memory_space<vmem_shared>>
    tpu.enqueue_dma source(%dma_start3A_91 : memref<128x128xf32, #tpu.memory_space<vmem_shared>>) target(%arg7 : memref<128x128xf32, #tpu.memory_space<vmem>>) target_semaphore(%arg12 : memref<!tpu.dma_semaphore, #tpu.memory_space<semaphore_mem>>)
    %add3A_92 = arith.constant 384 : i32
    %add3A_93 = arith.addi %mul3A_40, %add3A_92 : i32
    %dma_wait3A_94 = arith.constant 0 : i32
    %dma_wait3A_95 = tpu.memref_slice %arg9[%add3A_93, %dma_wait3A_94] : memref<10240x128xf32, #tpu.memory_space<vmem_shared>> -> memref<128x128xf32, #tpu.memory_space<vmem_shared>>
    %dma_wait3A_96 = arith.constant 0 : i32
    %dma_wait3A_97 = tpu.memref_slice %arg9[%add3A_93, %dma_wait3A_96] : memref<10240x128xf32, #tpu.memory_space<vmem_shared>> -> memref<128x128xf32, #tpu.memory_space<vmem_shared>>
    tpu.wait_dma2 semaphore(%arg13 : memref<!tpu.dma_semaphore, #tpu.memory_space<semaphore_mem>>) src(%dma_wait3A_97 : memref<128x128xf32, #tpu.memory_space<vmem_shared>>) dst(%arg8 : memref<128x128xf32, #tpu.memory_space<vmem>>)
    %add3A_98 = arith.constant 384 : i32
    %add3A_99 = arith.addi %mul3A_40, %add3A_98 : i32
    "tpu.region"() ({
      %run_scoped3A = tpu.sem_alloc : memref<!tpu.dma_semaphore, #tpu.memory_space<semaphore_mem>>
      %dma_start3A_108 = arith.constant 0 : i32
      %dma_start3A_109 = tpu.memref_slice %arg4[%arg0, %add3A_99, %dma_start3A_108] : memref<2x10240x128xf32, #tpu.memory_space<hbm>> -> memref<1x128x128xf32, #tpu.memory_space<hbm>>
      %dma_start3A_110 = tpu.memref_squeeze %dma_start3A_109 : memref<1x128x128xf32, #tpu.memory_space<hbm>> -> memref<128x128xf32, #tpu.memory_space<hbm>>
      %dma_start3A_111 = arith.constant 0 : i32
      %dma_start3A_112 = tpu.memref_slice %arg4[%arg0, %add3A_99, %dma_start3A_111] : memref<2x10240x128xf32, #tpu.memory_space<hbm>> -> memref<1x128x128xf32, #tpu.memory_space<hbm>>
      %dma_start3A_113 = tpu.memref_squeeze %dma_start3A_112 : memref<1x128x128xf32, #tpu.memory_space<hbm>> -> memref<128x128xf32, #tpu.memory_space<hbm>>
      tpu.enqueue_dma source(%arg8 : memref<128x128xf32, #tpu.memory_space<vmem>>) target(%dma_start3A_113 : memref<128x128xf32, #tpu.memory_space<hbm>>) target_semaphore(%run_scoped3A : memref<!tpu.dma_semaphore, #tpu.memory_space<semaphore_mem>>)
      %dma_wait3A_114 = arith.constant 0 : i32
      %dma_wait3A_115 = tpu.memref_slice %arg4[%arg0, %add3A_99, %dma_wait3A_114] : memref<2x10240x128xf32, #tpu.memory_space<hbm>> -> memref<1x128x128xf32, #tpu.memory_space<hbm>>
      %dma_wait3A_116 = tpu.memref_squeeze %dma_wait3A_115 : memref<1x128x128xf32, #tpu.memory_space<hbm>> -> memref<128x128xf32, #tpu.memory_space<hbm>>
      %dma_wait3A_117 = arith.constant 0 : i32
      %dma_wait3A_118 = tpu.memref_slice %arg4[%arg0, %add3A_99, %dma_wait3A_117] : memref<2x10240x128xf32, #tpu.memory_space<hbm>> -> memref<1x128x128xf32, #tpu.memory_space<hbm>>
      %dma_wait3A_119 = tpu.memref_squeeze %dma_wait3A_118 : memref<1x128x128xf32, #tpu.memory_space<hbm>> -> memref<128x128xf32, #tpu.memory_space<hbm>>
      tpu.wait_dma2 semaphore(%run_scoped3A : memref<!tpu.dma_semaphore, #tpu.memory_space<semaphore_mem>>) src(%arg8 : memref<128x128xf32, #tpu.memory_space<vmem>>) dst(%dma_wait3A_119 : memref<128x128xf32, #tpu.memory_space<hbm>>)
      tpu.yield
    }) : () -> ()
    %add3A_100 = arith.constant 512 : i32
    %add3A_101 = arith.addi %mul3A_40, %add3A_100 : i32
    %dma_wait3A_102 = arith.constant 0 : i32
    %dma_wait3A_103 = tpu.memref_slice %arg9[%add3A_101, %dma_wait3A_102] : memref<10240x128xf32, #tpu.memory_space<vmem_shared>> -> memref<128x128xf32, #tpu.memory_space<vmem_shared>>
    %dma_wait3A_104 = arith.constant 0 : i32
    %dma_wait3A_105 = tpu.memref_slice %arg9[%add3A_101, %dma_wait3A_104] : memref<10240x128xf32, #tpu.memory_space<vmem_shared>> -> memref<128x128xf32, #tpu.memory_space<vmem_shared>>
    tpu.wait_dma2 semaphore(%arg12 : memref<!tpu.dma_semaphore, #tpu.memory_space<semaphore_mem>>) src(%dma_wait3A_105 : memref<128x128xf32, #tpu.memory_space<vmem_shared>>) dst(%arg7 : memref<128x128xf32, #tpu.memory_space<vmem>>)
    %add3A_106 = arith.constant 512 : i32
    %add3A_107 = arith.addi %mul3A_40, %add3A_106 : i32
    "tpu.region"() ({
      %run_scoped3A = tpu.sem_alloc : memref<!tpu.dma_semaphore, #tpu.memory_space<semaphore_mem>>
      %dma_start3A_108 = arith.constant 0 : i32
      %dma_start3A_109 = tpu.memref_slice %arg4[%arg0, %add3A_107, %dma_start3A_108] : memref<2x10240x128xf32, #tpu.memory_space<hbm>> -> memref<1x128x128xf32, #tpu.memory_space<hbm>>
      %dma_start3A_110 = tpu.memref_squeeze %dma_start3A_109 : memref<1x128x128xf32, #tpu.memory_space<hbm>> -> memref<128x128xf32, #tpu.memory_space<hbm>>
      %dma_start3A_111 = arith.constant 0 : i32
      %dma_start3A_112 = tpu.memref_slice %arg4[%arg0, %add3A_107, %dma_start3A_111] : memref<2x10240x128xf32, #tpu.memory_space<hbm>> -> memref<1x128x128xf32, #tpu.memory_space<hbm>>
      %dma_start3A_113 = tpu.memref_squeeze %dma_start3A_112 : memref<1x128x128xf32, #tpu.memory_space<hbm>> -> memref<128x128xf32, #tpu.memory_space<hbm>>
      tpu.enqueue_dma source(%arg7 : memref<128x128xf32, #tpu.memory_space<vmem>>) target(%dma_start3A_113 : memref<128x128xf32, #tpu.memory_space<hbm>>) target_semaphore(%run_scoped3A : memref<!tpu.dma_semaphore, #tpu.memory_space<semaphore_mem>>)
      %dma_wait3A_114 = arith.constant 0 : i32
      %dma_wait3A_115 = tpu.memref_slice %arg4[%arg0, %add3A_107, %dma_wait3A_114] : memref<2x10240x128xf32, #tpu.memory_space<hbm>> -> memref<1x128x128xf32, #tpu.memory_space<hbm>>
      %dma_wait3A_116 = tpu.memref_squeeze %dma_wait3A_115 : memref<1x128x128xf32, #tpu.memory_space<hbm>> -> memref<128x128xf32, #tpu.memory_space<hbm>>
      %dma_wait3A_117 = arith.constant 0 : i32
      %dma_wait3A_118 = tpu.memref_slice %arg4[%arg0, %add3A_107, %dma_wait3A_117] : memref<2x10240x128xf32, #tpu.memory_space<hbm>> -> memref<1x128x128xf32, #tpu.memory_space<hbm>>
      %dma_wait3A_119 = tpu.memref_squeeze %dma_wait3A_118 : memref<1x128x128xf32, #tpu.memory_space<hbm>> -> memref<128x128xf32, #tpu.memory_space<hbm>>
      tpu.wait_dma2 semaphore(%run_scoped3A : memref<!tpu.dma_semaphore, #tpu.memory_space<semaphore_mem>>) src(%arg7 : memref<128x128xf32, #tpu.memory_space<vmem>>) dst(%dma_wait3A_119 : memref<128x128xf32, #tpu.memory_space<hbm>>)
      tpu.yield
    }) : () -> ()
    return
  }
}

#map = affine_map<(d0, d1) -> (0, 0)>
#map1 = affine_map<(d0, d1) -> (0, 0, 0)>
module attributes {stable_mosaic.version = 14 : i64} {
  func.func @_agg_kernel(%arg0: i32, %arg1: i32, %arg2: memref<10240x128xf32, #tpu.memory_space<hbm>>, %arg3: memref<5120x128xi32, #tpu.memory_space<hbm>>, %arg4: memref<2x10240x128xf32, #tpu.memory_space<hbm>>, %arg5: memref<8x128xi32, #tpu.memory_space<vmem>>, %arg6: memref<8x128xi32, #tpu.memory_space<vmem>>, %arg7: memref<128x128xf32, #tpu.memory_space<vmem>>, %arg8: memref<128x128xf32, #tpu.memory_space<vmem>>, %arg9: memref<10240x128xf32, #tpu.memory_space<vmem_shared>>, %arg10: memref<!tpu.dma_semaphore, #tpu.memory_space<semaphore_mem>>, %arg11: memref<!tpu.dma_semaphore, #tpu.memory_space<semaphore_mem>>, %arg12: memref<!tpu.dma_semaphore, #tpu.memory_space<semaphore_mem>>, %arg13: memref<!tpu.dma_semaphore, #tpu.memory_space<semaphore_mem>>) attributes {dimension_semantics = [#tpu.dimension_semantics<core_parallel>, #tpu.dimension_semantics<subcore_parallel>], iteration_bounds = array<i64: 2, 16>, scalar_prefetch = 0 : i64, scratch_operands = 9 : i64, tpu.core_type = #tpu.core_type<sc_vector_subcore>, window_params = [{transform_indices = #map}, {transform_indices = #map}, {transform_indices = #map1}]} {
    %mul3A = arith.constant 2 : i32
    %mul3A_0 = arith.muli %arg1, %mul3A : i32
    %add3A = arith.addi %mul3A_0, %arg0 : i32
    %broadcast_in_dim3A = arith.constant 0.000000e+00 : f32
    %broadcast_in_dim3A_1 = vector.broadcast %broadcast_in_dim3A : f32 to vector<16xf32>
    %scan3A = arith.constant 0 : i32
    %scan3A_2 = arith.constant 0 : i32
    %scan3A_3 = arith.constant 1024 : i32
    %scan3A_4 = arith.addi %scan3A_2, %scan3A_3 : i32
    %scan3A_5 = arith.constant 1 : i32
    %scan3A_6 = scf.for %scan3A_108 = %scan3A_2 to %scan3A_4 step %scan3A_5 iter_args(%scan3A_109 = %scan3A) -> (i32)  : i32 {
      %jit3A = arith.constant 8 : i32
      %div3A = arith.divsi %scan3A_108, %jit3A : i32
      %sign3A = arith.constant 0 : i32
      %sign3A_110 = arith.cmpi sgt, %scan3A_108, %sign3A : i32
      %sign3A_111 = arith.extui %sign3A_110 : i1 to i32
      %sign3A_112 = arith.constant 0 : i32
      %sign3A_113 = arith.cmpi slt, %scan3A_108, %sign3A_112 : i32
      %sign3A_114 = arith.extui %sign3A_113 : i1 to i32
      %sign3A_115 = arith.subi %sign3A_111, %sign3A_114 : i32
      %sign3A_116 = arith.constant 0 : i32
      %sign3A_117 = arith.cmpi sgt, %jit3A, %sign3A_116 : i32
      %sign3A_118 = arith.extui %sign3A_117 : i1 to i32
      %sign3A_119 = arith.constant 0 : i32
      %sign3A_120 = arith.cmpi slt, %jit3A, %sign3A_119 : i32
      %sign3A_121 = arith.extui %sign3A_120 : i1 to i32
      %sign3A_122 = arith.subi %sign3A_118, %sign3A_121 : i32
      %ne3A = arith.cmpi ne, %sign3A_115, %sign3A_122 : i32
      %rem3A = arith.remsi %scan3A_108, %jit3A : i32
      %ne3A_123 = arith.constant 0 : i32
      %ne3A_124 = arith.cmpi ne, %rem3A, %ne3A_123 : i32
      %and3A = arith.andi %ne3A, %ne3A_124 : i1
      %sub3A = arith.constant 1 : i32
      %sub3A_125 = arith.subi %div3A, %sub3A : i32
      %select_n3A = arith.select %and3A, %sub3A_125, %div3A : i32
      %jit3A_126 = arith.constant 8 : i32
      %eq3A = arith.constant 0 : i32
      %eq3A_127 = arith.cmpi eq, %jit3A_126, %eq3A : i32
      %jit3A_128 = arith.constant 1 : i32
      %select_n3A_129 = arith.select %eq3A_127, %jit3A_128, %jit3A_126 : i32
      %rem3A_130 = arith.remsi %scan3A_108, %select_n3A_129 : i32
      %ne3A_131 = arith.constant 0 : i32
      %ne3A_132 = arith.cmpi ne, %rem3A_130, %ne3A_131 : i32
      %lt3A = arith.constant 0 : i32
      %lt3A_133 = arith.cmpi slt, %rem3A_130, %lt3A : i32
      %lt3A_134 = arith.constant 0 : i32
      %lt3A_135 = arith.cmpi slt, %select_n3A_129, %lt3A_134 : i32
      %ne3A_136 = arith.xori %lt3A_133, %lt3A_135 : i1
      %and3A_137 = arith.andi %ne3A_136, %ne3A_132 : i1
      %add3A_138 = arith.addi %rem3A_130, %select_n3A_129 : i32
      %select_n3A_139 = arith.select %and3A_137, %add3A_138, %rem3A_130 : i32
      %mul3A_140 = arith.constant 16 : i32
      %mul3A_141 = arith.muli %select_n3A_139, %mul3A_140 : i32
      %swap3A = arith.index_cast %select_n3A : i32 to index
      %swap3A_142 = arith.index_cast %mul3A_141 : i32 to index
      %swap3A_143 = tpu.vector_load %arg7[%swap3A, %swap3A_142] {strides = array<i32>} : memref<128x128xf32, #tpu.memory_space<vmem>>, vector<1x16xf32>,
      %swap3A_144 = vector.shape_cast %swap3A_143 : vector<1x16xf32> to vector<16xf32>
      %swap3A_145 = vector.shape_cast %broadcast_in_dim3A_1 : vector<16xf32> to vector<1x16xf32>
      tpu.vector_store %arg7[%swap3A, %swap3A_142], %swap3A_145 {strides = array<i32>} : memref<128x128xf32, #tpu.memory_space<vmem>>, vector<1x16xf32>,
      %scan3A_146 = arith.constant 0 : i32
      scf.yield %scan3A_146 : i32
    }
    %scan3A_7 = arith.constant 1024 : i32
    %scan3A_8 = arith.constant 0 : i32
    %scan3A_9 = arith.constant 0 : i32
    %scan3A_10 = arith.constant 5 : i32
    %scan3A_11 = arith.addi %scan3A_9, %scan3A_10 : i32
    %scan3A_12 = arith.constant 1 : i32
    %scan3A_13 = scf.for %scan3A_108 = %scan3A_9 to %scan3A_11 step %scan3A_12 iter_args(%scan3A_109 = %scan3A_8) -> (i32)  : i32 {
      %mul3A_110 = arith.constant 640 : i32
      %mul3A_111 = arith.muli %arg1, %mul3A_110 : i32
      %mul3A_112 = arith.constant 128 : i32
      %mul3A_113 = arith.muli %scan3A_108, %mul3A_112 : i32
      %add3A_114 = arith.addi %mul3A_111, %mul3A_113 : i32
      "tpu.region"() ({
        %run_scoped3A = tpu.sem_alloc : memref<!tpu.dma_semaphore, #tpu.memory_space<semaphore_mem>>
        %dma_start3A_116 = arith.constant 0 : i32
        %dma_start3A_117 = tpu.memref_slice %arg9[%add3A_114, %dma_start3A_116] : memref<10240x128xf32, #tpu.memory_space<vmem_shared>> -> memref<128x128xf32, #tpu.memory_space<vmem_shared>>
        %dma_start3A_118 = arith.constant 0 : i32
        %dma_start3A_119 = tpu.memref_slice %arg9[%add3A_114, %dma_start3A_118] : memref<10240x128xf32, #tpu.memory_space<vmem_shared>> -> memref<128x128xf32, #tpu.memory_space<vmem_shared>>
        tpu.enqueue_dma source(%arg7 : memref<128x128xf32, #tpu.memory_space<vmem>>) target(%dma_start3A_119 : memref<128x128xf32, #tpu.memory_space<vmem_shared>>) target_semaphore(%run_scoped3A : memref<!tpu.dma_semaphore, #tpu.memory_space<semaphore_mem>>)
        %dma_wait3A_120 = arith.constant 0 : i32
        %dma_wait3A_121 = tpu.memref_slice %arg9[%add3A_114, %dma_wait3A_120] : memref<10240x128xf32, #tpu.memory_space<vmem_shared>> -> memref<128x128xf32, #tpu.memory_space<vmem_shared>>
        %dma_wait3A_122 = arith.constant 0 : i32
        %dma_wait3A_123 = tpu.memref_slice %arg9[%add3A_114, %dma_wait3A_122] : memref<10240x128xf32, #tpu.memory_space<vmem_shared>> -> memref<128x128xf32, #tpu.memory_space<vmem_shared>>
        tpu.wait_dma2 semaphore(%run_scoped3A : memref<!tpu.dma_semaphore, #tpu.memory_space<semaphore_mem>>) src(%arg7 : memref<128x128xf32, #tpu.memory_space<vmem>>) dst(%dma_wait3A_123 : memref<128x128xf32, #tpu.memory_space<vmem_shared>>)
        tpu.yield
      }) : () -> ()
      %scan3A_115 = arith.constant 0 : i32
      scf.yield %scan3A_115 : i32
    }
    %scan3A_14 = arith.constant 5 : i32
    %barrier3A = arith.constant 0 : index
    tpu.barrier barrier_id(%barrier3A)
    %mul3A_15 = arith.constant 80 : i32
    %mul3A_16 = arith.muli %add3A, %mul3A_15 : i32
    %mul3A_17 = arith.constant 2 : i32
    %mul3A_18 = arith.muli %mul3A_16, %mul3A_17 : i32
    %add3A_19 = arith.constant 0 : i32
    %add3A_20 = arith.addi %mul3A_18, %add3A_19 : i32
    "tpu.region"() ({
      %run_scoped3A = tpu.sem_alloc : memref<!tpu.dma_semaphore, #tpu.memory_space<semaphore_mem>>
      %dma_start3A_108 = arith.constant 0 : i32
      %dma_start3A_109 = tpu.memref_slice %arg3[%add3A_20, %dma_start3A_108] : memref<5120x128xi32, #tpu.memory_space<hbm>> -> memref<8x128xi32, #tpu.memory_space<hbm>>
      %dma_start3A_110 = arith.constant 0 : i32
      %dma_start3A_111 = tpu.memref_slice %arg3[%add3A_20, %dma_start3A_110] : memref<5120x128xi32, #tpu.memory_space<hbm>> -> memref<8x128xi32, #tpu.memory_space<hbm>>
      tpu.enqueue_dma source(%dma_start3A_111 : memref<8x128xi32, #tpu.memory_space<hbm>>) target(%arg5 : memref<8x128xi32, #tpu.memory_space<vmem>>) target_semaphore(%run_scoped3A : memref<!tpu.dma_semaphore, #tpu.memory_space<semaphore_mem>>)
      %dma_wait3A_112 = arith.constant 0 : i32
      %dma_wait3A_113 = tpu.memref_slice %arg3[%add3A_20, %dma_wait3A_112] : memref<5120x128xi32, #tpu.memory_space<hbm>> -> memref<8x128xi32, #tpu.memory_space<hbm>>
      %dma_wait3A_114 = arith.constant 0 : i32
      %dma_wait3A_115 = tpu.memref_slice %arg3[%add3A_20, %dma_wait3A_114] : memref<5120x128xi32, #tpu.memory_space<hbm>> -> memref<8x128xi32, #tpu.memory_space<hbm>>
      tpu.wait_dma2 semaphore(%run_scoped3A : memref<!tpu.dma_semaphore, #tpu.memory_space<semaphore_mem>>) src(%dma_wait3A_115 : memref<8x128xi32, #tpu.memory_space<hbm>>) dst(%arg5 : memref<8x128xi32, #tpu.memory_space<vmem>>)
      tpu.yield
    }) : () -> ()
    %add3A_21 = arith.constant 8 : i32
    %add3A_22 = arith.addi %mul3A_18, %add3A_21 : i32
    %dma_start3A = arith.constant 0 : i32
    %dma_start3A_23 = tpu.memref_slice %arg3[%add3A_22, %dma_start3A] : memref<5120x128xi32, #tpu.memory_space<hbm>> -> memref<8x128xi32, #tpu.memory_space<hbm>>
    %dma_start3A_24 = arith.constant 0 : i32
    %dma_start3A_25 = tpu.memref_slice %arg3[%add3A_22, %dma_start3A_24] : memref<5120x128xi32, #tpu.memory_space<hbm>> -> memref<8x128xi32, #tpu.memory_space<hbm>>
    tpu.enqueue_dma source(%dma_start3A_25 : memref<8x128xi32, #tpu.memory_space<hbm>>) target(%arg6 : memref<8x128xi32, #tpu.memory_space<vmem>>) target_semaphore(%arg11 : memref<!tpu.dma_semaphore, #tpu.memory_space<semaphore_mem>>)
    %dma_start3A_26 = arith.constant 0 : i32
    %dma_start3A_27 = arith.constant 0 : i32
    %dma_start3A_28 = tpu.memref_slice %arg5[%dma_start3A_26, %dma_start3A_27] : memref<8x128xi32, #tpu.memory_space<vmem>> -> memref<1x128xi32, #tpu.memory_space<vmem>>
    %dma_start3A_29 = tpu.memref_squeeze %dma_start3A_28 : memref<1x128xi32, #tpu.memory_space<vmem>> -> memref<128xi32, #tpu.memory_space<vmem>>
    %dma_start3A_30 = arith.constant 0 : i32
    %dma_start3A_31 = arith.constant 0 : i32
    %dma_start3A_32 = tpu.memref_slice %arg2[%dma_start3A_30, %dma_start3A_31] : memref<10240x128xf32, #tpu.memory_space<hbm>> -> memref<10240x128xf32, #tpu.memory_space<hbm>>
    tpu.enqueue_indirect_dma source(%dma_start3A_32 : memref<10240x128xf32, #tpu.memory_space<hbm>>) target(%arg7 : memref<128x128xf32, #tpu.memory_space<vmem>>) offsets(%dma_start3A_29 : memref<128xi32, #tpu.memory_space<vmem>>) semaphore(%arg12 : memref<!tpu.dma_semaphore, #tpu.memory_space<semaphore_mem>>)
    %scan3A_33 = arith.constant 0 : i32
    %scan3A_34 = arith.constant 10 : i32
    %scan3A_35 = arith.addi %scan3A_33, %scan3A_34 : i32
    %scan3A_36 = arith.constant 1 : i32
    scf.for %scan3A_108 = %scan3A_33 to %scan3A_35 step %scan3A_36  : i32 {
      %mul3A_109 = arith.constant 2 : i32
      %mul3A_110 = arith.muli %scan3A_108, %mul3A_109 : i32
      %add3A_111 = arith.constant 0 : i32
      %add3A_112 = arith.addi %add3A_111, %mul3A_110 : i32
      %dma_start3A_113 = arith.constant 2 : i32
      %dma_start3A_114 = arith.constant 0 : i32
      %dma_start3A_115 = tpu.memref_slice %arg5[%dma_start3A_113, %dma_start3A_114] : memref<8x128xi32, #tpu.memory_space<vmem>> -> memref<1x128xi32, #tpu.memory_space<vmem>>
      %dma_start3A_116 = tpu.memref_squeeze %dma_start3A_115 : memref<1x128xi32, #tpu.memory_space<vmem>> -> memref<128xi32, #tpu.memory_space<vmem>>
      %dma_start3A_117 = arith.constant 0 : i32
      %dma_start3A_118 = arith.constant 0 : i32
      %dma_start3A_119 = tpu.memref_slice %arg2[%dma_start3A_117, %dma_start3A_118] : memref<10240x128xf32, #tpu.memory_space<hbm>> -> memref<10240x128xf32, #tpu.memory_space<hbm>>
      tpu.enqueue_indirect_dma source(%dma_start3A_119 : memref<10240x128xf32, #tpu.memory_space<hbm>>) target(%arg8 : memref<128x128xf32, #tpu.memory_space<vmem>>) offsets(%dma_start3A_116 : memref<128xi32, #tpu.memory_space<vmem>>) semaphore(%arg13 : memref<!tpu.dma_semaphore, #tpu.memory_space<semaphore_mem>>)
      %dma_wait3A_120 = arith.constant 0 : i32
      %dma_wait3A_121 = arith.constant 0 : i32
      %dma_wait3A_122 = tpu.memref_slice %arg5[%dma_wait3A_120, %dma_wait3A_121] : memref<8x128xi32, #tpu.memory_space<vmem>> -> memref<1x128xi32, #tpu.memory_space<vmem>>
      %dma_wait3A_123 = tpu.memref_squeeze %dma_wait3A_122 : memref<1x128xi32, #tpu.memory_space<vmem>> -> memref<128xi32, #tpu.memory_space<vmem>>
      %dma_wait3A_124 = arith.constant 0 : i32
      %dma_wait3A_125 = arith.constant 0 : i32
      %dma_wait3A_126 = tpu.memref_slice %arg2[%dma_wait3A_124, %dma_wait3A_125] : memref<10240x128xf32, #tpu.memory_space<hbm>> -> memref<10240x128xf32, #tpu.memory_space<hbm>>
      tpu.wait_indirect_dma semaphore(%arg12 : memref<!tpu.dma_semaphore, #tpu.memory_space<semaphore_mem>>) src(%dma_wait3A_126 : memref<10240x128xf32, #tpu.memory_space<hbm>>) dst(%arg7 : memref<128x128xf32, #tpu.memory_space<vmem>>)
      %run_scoped3A = arith.constant 1 : i32
      "tpu.region"() ({
        %run_scoped3A_245 = tpu.sem_alloc : memref<!tpu.dma_semaphore, #tpu.memory_space<semaphore_mem>>
        %dma_start3A_246 = arith.constant 0 : i32
        %dma_start3A_247 = tpu.memref_slice %arg5[%run_scoped3A, %dma_start3A_246] : memref<8x128xi32, #tpu.memory_space<vmem>> -> memref<1x128xi32, #tpu.memory_space<vmem>>
        %dma_start3A_248 = tpu.memref_squeeze %dma_start3A_247 : memref<1x128xi32, #tpu.memory_space<vmem>> -> memref<128xi32, #tpu.memory_space<vmem>>
        %dma_start3A_249 = arith.constant 0 : i32
        %dma_start3A_250 = arith.constant 0 : i32
        %dma_start3A_251 = tpu.memref_slice %arg9[%dma_start3A_249, %dma_start3A_250] : memref<10240x128xf32, #tpu.memory_space<vmem_shared>> -> memref<10240x128xf32, #tpu.memory_space<vmem_shared>>
        tpu.enqueue_indirect_dma source(%arg7 : memref<128x128xf32, #tpu.memory_space<vmem>>) target(%dma_start3A_251 : memref<10240x128xf32, #tpu.memory_space<vmem_shared>>) offsets(%dma_start3A_248 : memref<128xi32, #tpu.memory_space<vmem>>) semaphore(%run_scoped3A_245 : memref<!tpu.dma_semaphore, #tpu.memory_space<semaphore_mem>>) {add = true}
        %dma_wait3A_252 = arith.constant 0 : i32
        %dma_wait3A_253 = tpu.memref_slice %arg5[%run_scoped3A, %dma_wait3A_252] : memref<8x128xi32, #tpu.memory_space<vmem>> -> memref<1x128xi32, #tpu.memory_space<vmem>>
        %dma_wait3A_254 = tpu.memref_squeeze %dma_wait3A_253 : memref<1x128xi32, #tpu.memory_space<vmem>> -> memref<128xi32, #tpu.memory_space<vmem>>
        %dma_wait3A_255 = arith.constant 0 : i32
        %dma_wait3A_256 = arith.constant 0 : i32
        %dma_wait3A_257 = tpu.memref_slice %arg9[%dma_wait3A_255, %dma_wait3A_256] : memref<10240x128xf32, #tpu.memory_space<vmem_shared>> -> memref<10240x128xf32, #tpu.memory_space<vmem_shared>>
        tpu.wait_indirect_dma semaphore(%run_scoped3A_245 : memref<!tpu.dma_semaphore, #tpu.memory_space<semaphore_mem>>) src(%arg7 : memref<128x128xf32, #tpu.memory_space<vmem>>) dst(%dma_wait3A_257 : memref<10240x128xf32, #tpu.memory_space<vmem_shared>>)
        tpu.yield
      }) : () -> ()
      %dma_start3A_127 = arith.constant 4 : i32
      %dma_start3A_128 = arith.constant 0 : i32
      %dma_start3A_129 = tpu.memref_slice %arg5[%dma_start3A_127, %dma_start3A_128] : memref<8x128xi32, #tpu.memory_space<vmem>> -> memref<1x128xi32, #tpu.memory_space<vmem>>
      %dma_start3A_130 = tpu.memref_squeeze %dma_start3A_129 : memref<1x128xi32, #tpu.memory_space<vmem>> -> memref<128xi32, #tpu.memory_space<vmem>>
      %dma_start3A_131 = arith.constant 0 : i32
      %dma_start3A_132 = arith.constant 0 : i32
      %dma_start3A_133 = tpu.memref_slice %arg2[%dma_start3A_131, %dma_start3A_132] : memref<10240x128xf32, #tpu.memory_space<hbm>> -> memref<10240x128xf32, #tpu.memory_space<hbm>>
      tpu.enqueue_indirect_dma source(%dma_start3A_133 : memref<10240x128xf32, #tpu.memory_space<hbm>>) target(%arg7 : memref<128x128xf32, #tpu.memory_space<vmem>>) offsets(%dma_start3A_130 : memref<128xi32, #tpu.memory_space<vmem>>) semaphore(%arg12 : memref<!tpu.dma_semaphore, #tpu.memory_space<semaphore_mem>>)
      %dma_wait3A_134 = arith.constant 2 : i32
      %dma_wait3A_135 = arith.constant 0 : i32
      %dma_wait3A_136 = tpu.memref_slice %arg5[%dma_wait3A_134, %dma_wait3A_135] : memref<8x128xi32, #tpu.memory_space<vmem>> -> memref<1x128xi32, #tpu.memory_space<vmem>>
      %dma_wait3A_137 = tpu.memref_squeeze %dma_wait3A_136 : memref<1x128xi32, #tpu.memory_space<vmem>> -> memref<128xi32, #tpu.memory_space<vmem>>
      %dma_wait3A_138 = arith.constant 0 : i32
      %dma_wait3A_139 = arith.constant 0 : i32
      %dma_wait3A_140 = tpu.memref_slice %arg2[%dma_wait3A_138, %dma_wait3A_139] : memref<10240x128xf32, #tpu.memory_space<hbm>> -> memref<10240x128xf32, #tpu.memory_space<hbm>>
      tpu.wait_indirect_dma semaphore(%arg13 : memref<!tpu.dma_semaphore, #tpu.memory_space<semaphore_mem>>) src(%dma_wait3A_140 : memref<10240x128xf32, #tpu.memory_space<hbm>>) dst(%arg8 : memref<128x128xf32, #tpu.memory_space<vmem>>)
      %run_scoped3A_141 = arith.constant 3 : i32
      "tpu.region"() ({
        %run_scoped3A_245 = tpu.sem_alloc : memref<!tpu.dma_semaphore, #tpu.memory_space<semaphore_mem>>
        %dma_start3A_246 = arith.constant 0 : i32
        %dma_start3A_247 = tpu.memref_slice %arg5[%run_scoped3A_141, %dma_start3A_246] : memref<8x128xi32, #tpu.memory_space<vmem>> -> memref<1x128xi32, #tpu.memory_space<vmem>>
        %dma_start3A_248 = tpu.memref_squeeze %dma_start3A_247 : memref<1x128xi32, #tpu.memory_space<vmem>> -> memref<128xi32, #tpu.memory_space<vmem>>
        %dma_start3A_249 = arith.constant 0 : i32
        %dma_start3A_250 = arith.constant 0 : i32
        %dma_start3A_251 = tpu.memref_slice %arg9[%dma_start3A_249, %dma_start3A_250] : memref<10240x128xf32, #tpu.memory_space<vmem_shared>> -> memref<10240x128xf32, #tpu.memory_space<vmem_shared>>
        tpu.enqueue_indirect_dma source(%arg8 : memref<128x128xf32, #tpu.memory_space<vmem>>) target(%dma_start3A_251 : memref<10240x128xf32, #tpu.memory_space<vmem_shared>>) offsets(%dma_start3A_248 : memref<128xi32, #tpu.memory_space<vmem>>) semaphore(%run_scoped3A_245 : memref<!tpu.dma_semaphore, #tpu.memory_space<semaphore_mem>>) {add = true}
        %dma_wait3A_252 = arith.constant 0 : i32
        %dma_wait3A_253 = tpu.memref_slice %arg5[%run_scoped3A_141, %dma_wait3A_252] : memref<8x128xi32, #tpu.memory_space<vmem>> -> memref<1x128xi32, #tpu.memory_space<vmem>>
        %dma_wait3A_254 = tpu.memref_squeeze %dma_wait3A_253 : memref<1x128xi32, #tpu.memory_space<vmem>> -> memref<128xi32, #tpu.memory_space<vmem>>
        %dma_wait3A_255 = arith.constant 0 : i32
        %dma_wait3A_256 = arith.constant 0 : i32
        %dma_wait3A_257 = tpu.memref_slice %arg9[%dma_wait3A_255, %dma_wait3A_256] : memref<10240x128xf32, #tpu.memory_space<vmem_shared>> -> memref<10240x128xf32, #tpu.memory_space<vmem_shared>>
        tpu.wait_indirect_dma semaphore(%run_scoped3A_245 : memref<!tpu.dma_semaphore, #tpu.memory_space<semaphore_mem>>) src(%arg8 : memref<128x128xf32, #tpu.memory_space<vmem>>) dst(%dma_wait3A_257 : memref<10240x128xf32, #tpu.memory_space<vmem_shared>>)
        tpu.yield
      }) : () -> ()
      %dma_start3A_142 = arith.constant 6 : i32
      %dma_start3A_143 = arith.constant 0 : i32
      %dma_start3A_144 = tpu.memref_slice %arg5[%dma_start3A_142, %dma_start3A_143] : memref<8x128xi32, #tpu.memory_space<vmem>> -> memref<1x128xi32, #tpu.memory_space<vmem>>
      %dma_start3A_145 = tpu.memref_squeeze %dma_start3A_144 : memref<1x128xi32, #tpu.memory_space<vmem>> -> memref<128xi32, #tpu.memory_space<vmem>>
      %dma_start3A_146 = arith.constant 0 : i32
      %dma_start3A_147 = arith.constant 0 : i32
      %dma_start3A_148 = tpu.memref_slice %arg2[%dma_start3A_146, %dma_start3A_147] : memref<10240x128xf32, #tpu.memory_space<hbm>> -> memref<10240x128xf32, #tpu.memory_space<hbm>>
      tpu.enqueue_indirect_dma source(%dma_start3A_148 : memref<10240x128xf32, #tpu.memory_space<hbm>>) target(%arg8 : memref<128x128xf32, #tpu.memory_space<vmem>>) offsets(%dma_start3A_145 : memref<128xi32, #tpu.memory_space<vmem>>) semaphore(%arg13 : memref<!tpu.dma_semaphore, #tpu.memory_space<semaphore_mem>>)
      %dma_wait3A_149 = arith.constant 4 : i32
      %dma_wait3A_150 = arith.constant 0 : i32
      %dma_wait3A_151 = tpu.memref_slice %arg5[%dma_wait3A_149, %dma_wait3A_150] : memref<8x128xi32, #tpu.memory_space<vmem>> -> memref<1x128xi32, #tpu.memory_space<vmem>>
      %dma_wait3A_152 = tpu.memref_squeeze %dma_wait3A_151 : memref<1x128xi32, #tpu.memory_space<vmem>> -> memref<128xi32, #tpu.memory_space<vmem>>
      %dma_wait3A_153 = arith.constant 0 : i32
      %dma_wait3A_154 = arith.constant 0 : i32
      %dma_wait3A_155 = tpu.memref_slice %arg2[%dma_wait3A_153, %dma_wait3A_154] : memref<10240x128xf32, #tpu.memory_space<hbm>> -> memref<10240x128xf32, #tpu.memory_space<hbm>>
      tpu.wait_indirect_dma semaphore(%arg12 : memref<!tpu.dma_semaphore, #tpu.memory_space<semaphore_mem>>) src(%dma_wait3A_155 : memref<10240x128xf32, #tpu.memory_space<hbm>>) dst(%arg7 : memref<128x128xf32, #tpu.memory_space<vmem>>)
      %run_scoped3A_156 = arith.constant 5 : i32
      "tpu.region"() ({
        %run_scoped3A_245 = tpu.sem_alloc : memref<!tpu.dma_semaphore, #tpu.memory_space<semaphore_mem>>
        %dma_start3A_246 = arith.constant 0 : i32
        %dma_start3A_247 = tpu.memref_slice %arg5[%run_scoped3A_156, %dma_start3A_246] : memref<8x128xi32, #tpu.memory_space<vmem>> -> memref<1x128xi32, #tpu.memory_space<vmem>>
        %dma_start3A_248 = tpu.memref_squeeze %dma_start3A_247 : memref<1x128xi32, #tpu.memory_space<vmem>> -> memref<128xi32, #tpu.memory_space<vmem>>
        %dma_start3A_249 = arith.constant 0 : i32
        %dma_start3A_250 = arith.constant 0 : i32
        %dma_start3A_251 = tpu.memref_slice %arg9[%dma_start3A_249, %dma_start3A_250] : memref<10240x128xf32, #tpu.memory_space<vmem_shared>> -> memref<10240x128xf32, #tpu.memory_space<vmem_shared>>
        tpu.enqueue_indirect_dma source(%arg7 : memref<128x128xf32, #tpu.memory_space<vmem>>) target(%dma_start3A_251 : memref<10240x128xf32, #tpu.memory_space<vmem_shared>>) offsets(%dma_start3A_248 : memref<128xi32, #tpu.memory_space<vmem>>) semaphore(%run_scoped3A_245 : memref<!tpu.dma_semaphore, #tpu.memory_space<semaphore_mem>>) {add = true}
        %dma_wait3A_252 = arith.constant 0 : i32
        %dma_wait3A_253 = tpu.memref_slice %arg5[%run_scoped3A_156, %dma_wait3A_252] : memref<8x128xi32, #tpu.memory_space<vmem>> -> memref<1x128xi32, #tpu.memory_space<vmem>>
        %dma_wait3A_254 = tpu.memref_squeeze %dma_wait3A_253 : memref<1x128xi32, #tpu.memory_space<vmem>> -> memref<128xi32, #tpu.memory_space<vmem>>
        %dma_wait3A_255 = arith.constant 0 : i32
        %dma_wait3A_256 = arith.constant 0 : i32
        %dma_wait3A_257 = tpu.memref_slice %arg9[%dma_wait3A_255, %dma_wait3A_256] : memref<10240x128xf32, #tpu.memory_space<vmem_shared>> -> memref<10240x128xf32, #tpu.memory_space<vmem_shared>>
        tpu.wait_indirect_dma semaphore(%run_scoped3A_245 : memref<!tpu.dma_semaphore, #tpu.memory_space<semaphore_mem>>) src(%arg7 : memref<128x128xf32, #tpu.memory_space<vmem>>) dst(%dma_wait3A_257 : memref<10240x128xf32, #tpu.memory_space<vmem_shared>>)
        tpu.yield
      }) : () -> ()
      %add3A_157 = arith.constant 1 : i32
      %add3A_158 = arith.addi %add3A_112, %add3A_157 : i32
      %lt3A = arith.constant 20 : i32
      %lt3A_159 = arith.cmpi slt, %add3A_158, %lt3A : i32
      %convert_element_type3A = arith.extui %lt3A_159 : i1 to i32
      %cond3A = arith.constant 0 : i32
      %cond3A_160 = arith.cmpi ne, %convert_element_type3A, %cond3A : i32
      scf.if %cond3A_160 {
        %add3A_245 = arith.constant 1 : i32
        %add3A_246 = arith.addi %add3A_112, %add3A_245 : i32
        %mul3A_247 = arith.constant 2 : i32
        %mul3A_248 = arith.muli %add3A_246, %mul3A_247 : i32
        %mul3A_249 = arith.constant 4 : i32
        %mul3A_250 = arith.muli %mul3A_248, %mul3A_249 : i32
        %add3A_251 = arith.addi %mul3A_18, %mul3A_250 : i32
        %dma_wait3A_252 = arith.constant 0 : i32
        %dma_wait3A_253 = tpu.memref_slice %arg3[%add3A_251, %dma_wait3A_252] : memref<5120x128xi32, #tpu.memory_space<hbm>> -> memref<8x128xi32, #tpu.memory_space<hbm>>
        %dma_wait3A_254 = arith.constant 0 : i32
        %dma_wait3A_255 = tpu.memref_slice %arg3[%add3A_251, %dma_wait3A_254] : memref<5120x128xi32, #tpu.memory_space<hbm>> -> memref<8x128xi32, #tpu.memory_space<hbm>>
        tpu.wait_dma2 semaphore(%arg11 : memref<!tpu.dma_semaphore, #tpu.memory_space<semaphore_mem>>) src(%dma_wait3A_255 : memref<8x128xi32, #tpu.memory_space<hbm>>) dst(%arg6 : memref<8x128xi32, #tpu.memory_space<vmem>>)
        %dma_start3A_256 = arith.constant 0 : i32
        %dma_start3A_257 = arith.constant 0 : i32
        %dma_start3A_258 = tpu.memref_slice %arg6[%dma_start3A_256, %dma_start3A_257] : memref<8x128xi32, #tpu.memory_space<vmem>> -> memref<1x128xi32, #tpu.memory_space<vmem>>
        %dma_start3A_259 = tpu.memref_squeeze %dma_start3A_258 : memref<1x128xi32, #tpu.memory_space<vmem>> -> memref<128xi32, #tpu.memory_space<vmem>>
        %dma_start3A_260 = arith.constant 0 : i32
        %dma_start3A_261 = arith.constant 0 : i32
        %dma_start3A_262 = tpu.memref_slice %arg2[%dma_start3A_260, %dma_start3A_261] : memref<10240x128xf32, #tpu.memory_space<hbm>> -> memref<10240x128xf32, #tpu.memory_space<hbm>>
        tpu.enqueue_indirect_dma source(%dma_start3A_262 : memref<10240x128xf32, #tpu.memory_space<hbm>>) target(%arg7 : memref<128x128xf32, #tpu.memory_space<vmem>>) offsets(%dma_start3A_259 : memref<128xi32, #tpu.memory_space<vmem>>) semaphore(%arg12 : memref<!tpu.dma_semaphore, #tpu.memory_space<semaphore_mem>>)
      } else {
      }
      %dma_wait3A_161 = arith.constant 6 : i32
      %dma_wait3A_162 = arith.constant 0 : i32
      %dma_wait3A_163 = tpu.memref_slice %arg5[%dma_wait3A_161, %dma_wait3A_162] : memref<8x128xi32, #tpu.memory_space<vmem>> -> memref<1x128xi32, #tpu.memory_space<vmem>>
      %dma_wait3A_164 = tpu.memref_squeeze %dma_wait3A_163 : memref<1x128xi32, #tpu.memory_space<vmem>> -> memref<128xi32, #tpu.memory_space<vmem>>
      %dma_wait3A_165 = arith.constant 0 : i32
      %dma_wait3A_166 = arith.constant 0 : i32
      %dma_wait3A_167 = tpu.memref_slice %arg2[%dma_wait3A_165, %dma_wait3A_166] : memref<10240x128xf32, #tpu.memory_space<hbm>> -> memref<10240x128xf32, #tpu.memory_space<hbm>>
      tpu.wait_indirect_dma semaphore(%arg13 : memref<!tpu.dma_semaphore, #tpu.memory_space<semaphore_mem>>) src(%dma_wait3A_167 : memref<10240x128xf32, #tpu.memory_space<hbm>>) dst(%arg8 : memref<128x128xf32, #tpu.memory_space<vmem>>)
      %run_scoped3A_168 = arith.constant 7 : i32
      "tpu.region"() ({
        %run_scoped3A_245 = tpu.sem_alloc : memref<!tpu.dma_semaphore, #tpu.memory_space<semaphore_mem>>
        %dma_start3A_246 = arith.constant 0 : i32
        %dma_start3A_247 = tpu.memref_slice %arg5[%run_scoped3A_168, %dma_start3A_246] : memref<8x128xi32, #tpu.memory_space<vmem>> -> memref<1x128xi32, #tpu.memory_space<vmem>>
        %dma_start3A_248 = tpu.memref_squeeze %dma_start3A_247 : memref<1x128xi32, #tpu.memory_space<vmem>> -> memref<128xi32, #tpu.memory_space<vmem>>
        %dma_start3A_249 = arith.constant 0 : i32
        %dma_start3A_250 = arith.constant 0 : i32
        %dma_start3A_251 = tpu.memref_slice %arg9[%dma_start3A_249, %dma_start3A_250] : memref<10240x128xf32, #tpu.memory_space<vmem_shared>> -> memref<10240x128xf32, #tpu.memory_space<vmem_shared>>
        tpu.enqueue_indirect_dma source(%arg8 : memref<128x128xf32, #tpu.memory_space<vmem>>) target(%dma_start3A_251 : memref<10240x128xf32, #tpu.memory_space<vmem_shared>>) offsets(%dma_start3A_248 : memref<128xi32, #tpu.memory_space<vmem>>) semaphore(%run_scoped3A_245 : memref<!tpu.dma_semaphore, #tpu.memory_space<semaphore_mem>>) {add = true}
        %dma_wait3A_252 = arith.constant 0 : i32
        %dma_wait3A_253 = tpu.memref_slice %arg5[%run_scoped3A_168, %dma_wait3A_252] : memref<8x128xi32, #tpu.memory_space<vmem>> -> memref<1x128xi32, #tpu.memory_space<vmem>>
        %dma_wait3A_254 = tpu.memref_squeeze %dma_wait3A_253 : memref<1x128xi32, #tpu.memory_space<vmem>> -> memref<128xi32, #tpu.memory_space<vmem>>
        %dma_wait3A_255 = arith.constant 0 : i32
        %dma_wait3A_256 = arith.constant 0 : i32
        %dma_wait3A_257 = tpu.memref_slice %arg9[%dma_wait3A_255, %dma_wait3A_256] : memref<10240x128xf32, #tpu.memory_space<vmem_shared>> -> memref<10240x128xf32, #tpu.memory_space<vmem_shared>>
        tpu.wait_indirect_dma semaphore(%run_scoped3A_245 : memref<!tpu.dma_semaphore, #tpu.memory_space<semaphore_mem>>) src(%arg8 : memref<128x128xf32, #tpu.memory_space<vmem>>) dst(%dma_wait3A_257 : memref<10240x128xf32, #tpu.memory_space<vmem_shared>>)
        tpu.yield
      }) : () -> ()
      %add3A_169 = arith.constant 2 : i32
      %add3A_170 = arith.addi %add3A_112, %add3A_169 : i32
      %lt3A_171 = arith.constant 20 : i32
      %lt3A_172 = arith.cmpi slt, %add3A_170, %lt3A_171 : i32
      %convert_element_type3A_173 = arith.extui %lt3A_172 : i1 to i32
      %cond3A_174 = arith.constant 0 : i32
      %cond3A_175 = arith.cmpi ne, %convert_element_type3A_173, %cond3A_174 : i32
      scf.if %cond3A_175 {
        %add3A_245 = arith.constant 2 : i32
        %add3A_246 = arith.addi %add3A_112, %add3A_245 : i32
        %mul3A_247 = arith.constant 2 : i32
        %mul3A_248 = arith.muli %add3A_246, %mul3A_247 : i32
        %mul3A_249 = arith.constant 4 : i32
        %mul3A_250 = arith.muli %mul3A_248, %mul3A_249 : i32
        %add3A_251 = arith.addi %mul3A_18, %mul3A_250 : i32
        %dma_start3A_252 = arith.constant 0 : i32
        %dma_start3A_253 = tpu.memref_slice %arg3[%add3A_251, %dma_start3A_252] : memref<5120x128xi32, #tpu.memory_space<hbm>> -> memref<8x128xi32, #tpu.memory_space<hbm>>
        %dma_start3A_254 = arith.constant 0 : i32
        %dma_start3A_255 = tpu.memref_slice %arg3[%add3A_251, %dma_start3A_254] : memref<5120x128xi32, #tpu.memory_space<hbm>> -> memref<8x128xi32, #tpu.memory_space<hbm>>
        tpu.enqueue_dma source(%dma_start3A_255 : memref<8x128xi32, #tpu.memory_space<hbm>>) target(%arg5 : memref<8x128xi32, #tpu.memory_space<vmem>>) target_semaphore(%arg10 : memref<!tpu.dma_semaphore, #tpu.memory_space<semaphore_mem>>)
      } else {
      }
      %add3A_176 = arith.constant 1 : i32
      %add3A_177 = arith.addi %add3A_112, %add3A_176 : i32
      %dma_start3A_178 = arith.constant 2 : i32
      %dma_start3A_179 = arith.constant 0 : i32
      %dma_start3A_180 = tpu.memref_slice %arg6[%dma_start3A_178, %dma_start3A_179] : memref<8x128xi32, #tpu.memory_space<vmem>> -> memref<1x128xi32, #tpu.memory_space<vmem>>
      %dma_start3A_181 = tpu.memref_squeeze %dma_start3A_180 : memref<1x128xi32, #tpu.memory_space<vmem>> -> memref<128xi32, #tpu.memory_space<vmem>>
      %dma_start3A_182 = arith.constant 0 : i32
      %dma_start3A_183 = arith.constant 0 : i32
      %dma_start3A_184 = tpu.memref_slice %arg2[%dma_start3A_182, %dma_start3A_183] : memref<10240x128xf32, #tpu.memory_space<hbm>> -> memref<10240x128xf32, #tpu.memory_space<hbm>>
      tpu.enqueue_indirect_dma source(%dma_start3A_184 : memref<10240x128xf32, #tpu.memory_space<hbm>>) target(%arg8 : memref<128x128xf32, #tpu.memory_space<vmem>>) offsets(%dma_start3A_181 : memref<128xi32, #tpu.memory_space<vmem>>) semaphore(%arg13 : memref<!tpu.dma_semaphore, #tpu.memory_space<semaphore_mem>>)
      %dma_wait3A_185 = arith.constant 0 : i32
      %dma_wait3A_186 = arith.constant 0 : i32
      %dma_wait3A_187 = tpu.memref_slice %arg6[%dma_wait3A_185, %dma_wait3A_186] : memref<8x128xi32, #tpu.memory_space<vmem>> -> memref<1x128xi32, #tpu.memory_space<vmem>>
      %dma_wait3A_188 = tpu.memref_squeeze %dma_wait3A_187 : memref<1x128xi32, #tpu.memory_space<vmem>> -> memref<128xi32, #tpu.memory_space<vmem>>
      %dma_wait3A_189 = arith.constant 0 : i32
      %dma_wait3A_190 = arith.constant 0 : i32
      %dma_wait3A_191 = tpu.memref_slice %arg2[%dma_wait3A_189, %dma_wait3A_190] : memref<10240x128xf32, #tpu.memory_space<hbm>> -> memref<10240x128xf32, #tpu.memory_space<hbm>>
      tpu.wait_indirect_dma semaphore(%arg12 : memref<!tpu.dma_semaphore, #tpu.memory_space<semaphore_mem>>) src(%dma_wait3A_191 : memref<10240x128xf32, #tpu.memory_space<hbm>>) dst(%arg7 : memref<128x128xf32, #tpu.memory_space<vmem>>)
      %run_scoped3A_192 = arith.constant 1 : i32
      "tpu.region"() ({
        %run_scoped3A_245 = tpu.sem_alloc : memref<!tpu.dma_semaphore, #tpu.memory_space<semaphore_mem>>
        %dma_start3A_246 = arith.constant 0 : i32
        %dma_start3A_247 = tpu.memref_slice %arg6[%run_scoped3A_192, %dma_start3A_246] : memref<8x128xi32, #tpu.memory_space<vmem>> -> memref<1x128xi32, #tpu.memory_space<vmem>>
        %dma_start3A_248 = tpu.memref_squeeze %dma_start3A_247 : memref<1x128xi32, #tpu.memory_space<vmem>> -> memref<128xi32, #tpu.memory_space<vmem>>
        %dma_start3A_249 = arith.constant 0 : i32
        %dma_start3A_250 = arith.constant 0 : i32
        %dma_start3A_251 = tpu.memref_slice %arg9[%dma_start3A_249, %dma_start3A_250] : memref<10240x128xf32, #tpu.memory_space<vmem_shared>> -> memref<10240x128xf32, #tpu.memory_space<vmem_shared>>
        tpu.enqueue_indirect_dma source(%arg7 : memref<128x128xf32, #tpu.memory_space<vmem>>) target(%dma_start3A_251 : memref<10240x128xf32, #tpu.memory_space<vmem_shared>>) offsets(%dma_start3A_248 : memref<128xi32, #tpu.memory_space<vmem>>) semaphore(%run_scoped3A_245 : memref<!tpu.dma_semaphore, #tpu.memory_space<semaphore_mem>>) {add = true}
        %dma_wait3A_252 = arith.constant 0 : i32
        %dma_wait3A_253 = tpu.memref_slice %arg6[%run_scoped3A_192, %dma_wait3A_252] : memref<8x128xi32, #tpu.memory_space<vmem>> -> memref<1x128xi32, #tpu.memory_space<vmem>>
        %dma_wait3A_254 = tpu.memref_squeeze %dma_wait3A_253 : memref<1x128xi32, #tpu.memory_space<vmem>> -> memref<128xi32, #tpu.memory_space<vmem>>
        %dma_wait3A_255 = arith.constant 0 : i32
        %dma_wait3A_256 = arith.constant 0 : i32
        %dma_wait3A_257 = tpu.memref_slice %arg9[%dma_wait3A_255, %dma_wait3A_256] : memref<10240x128xf32, #tpu.memory_space<vmem_shared>> -> memref<10240x128xf32, #tpu.memory_space<vmem_shared>>
        tpu.wait_indirect_dma semaphore(%run_scoped3A_245 : memref<!tpu.dma_semaphore, #tpu.memory_space<semaphore_mem>>) src(%arg7 : memref<128x128xf32, #tpu.memory_space<vmem>>) dst(%dma_wait3A_257 : memref<10240x128xf32, #tpu.memory_space<vmem_shared>>)
        tpu.yield
      }) : () -> ()
      %dma_start3A_193 = arith.constant 4 : i32
      %dma_start3A_194 = arith.constant 0 : i32
      %dma_start3A_195 = tpu.memref_slice %arg6[%dma_start3A_193, %dma_start3A_194] : memref<8x128xi32, #tpu.memory_space<vmem>> -> memref<1x128xi32, #tpu.memory_space<vmem>>
      %dma_start3A_196 = tpu.memref_squeeze %dma_start3A_195 : memref<1x128xi32, #tpu.memory_space<vmem>> -> memref<128xi32, #tpu.memory_space<vmem>>
      %dma_start3A_197 = arith.constant 0 : i32
      %dma_start3A_198 = arith.constant 0 : i32
      %dma_start3A_199 = tpu.memref_slice %arg2[%dma_start3A_197, %dma_start3A_198] : memref<10240x128xf32, #tpu.memory_space<hbm>> -> memref<10240x128xf32, #tpu.memory_space<hbm>>
      tpu.enqueue_indirect_dma source(%dma_start3A_199 : memref<10240x128xf32, #tpu.memory_space<hbm>>) target(%arg7 : memref<128x128xf32, #tpu.memory_space<vmem>>) offsets(%dma_start3A_196 : memref<128xi32, #tpu.memory_space<vmem>>) semaphore(%arg12 : memref<!tpu.dma_semaphore, #tpu.memory_space<semaphore_mem>>)
      %dma_wait3A_200 = arith.constant 2 : i32
      %dma_wait3A_201 = arith.constant 0 : i32
      %dma_wait3A_202 = tpu.memref_slice %arg6[%dma_wait3A_200, %dma_wait3A_201] : memref<8x128xi32, #tpu.memory_space<vmem>> -> memref<1x128xi32, #tpu.memory_space<vmem>>
      %dma_wait3A_203 = tpu.memref_squeeze %dma_wait3A_202 : memref<1x128xi32, #tpu.memory_space<vmem>> -> memref<128xi32, #tpu.memory_space<vmem>>
      %dma_wait3A_204 = arith.constant 0 : i32
      %dma_wait3A_205 = arith.constant 0 : i32
      %dma_wait3A_206 = tpu.memref_slice %arg2[%dma_wait3A_204, %dma_wait3A_205] : memref<10240x128xf32, #tpu.memory_space<hbm>> -> memref<10240x128xf32, #tpu.memory_space<hbm>>
      tpu.wait_indirect_dma semaphore(%arg13 : memref<!tpu.dma_semaphore, #tpu.memory_space<semaphore_mem>>) src(%dma_wait3A_206 : memref<10240x128xf32, #tpu.memory_space<hbm>>) dst(%arg8 : memref<128x128xf32, #tpu.memory_space<vmem>>)
      %run_scoped3A_207 = arith.constant 3 : i32
      "tpu.region"() ({
        %run_scoped3A_245 = tpu.sem_alloc : memref<!tpu.dma_semaphore, #tpu.memory_space<semaphore_mem>>
        %dma_start3A_246 = arith.constant 0 : i32
        %dma_start3A_247 = tpu.memref_slice %arg6[%run_scoped3A_207, %dma_start3A_246] : memref<8x128xi32, #tpu.memory_space<vmem>> -> memref<1x128xi32, #tpu.memory_space<vmem>>
        %dma_start3A_248 = tpu.memref_squeeze %dma_start3A_247 : memref<1x128xi32, #tpu.memory_space<vmem>> -> memref<128xi32, #tpu.memory_space<vmem>>
        %dma_start3A_249 = arith.constant 0 : i32
        %dma_start3A_250 = arith.constant 0 : i32
        %dma_start3A_251 = tpu.memref_slice %arg9[%dma_start3A_249, %dma_start3A_250] : memref<10240x128xf32, #tpu.memory_space<vmem_shared>> -> memref<10240x128xf32, #tpu.memory_space<vmem_shared>>
        tpu.enqueue_indirect_dma source(%arg8 : memref<128x128xf32, #tpu.memory_space<vmem>>) target(%dma_start3A_251 : memref<10240x128xf32, #tpu.memory_space<vmem_shared>>) offsets(%dma_start3A_248 : memref<128xi32, #tpu.memory_space<vmem>>) semaphore(%run_scoped3A_245 : memref<!tpu.dma_semaphore, #tpu.memory_space<semaphore_mem>>) {add = true}
        %dma_wait3A_252 = arith.constant 0 : i32
        %dma_wait3A_253 = tpu.memref_slice %arg6[%run_scoped3A_207, %dma_wait3A_252] : memref<8x128xi32, #tpu.memory_space<vmem>> -> memref<1x128xi32, #tpu.memory_space<vmem>>
        %dma_wait3A_254 = tpu.memref_squeeze %dma_wait3A_253 : memref<1x128xi32, #tpu.memory_space<vmem>> -> memref<128xi32, #tpu.memory_space<vmem>>
        %dma_wait3A_255 = arith.constant 0 : i32
        %dma_wait3A_256 = arith.constant 0 : i32
        %dma_wait3A_257 = tpu.memref_slice %arg9[%dma_wait3A_255, %dma_wait3A_256] : memref<10240x128xf32, #tpu.memory_space<vmem_shared>> -> memref<10240x128xf32, #tpu.memory_space<vmem_shared>>
        tpu.wait_indirect_dma semaphore(%run_scoped3A_245 : memref<!tpu.dma_semaphore, #tpu.memory_space<semaphore_mem>>) src(%arg8 : memref<128x128xf32, #tpu.memory_space<vmem>>) dst(%dma_wait3A_257 : memref<10240x128xf32, #tpu.memory_space<vmem_shared>>)
        tpu.yield
      }) : () -> ()
      %dma_start3A_208 = arith.constant 6 : i32
      %dma_start3A_209 = arith.constant 0 : i32
      %dma_start3A_210 = tpu.memref_slice %arg6[%dma_start3A_208, %dma_start3A_209] : memref<8x128xi32, #tpu.memory_space<vmem>> -> memref<1x128xi32, #tpu.memory_space<vmem>>
      %dma_start3A_211 = tpu.memref_squeeze %dma_start3A_210 : memref<1x128xi32, #tpu.memory_space<vmem>> -> memref<128xi32, #tpu.memory_space<vmem>>
      %dma_start3A_212 = arith.constant 0 : i32
      %dma_start3A_213 = arith.constant 0 : i32
      %dma_start3A_214 = tpu.memref_slice %arg2[%dma_start3A_212, %dma_start3A_213] : memref<10240x128xf32, #tpu.memory_space<hbm>> -> memref<10240x128xf32, #tpu.memory_space<hbm>>
      tpu.enqueue_indirect_dma source(%dma_start3A_214 : memref<10240x128xf32, #tpu.memory_space<hbm>>) target(%arg8 : memref<128x128xf32, #tpu.memory_space<vmem>>) offsets(%dma_start3A_211 : memref<128xi32, #tpu.memory_space<vmem>>) semaphore(%arg13 : memref<!tpu.dma_semaphore, #tpu.memory_space<semaphore_mem>>)
      %dma_wait3A_215 = arith.constant 4 : i32
      %dma_wait3A_216 = arith.constant 0 : i32
      %dma_wait3A_217 = tpu.memref_slice %arg6[%dma_wait3A_215, %dma_wait3A_216] : memref<8x128xi32, #tpu.memory_space<vmem>> -> memref<1x128xi32, #tpu.memory_space<vmem>>
      %dma_wait3A_218 = tpu.memref_squeeze %dma_wait3A_217 : memref<1x128xi32, #tpu.memory_space<vmem>> -> memref<128xi32, #tpu.memory_space<vmem>>
      %dma_wait3A_219 = arith.constant 0 : i32
      %dma_wait3A_220 = arith.constant 0 : i32
      %dma_wait3A_221 = tpu.memref_slice %arg2[%dma_wait3A_219, %dma_wait3A_220] : memref<10240x128xf32, #tpu.memory_space<hbm>> -> memref<10240x128xf32, #tpu.memory_space<hbm>>
      tpu.wait_indirect_dma semaphore(%arg12 : memref<!tpu.dma_semaphore, #tpu.memory_space<semaphore_mem>>) src(%dma_wait3A_221 : memref<10240x128xf32, #tpu.memory_space<hbm>>) dst(%arg7 : memref<128x128xf32, #tpu.memory_space<vmem>>)
      %run_scoped3A_222 = arith.constant 5 : i32
      "tpu.region"() ({
        %run_scoped3A_245 = tpu.sem_alloc : memref<!tpu.dma_semaphore, #tpu.memory_space<semaphore_mem>>
        %dma_start3A_246 = arith.constant 0 : i32
        %dma_start3A_247 = tpu.memref_slice %arg6[%run_scoped3A_222, %dma_start3A_246] : memref<8x128xi32, #tpu.memory_space<vmem>> -> memref<1x128xi32, #tpu.memory_space<vmem>>
        %dma_start3A_248 = tpu.memref_squeeze %dma_start3A_247 : memref<1x128xi32, #tpu.memory_space<vmem>> -> memref<128xi32, #tpu.memory_space<vmem>>
        %dma_start3A_249 = arith.constant 0 : i32
        %dma_start3A_250 = arith.constant 0 : i32
        %dma_start3A_251 = tpu.memref_slice %arg9[%dma_start3A_249, %dma_start3A_250] : memref<10240x128xf32, #tpu.memory_space<vmem_shared>> -> memref<10240x128xf32, #tpu.memory_space<vmem_shared>>
        tpu.enqueue_indirect_dma source(%arg7 : memref<128x128xf32, #tpu.memory_space<vmem>>) target(%dma_start3A_251 : memref<10240x128xf32, #tpu.memory_space<vmem_shared>>) offsets(%dma_start3A_248 : memref<128xi32, #tpu.memory_space<vmem>>) semaphore(%run_scoped3A_245 : memref<!tpu.dma_semaphore, #tpu.memory_space<semaphore_mem>>) {add = true}
        %dma_wait3A_252 = arith.constant 0 : i32
        %dma_wait3A_253 = tpu.memref_slice %arg6[%run_scoped3A_222, %dma_wait3A_252] : memref<8x128xi32, #tpu.memory_space<vmem>> -> memref<1x128xi32, #tpu.memory_space<vmem>>
        %dma_wait3A_254 = tpu.memref_squeeze %dma_wait3A_253 : memref<1x128xi32, #tpu.memory_space<vmem>> -> memref<128xi32, #tpu.memory_space<vmem>>
        %dma_wait3A_255 = arith.constant 0 : i32
        %dma_wait3A_256 = arith.constant 0 : i32
        %dma_wait3A_257 = tpu.memref_slice %arg9[%dma_wait3A_255, %dma_wait3A_256] : memref<10240x128xf32, #tpu.memory_space<vmem_shared>> -> memref<10240x128xf32, #tpu.memory_space<vmem_shared>>
        tpu.wait_indirect_dma semaphore(%run_scoped3A_245 : memref<!tpu.dma_semaphore, #tpu.memory_space<semaphore_mem>>) src(%arg7 : memref<128x128xf32, #tpu.memory_space<vmem>>) dst(%dma_wait3A_257 : memref<10240x128xf32, #tpu.memory_space<vmem_shared>>)
        tpu.yield
      }) : () -> ()
      %add3A_223 = arith.constant 1 : i32
      %add3A_224 = arith.addi %add3A_177, %add3A_223 : i32
      %lt3A_225 = arith.constant 20 : i32
      %lt3A_226 = arith.cmpi slt, %add3A_224, %lt3A_225 : i32
      %convert_element_type3A_227 = arith.extui %lt3A_226 : i1 to i32
      %cond3A_228 = arith.constant 0 : i32
      %cond3A_229 = arith.cmpi ne, %convert_element_type3A_227, %cond3A_228 : i32
      scf.if %cond3A_229 {
        %add3A_245 = arith.constant 1 : i32
        %add3A_246 = arith.addi %add3A_177, %add3A_245 : i32
        %mul3A_247 = arith.constant 2 : i32
        %mul3A_248 = arith.muli %add3A_246, %mul3A_247 : i32
        %mul3A_249 = arith.constant 4 : i32
        %mul3A_250 = arith.muli %mul3A_248, %mul3A_249 : i32
        %add3A_251 = arith.addi %mul3A_18, %mul3A_250 : i32
        %dma_wait3A_252 = arith.constant 0 : i32
        %dma_wait3A_253 = tpu.memref_slice %arg3[%add3A_251, %dma_wait3A_252] : memref<5120x128xi32, #tpu.memory_space<hbm>> -> memref<8x128xi32, #tpu.memory_space<hbm>>
        %dma_wait3A_254 = arith.constant 0 : i32
        %dma_wait3A_255 = tpu.memref_slice %arg3[%add3A_251, %dma_wait3A_254] : memref<5120x128xi32, #tpu.memory_space<hbm>> -> memref<8x128xi32, #tpu.memory_space<hbm>>
        tpu.wait_dma2 semaphore(%arg10 : memref<!tpu.dma_semaphore, #tpu.memory_space<semaphore_mem>>) src(%dma_wait3A_255 : memref<8x128xi32, #tpu.memory_space<hbm>>) dst(%arg5 : memref<8x128xi32, #tpu.memory_space<vmem>>)
        %dma_start3A_256 = arith.constant 0 : i32
        %dma_start3A_257 = arith.constant 0 : i32
        %dma_start3A_258 = tpu.memref_slice %arg5[%dma_start3A_256, %dma_start3A_257] : memref<8x128xi32, #tpu.memory_space<vmem>> -> memref<1x128xi32, #tpu.memory_space<vmem>>
        %dma_start3A_259 = tpu.memref_squeeze %dma_start3A_258 : memref<1x128xi32, #tpu.memory_space<vmem>> -> memref<128xi32, #tpu.memory_space<vmem>>
        %dma_start3A_260 = arith.constant 0 : i32
        %dma_start3A_261 = arith.constant 0 : i32
        %dma_start3A_262 = tpu.memref_slice %arg2[%dma_start3A_260, %dma_start3A_261] : memref<10240x128xf32, #tpu.memory_space<hbm>> -> memref<10240x128xf32, #tpu.memory_space<hbm>>
        tpu.enqueue_indirect_dma source(%dma_start3A_262 : memref<10240x128xf32, #tpu.memory_space<hbm>>) target(%arg7 : memref<128x128xf32, #tpu.memory_space<vmem>>) offsets(%dma_start3A_259 : memref<128xi32, #tpu.memory_space<vmem>>) semaphore(%arg12 : memref<!tpu.dma_semaphore, #tpu.memory_space<semaphore_mem>>)
      } else {
      }
      %dma_wait3A_230 = arith.constant 6 : i32
      %dma_wait3A_231 = arith.constant 0 : i32
      %dma_wait3A_232 = tpu.memref_slice %arg6[%dma_wait3A_230, %dma_wait3A_231] : memref<8x128xi32, #tpu.memory_space<vmem>> -> memref<1x128xi32, #tpu.memory_space<vmem>>
      %dma_wait3A_233 = tpu.memref_squeeze %dma_wait3A_232 : memref<1x128xi32, #tpu.memory_space<vmem>> -> memref<128xi32, #tpu.memory_space<vmem>>
      %dma_wait3A_234 = arith.constant 0 : i32
      %dma_wait3A_235 = arith.constant 0 : i32
      %dma_wait3A_236 = tpu.memref_slice %arg2[%dma_wait3A_234, %dma_wait3A_235] : memref<10240x128xf32, #tpu.memory_space<hbm>> -> memref<10240x128xf32, #tpu.memory_space<hbm>>
      tpu.wait_indirect_dma semaphore(%arg13 : memref<!tpu.dma_semaphore, #tpu.memory_space<semaphore_mem>>) src(%dma_wait3A_236 : memref<10240x128xf32, #tpu.memory_space<hbm>>) dst(%arg8 : memref<128x128xf32, #tpu.memory_space<vmem>>)
      %run_scoped3A_237 = arith.constant 7 : i32
      "tpu.region"() ({
        %run_scoped3A_245 = tpu.sem_alloc : memref<!tpu.dma_semaphore, #tpu.memory_space<semaphore_mem>>
        %dma_start3A_246 = arith.constant 0 : i32
        %dma_start3A_247 = tpu.memref_slice %arg6[%run_scoped3A_237, %dma_start3A_246] : memref<8x128xi32, #tpu.memory_space<vmem>> -> memref<1x128xi32, #tpu.memory_space<vmem>>
        %dma_start3A_248 = tpu.memref_squeeze %dma_start3A_247 : memref<1x128xi32, #tpu.memory_space<vmem>> -> memref<128xi32, #tpu.memory_space<vmem>>
        %dma_start3A_249 = arith.constant 0 : i32
        %dma_start3A_250 = arith.constant 0 : i32
        %dma_start3A_251 = tpu.memref_slice %arg9[%dma_start3A_249, %dma_start3A_250] : memref<10240x128xf32, #tpu.memory_space<vmem_shared>> -> memref<10240x128xf32, #tpu.memory_space<vmem_shared>>
        tpu.enqueue_indirect_dma source(%arg8 : memref<128x128xf32, #tpu.memory_space<vmem>>) target(%dma_start3A_251 : memref<10240x128xf32, #tpu.memory_space<vmem_shared>>) offsets(%dma_start3A_248 : memref<128xi32, #tpu.memory_space<vmem>>) semaphore(%run_scoped3A_245 : memref<!tpu.dma_semaphore, #tpu.memory_space<semaphore_mem>>) {add = true}
        %dma_wait3A_252 = arith.constant 0 : i32
        %dma_wait3A_253 = tpu.memref_slice %arg6[%run_scoped3A_237, %dma_wait3A_252] : memref<8x128xi32, #tpu.memory_space<vmem>> -> memref<1x128xi32, #tpu.memory_space<vmem>>
        %dma_wait3A_254 = tpu.memref_squeeze %dma_wait3A_253 : memref<1x128xi32, #tpu.memory_space<vmem>> -> memref<128xi32, #tpu.memory_space<vmem>>
        %dma_wait3A_255 = arith.constant 0 : i32
        %dma_wait3A_256 = arith.constant 0 : i32
        %dma_wait3A_257 = tpu.memref_slice %arg9[%dma_wait3A_255, %dma_wait3A_256] : memref<10240x128xf32, #tpu.memory_space<vmem_shared>> -> memref<10240x128xf32, #tpu.memory_space<vmem_shared>>
        tpu.wait_indirect_dma semaphore(%run_scoped3A_245 : memref<!tpu.dma_semaphore, #tpu.memory_space<semaphore_mem>>) src(%arg8 : memref<128x128xf32, #tpu.memory_space<vmem>>) dst(%dma_wait3A_257 : memref<10240x128xf32, #tpu.memory_space<vmem_shared>>)
        tpu.yield
      }) : () -> ()
      %add3A_238 = arith.constant 3 : i32
      %add3A_239 = arith.addi %add3A_112, %add3A_238 : i32
      %lt3A_240 = arith.constant 20 : i32
      %lt3A_241 = arith.cmpi slt, %add3A_239, %lt3A_240 : i32
      %convert_element_type3A_242 = arith.extui %lt3A_241 : i1 to i32
      %cond3A_243 = arith.constant 0 : i32
      %cond3A_244 = arith.cmpi ne, %convert_element_type3A_242, %cond3A_243 : i32
      scf.if %cond3A_244 {
        %add3A_245 = arith.constant 3 : i32
        %add3A_246 = arith.addi %add3A_112, %add3A_245 : i32
        %mul3A_247 = arith.constant 2 : i32
        %mul3A_248 = arith.muli %add3A_246, %mul3A_247 : i32
        %mul3A_249 = arith.constant 4 : i32
        %mul3A_250 = arith.muli %mul3A_248, %mul3A_249 : i32
        %add3A_251 = arith.addi %mul3A_18, %mul3A_250 : i32
        %dma_start3A_252 = arith.constant 0 : i32
        %dma_start3A_253 = tpu.memref_slice %arg3[%add3A_251, %dma_start3A_252] : memref<5120x128xi32, #tpu.memory_space<hbm>> -> memref<8x128xi32, #tpu.memory_space<hbm>>
        %dma_start3A_254 = arith.constant 0 : i32
        %dma_start3A_255 = tpu.memref_slice %arg3[%add3A_251, %dma_start3A_254] : memref<5120x128xi32, #tpu.memory_space<hbm>> -> memref<8x128xi32, #tpu.memory_space<hbm>>
        tpu.enqueue_dma source(%dma_start3A_255 : memref<8x128xi32, #tpu.memory_space<hbm>>) target(%arg6 : memref<8x128xi32, #tpu.memory_space<vmem>>) target_semaphore(%arg11 : memref<!tpu.dma_semaphore, #tpu.memory_space<semaphore_mem>>)
      } else {
      }
    }
    %scan3A_37 = arith.constant 10 : i32
    %barrier3A_38 = arith.constant 0 : index
    tpu.barrier barrier_id(%barrier3A_38)
    %mul3A_39 = arith.constant 640 : i32
    %mul3A_40 = arith.muli %arg1, %mul3A_39 : i32
    %dma_start3A_41 = arith.constant 0 : i32
    %dma_start3A_42 = tpu.memref_slice %arg9[%mul3A_40, %dma_start3A_41] : memref<10240x128xf32, #tpu.memory_space<vmem_shared>> -> memref<128x128xf32, #tpu.memory_space<vmem_shared>>
    %dma_start3A_43 = arith.constant 0 : i32
    %dma_start3A_44 = tpu.memref_slice %arg9[%mul3A_40, %dma_start3A_43] : memref<10240x128xf32, #tpu.memory_space<vmem_shared>> -> memref<128x128xf32, #tpu.memory_space<vmem_shared>>
    tpu.enqueue_dma source(%dma_start3A_44 : memref<128x128xf32, #tpu.memory_space<vmem_shared>>) target(%arg7 : memref<128x128xf32, #tpu.memory_space<vmem>>) target_semaphore(%arg12 : memref<!tpu.dma_semaphore, #tpu.memory_space<semaphore_mem>>)
    %add3A_45 = arith.constant 128 : i32
    %add3A_46 = arith.addi %mul3A_40, %add3A_45 : i32
    %dma_start3A_47 = arith.constant 0 : i32
    %dma_start3A_48 = tpu.memref_slice %arg9[%add3A_46, %dma_start3A_47] : memref<10240x128xf32, #tpu.memory_space<vmem_shared>> -> memref<128x128xf32, #tpu.memory_space<vmem_shared>>
    %dma_start3A_49 = arith.constant 0 : i32
    %dma_start3A_50 = tpu.memref_slice %arg9[%add3A_46, %dma_start3A_49] : memref<10240x128xf32, #tpu.memory_space<vmem_shared>> -> memref<128x128xf32, #tpu.memory_space<vmem_shared>>
    tpu.enqueue_dma source(%dma_start3A_50 : memref<128x128xf32, #tpu.memory_space<vmem_shared>>) target(%arg8 : memref<128x128xf32, #tpu.memory_space<vmem>>) target_semaphore(%arg13 : memref<!tpu.dma_semaphore, #tpu.memory_space<semaphore_mem>>)
    %add3A_51 = arith.constant 0 : i32
    %add3A_52 = arith.addi %mul3A_40, %add3A_51 : i32
    %dma_wait3A = arith.constant 0 : i32
    %dma_wait3A_53 = tpu.memref_slice %arg9[%add3A_52, %dma_wait3A] : memref<10240x128xf32, #tpu.memory_space<vmem_shared>> -> memref<128x128xf32, #tpu.memory_space<vmem_shared>>
    %dma_wait3A_54 = arith.constant 0 : i32
    %dma_wait3A_55 = tpu.memref_slice %arg9[%add3A_52, %dma_wait3A_54] : memref<10240x128xf32, #tpu.memory_space<vmem_shared>> -> memref<128x128xf32, #tpu.memory_space<vmem_shared>>
    tpu.wait_dma2 semaphore(%arg12 : memref<!tpu.dma_semaphore, #tpu.memory_space<semaphore_mem>>) src(%dma_wait3A_55 : memref<128x128xf32, #tpu.memory_space<vmem_shared>>) dst(%arg7 : memref<128x128xf32, #tpu.memory_space<vmem>>)
    %add3A_56 = arith.constant 0 : i32
    %add3A_57 = arith.addi %mul3A_40, %add3A_56 : i32
    "tpu.region"() ({
      %run_scoped3A = tpu.sem_alloc : memref<!tpu.dma_semaphore, #tpu.memory_space<semaphore_mem>>
      %dma_start3A_108 = arith.constant 0 : i32
      %dma_start3A_109 = tpu.memref_slice %arg4[%arg0, %add3A_57, %dma_start3A_108] : memref<2x10240x128xf32, #tpu.memory_space<hbm>> -> memref<1x128x128xf32, #tpu.memory_space<hbm>>
      %dma_start3A_110 = tpu.memref_squeeze %dma_start3A_109 : memref<1x128x128xf32, #tpu.memory_space<hbm>> -> memref<128x128xf32, #tpu.memory_space<hbm>>
      %dma_start3A_111 = arith.constant 0 : i32
      %dma_start3A_112 = tpu.memref_slice %arg4[%arg0, %add3A_57, %dma_start3A_111] : memref<2x10240x128xf32, #tpu.memory_space<hbm>> -> memref<1x128x128xf32, #tpu.memory_space<hbm>>
      %dma_start3A_113 = tpu.memref_squeeze %dma_start3A_112 : memref<1x128x128xf32, #tpu.memory_space<hbm>> -> memref<128x128xf32, #tpu.memory_space<hbm>>
      tpu.enqueue_dma source(%arg7 : memref<128x128xf32, #tpu.memory_space<vmem>>) target(%dma_start3A_113 : memref<128x128xf32, #tpu.memory_space<hbm>>) target_semaphore(%run_scoped3A : memref<!tpu.dma_semaphore, #tpu.memory_space<semaphore_mem>>)
      %dma_wait3A_114 = arith.constant 0 : i32
      %dma_wait3A_115 = tpu.memref_slice %arg4[%arg0, %add3A_57, %dma_wait3A_114] : memref<2x10240x128xf32, #tpu.memory_space<hbm>> -> memref<1x128x128xf32, #tpu.memory_space<hbm>>
      %dma_wait3A_116 = tpu.memref_squeeze %dma_wait3A_115 : memref<1x128x128xf32, #tpu.memory_space<hbm>> -> memref<128x128xf32, #tpu.memory_space<hbm>>
      %dma_wait3A_117 = arith.constant 0 : i32
      %dma_wait3A_118 = tpu.memref_slice %arg4[%arg0, %add3A_57, %dma_wait3A_117] : memref<2x10240x128xf32, #tpu.memory_space<hbm>> -> memref<1x128x128xf32, #tpu.memory_space<hbm>>
      %dma_wait3A_119 = tpu.memref_squeeze %dma_wait3A_118 : memref<1x128x128xf32, #tpu.memory_space<hbm>> -> memref<128x128xf32, #tpu.memory_space<hbm>>
      tpu.wait_dma2 semaphore(%run_scoped3A : memref<!tpu.dma_semaphore, #tpu.memory_space<semaphore_mem>>) src(%arg7 : memref<128x128xf32, #tpu.memory_space<vmem>>) dst(%dma_wait3A_119 : memref<128x128xf32, #tpu.memory_space<hbm>>)
      tpu.yield
    }) : () -> ()
    %add3A_58 = arith.constant 256 : i32
    %add3A_59 = arith.addi %mul3A_40, %add3A_58 : i32
    %dma_start3A_60 = arith.constant 0 : i32
    %dma_start3A_61 = tpu.memref_slice %arg9[%add3A_59, %dma_start3A_60] : memref<10240x128xf32, #tpu.memory_space<vmem_shared>> -> memref<128x128xf32, #tpu.memory_space<vmem_shared>>
    %dma_start3A_62 = arith.constant 0 : i32
    %dma_start3A_63 = tpu.memref_slice %arg9[%add3A_59, %dma_start3A_62] : memref<10240x128xf32, #tpu.memory_space<vmem_shared>> -> memref<128x128xf32, #tpu.memory_space<vmem_shared>>
    tpu.enqueue_dma source(%dma_start3A_63 : memref<128x128xf32, #tpu.memory_space<vmem_shared>>) target(%arg7 : memref<128x128xf32, #tpu.memory_space<vmem>>) target_semaphore(%arg12 : memref<!tpu.dma_semaphore, #tpu.memory_space<semaphore_mem>>)
    %add3A_64 = arith.constant 128 : i32
    %add3A_65 = arith.addi %mul3A_40, %add3A_64 : i32
    %dma_wait3A_66 = arith.constant 0 : i32
    %dma_wait3A_67 = tpu.memref_slice %arg9[%add3A_65, %dma_wait3A_66] : memref<10240x128xf32, #tpu.memory_space<vmem_shared>> -> memref<128x128xf32, #tpu.memory_space<vmem_shared>>
    %dma_wait3A_68 = arith.constant 0 : i32
    %dma_wait3A_69 = tpu.memref_slice %arg9[%add3A_65, %dma_wait3A_68] : memref<10240x128xf32, #tpu.memory_space<vmem_shared>> -> memref<128x128xf32, #tpu.memory_space<vmem_shared>>
    tpu.wait_dma2 semaphore(%arg13 : memref<!tpu.dma_semaphore, #tpu.memory_space<semaphore_mem>>) src(%dma_wait3A_69 : memref<128x128xf32, #tpu.memory_space<vmem_shared>>) dst(%arg8 : memref<128x128xf32, #tpu.memory_space<vmem>>)
    %add3A_70 = arith.constant 128 : i32
    %add3A_71 = arith.addi %mul3A_40, %add3A_70 : i32
    "tpu.region"() ({
      %run_scoped3A = tpu.sem_alloc : memref<!tpu.dma_semaphore, #tpu.memory_space<semaphore_mem>>
      %dma_start3A_108 = arith.constant 0 : i32
      %dma_start3A_109 = tpu.memref_slice %arg4[%arg0, %add3A_71, %dma_start3A_108] : memref<2x10240x128xf32, #tpu.memory_space<hbm>> -> memref<1x128x128xf32, #tpu.memory_space<hbm>>
      %dma_start3A_110 = tpu.memref_squeeze %dma_start3A_109 : memref<1x128x128xf32, #tpu.memory_space<hbm>> -> memref<128x128xf32, #tpu.memory_space<hbm>>
      %dma_start3A_111 = arith.constant 0 : i32
      %dma_start3A_112 = tpu.memref_slice %arg4[%arg0, %add3A_71, %dma_start3A_111] : memref<2x10240x128xf32, #tpu.memory_space<hbm>> -> memref<1x128x128xf32, #tpu.memory_space<hbm>>
      %dma_start3A_113 = tpu.memref_squeeze %dma_start3A_112 : memref<1x128x128xf32, #tpu.memory_space<hbm>> -> memref<128x128xf32, #tpu.memory_space<hbm>>
      tpu.enqueue_dma source(%arg8 : memref<128x128xf32, #tpu.memory_space<vmem>>) target(%dma_start3A_113 : memref<128x128xf32, #tpu.memory_space<hbm>>) target_semaphore(%run_scoped3A : memref<!tpu.dma_semaphore, #tpu.memory_space<semaphore_mem>>)
      %dma_wait3A_114 = arith.constant 0 : i32
      %dma_wait3A_115 = tpu.memref_slice %arg4[%arg0, %add3A_71, %dma_wait3A_114] : memref<2x10240x128xf32, #tpu.memory_space<hbm>> -> memref<1x128x128xf32, #tpu.memory_space<hbm>>
      %dma_wait3A_116 = tpu.memref_squeeze %dma_wait3A_115 : memref<1x128x128xf32, #tpu.memory_space<hbm>> -> memref<128x128xf32, #tpu.memory_space<hbm>>
      %dma_wait3A_117 = arith.constant 0 : i32
      %dma_wait3A_118 = tpu.memref_slice %arg4[%arg0, %add3A_71, %dma_wait3A_117] : memref<2x10240x128xf32, #tpu.memory_space<hbm>> -> memref<1x128x128xf32, #tpu.memory_space<hbm>>
      %dma_wait3A_119 = tpu.memref_squeeze %dma_wait3A_118 : memref<1x128x128xf32, #tpu.memory_space<hbm>> -> memref<128x128xf32, #tpu.memory_space<hbm>>
      tpu.wait_dma2 semaphore(%run_scoped3A : memref<!tpu.dma_semaphore, #tpu.memory_space<semaphore_mem>>) src(%arg8 : memref<128x128xf32, #tpu.memory_space<vmem>>) dst(%dma_wait3A_119 : memref<128x128xf32, #tpu.memory_space<hbm>>)
      tpu.yield
    }) : () -> ()
    %add3A_72 = arith.constant 384 : i32
    %add3A_73 = arith.addi %mul3A_40, %add3A_72 : i32
    %dma_start3A_74 = arith.constant 0 : i32
    %dma_start3A_75 = tpu.memref_slice %arg9[%add3A_73, %dma_start3A_74] : memref<10240x128xf32, #tpu.memory_space<vmem_shared>> -> memref<128x128xf32, #tpu.memory_space<vmem_shared>>
    %dma_start3A_76 = arith.constant 0 : i32
    %dma_start3A_77 = tpu.memref_slice %arg9[%add3A_73, %dma_start3A_76] : memref<10240x128xf32, #tpu.memory_space<vmem_shared>> -> memref<128x128xf32, #tpu.memory_space<vmem_shared>>
    tpu.enqueue_dma source(%dma_start3A_77 : memref<128x128xf32, #tpu.memory_space<vmem_shared>>) target(%arg8 : memref<128x128xf32, #tpu.memory_space<vmem>>) target_semaphore(%arg13 : memref<!tpu.dma_semaphore, #tpu.memory_space<semaphore_mem>>)
    %add3A_78 = arith.constant 256 : i32
    %add3A_79 = arith.addi %mul3A_40, %add3A_78 : i32
    %dma_wait3A_80 = arith.constant 0 : i32
    %dma_wait3A_81 = tpu.memref_slice %arg9[%add3A_79, %dma_wait3A_80] : memref<10240x128xf32, #tpu.memory_space<vmem_shared>> -> memref<128x128xf32, #tpu.memory_space<vmem_shared>>
    %dma_wait3A_82 = arith.constant 0 : i32
    %dma_wait3A_83 = tpu.memref_slice %arg9[%add3A_79, %dma_wait3A_82] : memref<10240x128xf32, #tpu.memory_space<vmem_shared>> -> memref<128x128xf32, #tpu.memory_space<vmem_shared>>
    tpu.wait_dma2 semaphore(%arg12 : memref<!tpu.dma_semaphore, #tpu.memory_space<semaphore_mem>>) src(%dma_wait3A_83 : memref<128x128xf32, #tpu.memory_space<vmem_shared>>) dst(%arg7 : memref<128x128xf32, #tpu.memory_space<vmem>>)
    %add3A_84 = arith.constant 256 : i32
    %add3A_85 = arith.addi %mul3A_40, %add3A_84 : i32
    "tpu.region"() ({
      %run_scoped3A = tpu.sem_alloc : memref<!tpu.dma_semaphore, #tpu.memory_space<semaphore_mem>>
      %dma_start3A_108 = arith.constant 0 : i32
      %dma_start3A_109 = tpu.memref_slice %arg4[%arg0, %add3A_85, %dma_start3A_108] : memref<2x10240x128xf32, #tpu.memory_space<hbm>> -> memref<1x128x128xf32, #tpu.memory_space<hbm>>
      %dma_start3A_110 = tpu.memref_squeeze %dma_start3A_109 : memref<1x128x128xf32, #tpu.memory_space<hbm>> -> memref<128x128xf32, #tpu.memory_space<hbm>>
      %dma_start3A_111 = arith.constant 0 : i32
      %dma_start3A_112 = tpu.memref_slice %arg4[%arg0, %add3A_85, %dma_start3A_111] : memref<2x10240x128xf32, #tpu.memory_space<hbm>> -> memref<1x128x128xf32, #tpu.memory_space<hbm>>
      %dma_start3A_113 = tpu.memref_squeeze %dma_start3A_112 : memref<1x128x128xf32, #tpu.memory_space<hbm>> -> memref<128x128xf32, #tpu.memory_space<hbm>>
      tpu.enqueue_dma source(%arg7 : memref<128x128xf32, #tpu.memory_space<vmem>>) target(%dma_start3A_113 : memref<128x128xf32, #tpu.memory_space<hbm>>) target_semaphore(%run_scoped3A : memref<!tpu.dma_semaphore, #tpu.memory_space<semaphore_mem>>)
      %dma_wait3A_114 = arith.constant 0 : i32
      %dma_wait3A_115 = tpu.memref_slice %arg4[%arg0, %add3A_85, %dma_wait3A_114] : memref<2x10240x128xf32, #tpu.memory_space<hbm>> -> memref<1x128x128xf32, #tpu.memory_space<hbm>>
      %dma_wait3A_116 = tpu.memref_squeeze %dma_wait3A_115 : memref<1x128x128xf32, #tpu.memory_space<hbm>> -> memref<128x128xf32, #tpu.memory_space<hbm>>
      %dma_wait3A_117 = arith.constant 0 : i32
      %dma_wait3A_118 = tpu.memref_slice %arg4[%arg0, %add3A_85, %dma_wait3A_117] : memref<2x10240x128xf32, #tpu.memory_space<hbm>> -> memref<1x128x128xf32, #tpu.memory_space<hbm>>
      %dma_wait3A_119 = tpu.memref_squeeze %dma_wait3A_118 : memref<1x128x128xf32, #tpu.memory_space<hbm>> -> memref<128x128xf32, #tpu.memory_space<hbm>>
      tpu.wait_dma2 semaphore(%run_scoped3A : memref<!tpu.dma_semaphore, #tpu.memory_space<semaphore_mem>>) src(%arg7 : memref<128x128xf32, #tpu.memory_space<vmem>>) dst(%dma_wait3A_119 : memref<128x128xf32, #tpu.memory_space<hbm>>)
      tpu.yield
    }) : () -> ()
    %add3A_86 = arith.constant 512 : i32
    %add3A_87 = arith.addi %mul3A_40, %add3A_86 : i32
    %dma_start3A_88 = arith.constant 0 : i32
    %dma_start3A_89 = tpu.memref_slice %arg9[%add3A_87, %dma_start3A_88] : memref<10240x128xf32, #tpu.memory_space<vmem_shared>> -> memref<128x128xf32, #tpu.memory_space<vmem_shared>>
    %dma_start3A_90 = arith.constant 0 : i32
    %dma_start3A_91 = tpu.memref_slice %arg9[%add3A_87, %dma_start3A_90] : memref<10240x128xf32, #tpu.memory_space<vmem_shared>> -> memref<128x128xf32, #tpu.memory_space<vmem_shared>>
    tpu.enqueue_dma source(%dma_start3A_91 : memref<128x128xf32, #tpu.memory_space<vmem_shared>>) target(%arg7 : memref<128x128xf32, #tpu.memory_space<vmem>>) target_semaphore(%arg12 : memref<!tpu.dma_semaphore, #tpu.memory_space<semaphore_mem>>)
    %add3A_92 = arith.constant 384 : i32
    %add3A_93 = arith.addi %mul3A_40, %add3A_92 : i32
    %dma_wait3A_94 = arith.constant 0 : i32
    %dma_wait3A_95 = tpu.memref_slice %arg9[%add3A_93, %dma_wait3A_94] : memref<10240x128xf32, #tpu.memory_space<vmem_shared>> -> memref<128x128xf32, #tpu.memory_space<vmem_shared>>
    %dma_wait3A_96 = arith.constant 0 : i32
    %dma_wait3A_97 = tpu.memref_slice %arg9[%add3A_93, %dma_wait3A_96] : memref<10240x128xf32, #tpu.memory_space<vmem_shared>> -> memref<128x128xf32, #tpu.memory_space<vmem_shared>>
    tpu.wait_dma2 semaphore(%arg13 : memref<!tpu.dma_semaphore, #tpu.memory_space<semaphore_mem>>) src(%dma_wait3A_97 : memref<128x128xf32, #tpu.memory_space<vmem_shared>>) dst(%arg8 : memref<128x128xf32, #tpu.memory_space<vmem>>)
    %add3A_98 = arith.constant 384 : i32
    %add3A_99 = arith.addi %mul3A_40, %add3A_98 : i32
    "tpu.region"() ({
      %run_scoped3A = tpu.sem_alloc : memref<!tpu.dma_semaphore, #tpu.memory_space<semaphore_mem>>
      %dma_start3A_108 = arith.constant 0 : i32
      %dma_start3A_109 = tpu.memref_slice %arg4[%arg0, %add3A_99, %dma_start3A_108] : memref<2x10240x128xf32, #tpu.memory_space<hbm>> -> memref<1x128x128xf32, #tpu.memory_space<hbm>>
      %dma_start3A_110 = tpu.memref_squeeze %dma_start3A_109 : memref<1x128x128xf32, #tpu.memory_space<hbm>> -> memref<128x128xf32, #tpu.memory_space<hbm>>
      %dma_start3A_111 = arith.constant 0 : i32
      %dma_start3A_112 = tpu.memref_slice %arg4[%arg0, %add3A_99, %dma_start3A_111] : memref<2x10240x128xf32, #tpu.memory_space<hbm>> -> memref<1x128x128xf32, #tpu.memory_space<hbm>>
      %dma_start3A_113 = tpu.memref_squeeze %dma_start3A_112 : memref<1x128x128xf32, #tpu.memory_space<hbm>> -> memref<128x128xf32, #tpu.memory_space<hbm>>
      tpu.enqueue_dma source(%arg8 : memref<128x128xf32, #tpu.memory_space<vmem>>) target(%dma_start3A_113 : memref<128x128xf32, #tpu.memory_space<hbm>>) target_semaphore(%run_scoped3A : memref<!tpu.dma_semaphore, #tpu.memory_space<semaphore_mem>>)
      %dma_wait3A_114 = arith.constant 0 : i32
      %dma_wait3A_115 = tpu.memref_slice %arg4[%arg0, %add3A_99, %dma_wait3A_114] : memref<2x10240x128xf32, #tpu.memory_space<hbm>> -> memref<1x128x128xf32, #tpu.memory_space<hbm>>
      %dma_wait3A_116 = tpu.memref_squeeze %dma_wait3A_115 : memref<1x128x128xf32, #tpu.memory_space<hbm>> -> memref<128x128xf32, #tpu.memory_space<hbm>>
      %dma_wait3A_117 = arith.constant 0 : i32
      %dma_wait3A_118 = tpu.memref_slice %arg4[%arg0, %add3A_99, %dma_wait3A_117] : memref<2x10240x128xf32, #tpu.memory_space<hbm>> -> memref<1x128x128xf32, #tpu.memory_space<hbm>>
      %dma_wait3A_119 = tpu.memref_squeeze %dma_wait3A_118 : memref<1x128x128xf32, #tpu.memory_space<hbm>> -> memref<128x128xf32, #tpu.memory_space<hbm>>
      tpu.wait_dma2 semaphore(%run_scoped3A : memref<!tpu.dma_semaphore, #tpu.memory_space<semaphore_mem>>) src(%arg8 : memref<128x128xf32, #tpu.memory_space<vmem>>) dst(%dma_wait3A_119 : memref<128x128xf32, #tpu.memory_space<hbm>>)
      tpu.yield
    }) : () -> ()
    %add3A_100 = arith.constant 512 : i32
    %add3A_101 = arith.addi %mul3A_40, %add3A_100 : i32
    %dma_wait3A_102 = arith.constant 0 : i32
    %dma_wait3A_103 = tpu.memref_slice %arg9[%add3A_101, %dma_wait3A_102] : memref<10240x128xf32, #tpu.memory_space<vmem_shared>> -> memref<128x128xf32, #tpu.memory_space<vmem_shared>>
    %dma_wait3A_104 = arith.constant 0 : i32
    %dma_wait3A_105 = tpu.memref_slice %arg9[%add3A_101, %dma_wait3A_104] : memref<10240x128xf32, #tpu.memory_space<vmem_shared>> -> memref<128x128xf32, #tpu.memory_space<vmem_shared>>
    tpu.wait_dma2 semaphore(%arg12 : memref<!tpu.dma_semaphore, #tpu.memory_space<semaphore_mem>>) src(%dma_wait3A_105 : memref<128x128xf32, #tpu.memory_space<vmem_shared>>) dst(%arg7 : memref<128x128xf32, #tpu.memory_space<vmem>>)
    %add3A_106 = arith.constant 512 : i32
    %add3A_107 = arith.addi %mul3A_40, %add3A_106 : i32
    "tpu.region"() ({
      %run_scoped3A = tpu.sem_alloc : memref<!tpu.dma_semaphore, #tpu.memory_space<semaphore_mem>>
      %dma_start3A_108 = arith.constant 0 : i32
      %dma_start3A_109 = tpu.memref_slice %arg4[%arg0, %add3A_107, %dma_start3A_108] : memref<2x10240x128xf32, #tpu.memory_space<hbm>> -> memref<1x128x128xf32, #tpu.memory_space<hbm>>
      %dma_start3A_110 = tpu.memref_squeeze %dma_start3A_109 : memref<1x128x128xf32, #tpu.memory_space<hbm>> -> memref<128x128xf32, #tpu.memory_space<hbm>>
      %dma_start3A_111 = arith.constant 0 : i32
      %dma_start3A_112 = tpu.memref_slice %arg4[%arg0, %add3A_107, %dma_start3A_111] : memref<2x10240x128xf32, #tpu.memory_space<hbm>> -> memref<1x128x128xf32, #tpu.memory_space<hbm>>
      %dma_start3A_113 = tpu.memref_squeeze %dma_start3A_112 : memref<1x128x128xf32, #tpu.memory_space<hbm>> -> memref<128x128xf32, #tpu.memory_space<hbm>>
      tpu.enqueue_dma source(%arg7 : memref<128x128xf32, #tpu.memory_space<vmem>>) target(%dma_start3A_113 : memref<128x128xf32, #tpu.memory_space<hbm>>) target_semaphore(%run_scoped3A : memref<!tpu.dma_semaphore, #tpu.memory_space<semaphore_mem>>)
      %dma_wait3A_114 = arith.constant 0 : i32
      %dma_wait3A_115 = tpu.memref_slice %arg4[%arg0, %add3A_107, %dma_wait3A_114] : memref<2x10240x128xf32, #tpu.memory_space<hbm>> -> memref<1x128x128xf32, #tpu.memory_space<hbm>>
      %dma_wait3A_116 = tpu.memref_squeeze %dma_wait3A_115 : memref<1x128x128xf32, #tpu.memory_space<hbm>> -> memref<128x128xf32, #tpu.memory_space<hbm>>
      %dma_wait3A_117 = arith.constant 0 : i32
      %dma_wait3A_118 = tpu.memref_slice %arg4[%arg0, %add3A_107, %dma_wait3A_117] : memref<2x10240x128xf32, #tpu.memory_space<hbm>> -> memref<1x128x128xf32, #tpu.memory_space<hbm>>
      %dma_wait3A_119 = tpu.memref_squeeze %dma_wait3A_118 : memref<1x128x128xf32, #tpu.memory_space<hbm>> -> memref<128x128xf32, #tpu.memory_space<hbm>>
      tpu.wait_dma2 semaphore(%run_scoped3A : memref<!tpu.dma_semaphore, #tpu.memory_space<semaphore_mem>>) src(%arg7 : memref<128x128xf32, #tpu.memory_space<vmem>>) dst(%dma_wait3A_119 : memref<128x128xf32, #tpu.memory_space<hbm>>)
      tpu.yield
    }) : () -> ()
    return
  }
}

#map = affine_map<(d0, d1) -> (0, 0)>
#map1 = affine_map<(d0, d1) -> (0)>
module attributes {stable_mosaic.version = 14 : i64} {
  func.func @_deg_kernel(%arg0: i32, %arg1: i32, %arg2: memref<2560x128xi32, #tpu.memory_space<hbm>>, %arg3: memref<20480xf32, #tpu.memory_space<hbm>>, %arg4: memref<80x128xi32, #tpu.memory_space<vmem>>, %arg5: memref<128xf32, #tpu.memory_space<vmem>>, %arg6: memref<640xf32, #tpu.memory_space<vmem>>, %arg7: memref<10240xf32, #tpu.memory_space<vmem_shared>>, %arg8: memref<!tpu.dma_semaphore, #tpu.memory_space<semaphore_mem>>) attributes {dimension_semantics = [#tpu.dimension_semantics<core_parallel>, #tpu.dimension_semantics<subcore_parallel>], iteration_bounds = array<i64: 2, 16>, scalar_prefetch = 0 : i64, scratch_operands = 5 : i64, tpu.core_type = #tpu.core_type<sc_vector_subcore>, window_params = [{transform_indices = #map}, {transform_indices = #map1}]} {
    %mul3A = arith.constant 2 : i32
    %mul3A_0 = arith.muli %arg1, %mul3A : i32
    %add3A = arith.addi %mul3A_0, %arg0 : i32
    %broadcast_in_dim3A = arith.constant 0.000000e+00 : f32
    %broadcast_in_dim3A_1 = vector.broadcast %broadcast_in_dim3A : f32 to vector<16xf32>
    %broadcast_in_dim3A_2 = arith.constant 1.000000e+00 : f32
    %broadcast_in_dim3A_3 = vector.broadcast %broadcast_in_dim3A_2 : f32 to vector<16xf32>
    %scan3A = arith.constant 0 : i32
    %scan3A_4 = arith.constant 0 : i32
    %scan3A_5 = arith.constant 40 : i32
    %scan3A_6 = arith.addi %scan3A_4, %scan3A_5 : i32
    %scan3A_7 = arith.constant 1 : i32
    %scan3A_8 = scf.for %scan3A_34 = %scan3A_4 to %scan3A_6 step %scan3A_7 iter_args(%scan3A_35 = %scan3A) -> (i32)  : i32 {
      %mul3A_36 = arith.constant 16 : i32
      %mul3A_37 = arith.muli %scan3A_34, %mul3A_36 : i32
      %swap3A = arith.index_cast %mul3A_37 : i32 to index
      %swap3A_38 = tpu.vector_load %arg6[%swap3A] {strides = array<i32>} : memref<640xf32, #tpu.memory_space<vmem>>, vector<16xf32>,
      %swap3A_39 = vector.shape_cast %swap3A_38 : vector<16xf32> to vector<16xf32>
      %swap3A_40 = vector.shape_cast %broadcast_in_dim3A_1 : vector<16xf32> to vector<16xf32>
      tpu.vector_store %arg6[%swap3A], %swap3A_40 {strides = array<i32>} : memref<640xf32, #tpu.memory_space<vmem>>, vector<16xf32>,
      %scan3A_41 = arith.constant 0 : i32
      scf.yield %scan3A_41 : i32
    }
    %scan3A_9 = arith.constant 40 : i32
    %scan3A_10 = arith.constant 0 : i32
    %scan3A_11 = arith.constant 0 : i32
    %scan3A_12 = arith.constant 8 : i32
    %scan3A_13 = arith.addi %scan3A_11, %scan3A_12 : i32
    %scan3A_14 = arith.constant 1 : i32
    %scan3A_15 = scf.for %scan3A_34 = %scan3A_11 to %scan3A_13 step %scan3A_14 iter_args(%scan3A_35 = %scan3A_10) -> (i32)  : i32 {
      %mul3A_36 = arith.constant 16 : i32
      %mul3A_37 = arith.muli %scan3A_34, %mul3A_36 : i32
      %swap3A = arith.index_cast %mul3A_37 : i32 to index
      %swap3A_38 = tpu.vector_load %arg5[%swap3A] {strides = array<i32>} : memref<128xf32, #tpu.memory_space<vmem>>, vector<16xf32>,
      %swap3A_39 = vector.shape_cast %swap3A_38 : vector<16xf32> to vector<16xf32>
      %swap3A_40 = vector.shape_cast %broadcast_in_dim3A_3 : vector<16xf32> to vector<16xf32>
      tpu.vector_store %arg5[%swap3A], %swap3A_40 {strides = array<i32>} : memref<128xf32, #tpu.memory_space<vmem>>, vector<16xf32>,
      %scan3A_41 = arith.constant 0 : i32
      scf.yield %scan3A_41 : i32
    }
    %scan3A_16 = arith.constant 8 : i32
    %mul3A_17 = arith.constant 80 : i32
    %mul3A_18 = arith.muli %add3A, %mul3A_17 : i32
    "tpu.region"() ({
      %run_scoped3A = tpu.sem_alloc : memref<!tpu.dma_semaphore, #tpu.memory_space<semaphore_mem>>
      %dma_start3A = arith.constant 0 : i32
      %dma_start3A_34 = tpu.memref_slice %arg2[%mul3A_18, %dma_start3A] : memref<2560x128xi32, #tpu.memory_space<hbm>> -> memref<80x128xi32, #tpu.memory_space<hbm>>
      %dma_start3A_35 = arith.constant 0 : i32
      %dma_start3A_36 = tpu.memref_slice %arg2[%mul3A_18, %dma_start3A_35] : memref<2560x128xi32, #tpu.memory_space<hbm>> -> memref<80x128xi32, #tpu.memory_space<hbm>>
      tpu.enqueue_dma source(%dma_start3A_36 : memref<80x128xi32, #tpu.memory_space<hbm>>) target(%arg4 : memref<80x128xi32, #tpu.memory_space<vmem>>) target_semaphore(%run_scoped3A : memref<!tpu.dma_semaphore, #tpu.memory_space<semaphore_mem>>)
      %dma_wait3A = arith.constant 0 : i32
      %dma_wait3A_37 = tpu.memref_slice %arg2[%mul3A_18, %dma_wait3A] : memref<2560x128xi32, #tpu.memory_space<hbm>> -> memref<80x128xi32, #tpu.memory_space<hbm>>
      %dma_wait3A_38 = arith.constant 0 : i32
      %dma_wait3A_39 = tpu.memref_slice %arg2[%mul3A_18, %dma_wait3A_38] : memref<2560x128xi32, #tpu.memory_space<hbm>> -> memref<80x128xi32, #tpu.memory_space<hbm>>
      tpu.wait_dma2 semaphore(%run_scoped3A : memref<!tpu.dma_semaphore, #tpu.memory_space<semaphore_mem>>) src(%dma_wait3A_39 : memref<80x128xi32, #tpu.memory_space<hbm>>) dst(%arg4 : memref<80x128xi32, #tpu.memory_space<vmem>>)
      tpu.yield
    }) : () -> ()
    %mul3A_19 = arith.constant 640 : i32
    %mul3A_20 = arith.muli %arg1, %mul3A_19 : i32
    "tpu.region"() ({
      %run_scoped3A = tpu.sem_alloc : memref<!tpu.dma_semaphore, #tpu.memory_space<semaphore_mem>>
      %dma_start3A = tpu.memref_slice %arg7[%mul3A_20] : memref<10240xf32, #tpu.memory_space<vmem_shared>> -> memref<640xf32, #tpu.memory_space<vmem_shared>>
      %dma_start3A_34 = tpu.memref_slice %arg7[%mul3A_20] : memref<10240xf32, #tpu.memory_space<vmem_shared>> -> memref<640xf32, #tpu.memory_space<vmem_shared>>
      tpu.enqueue_dma source(%arg6 : memref<640xf32, #tpu.memory_space<vmem>>) target(%dma_start3A_34 : memref<640xf32, #tpu.memory_space<vmem_shared>>) target_semaphore(%run_scoped3A : memref<!tpu.dma_semaphore, #tpu.memory_space<semaphore_mem>>)
      %dma_wait3A = tpu.memref_slice %arg7[%mul3A_20] : memref<10240xf32, #tpu.memory_space<vmem_shared>> -> memref<640xf32, #tpu.memory_space<vmem_shared>>
      %dma_wait3A_35 = tpu.memref_slice %arg7[%mul3A_20] : memref<10240xf32, #tpu.memory_space<vmem_shared>> -> memref<640xf32, #tpu.memory_space<vmem_shared>>
      tpu.wait_dma2 semaphore(%run_scoped3A : memref<!tpu.dma_semaphore, #tpu.memory_space<semaphore_mem>>) src(%arg6 : memref<640xf32, #tpu.memory_space<vmem>>) dst(%dma_wait3A_35 : memref<640xf32, #tpu.memory_space<vmem_shared>>)
      tpu.yield
    }) : () -> ()
    %barrier3A = arith.constant 0 : index
    tpu.barrier barrier_id(%barrier3A)
    %scan3A_21 = arith.constant 0 : i32
    %scan3A_22 = arith.constant 10 : i32
    %scan3A_23 = arith.addi %scan3A_21, %scan3A_22 : i32
    %scan3A_24 = arith.constant 1 : i32
    scf.for %scan3A_34 = %scan3A_21 to %scan3A_23 step %scan3A_24  : i32 {
      %mul3A_35 = arith.constant 8 : i32
      %mul3A_36 = arith.muli %scan3A_34, %mul3A_35 : i32
      %add3A_37 = arith.constant 0 : i32
      %add3A_38 = arith.addi %add3A_37, %mul3A_36 : i32
      %add3A_39 = arith.constant 0 : i32
      %add3A_40 = arith.addi %add3A_38, %add3A_39 : i32
      %dma_start3A = arith.constant 0 : i32
      %dma_start3A_41 = tpu.memref_slice %arg4[%add3A_40, %dma_start3A] : memref<80x128xi32, #tpu.memory_space<vmem>> -> memref<1x128xi32, #tpu.memory_space<vmem>>
      %dma_start3A_42 = tpu.memref_squeeze %dma_start3A_41 : memref<1x128xi32, #tpu.memory_space<vmem>> -> memref<128xi32, #tpu.memory_space<vmem>>
      %dma_start3A_43 = arith.constant 0 : i32
      %dma_start3A_44 = tpu.memref_slice %arg7[%dma_start3A_43] : memref<10240xf32, #tpu.memory_space<vmem_shared>> -> memref<10240xf32, #tpu.memory_space<vmem_shared>>
      tpu.enqueue_indirect_dma source(%arg5 : memref<128xf32, #tpu.memory_space<vmem>>) target(%dma_start3A_44 : memref<10240xf32, #tpu.memory_space<vmem_shared>>) offsets(%dma_start3A_42 : memref<128xi32, #tpu.memory_space<vmem>>) semaphore(%arg8 : memref<!tpu.dma_semaphore, #tpu.memory_space<semaphore_mem>>) {add = true}
      %add3A_45 = arith.constant 1 : i32
      %add3A_46 = arith.addi %add3A_38, %add3A_45 : i32
      %dma_start3A_47 = arith.constant 0 : i32
      %dma_start3A_48 = tpu.memref_slice %arg4[%add3A_46, %dma_start3A_47] : memref<80x128xi32, #tpu.memory_space<vmem>> -> memref<1x128xi32, #tpu.memory_space<vmem>>
      %dma_start3A_49 = tpu.memref_squeeze %dma_start3A_48 : memref<1x128xi32, #tpu.memory_space<vmem>> -> memref<128xi32, #tpu.memory_space<vmem>>
      %dma_start3A_50 = arith.constant 0 : i32
      %dma_start3A_51 = tpu.memref_slice %arg7[%dma_start3A_50] : memref<10240xf32, #tpu.memory_space<vmem_shared>> -> memref<10240xf32, #tpu.memory_space<vmem_shared>>
      tpu.enqueue_indirect_dma source(%arg5 : memref<128xf32, #tpu.memory_space<vmem>>) target(%dma_start3A_51 : memref<10240xf32, #tpu.memory_space<vmem_shared>>) offsets(%dma_start3A_49 : memref<128xi32, #tpu.memory_space<vmem>>) semaphore(%arg8 : memref<!tpu.dma_semaphore, #tpu.memory_space<semaphore_mem>>) {add = true}
      %add3A_52 = arith.constant 2 : i32
      %add3A_53 = arith.addi %add3A_38, %add3A_52 : i32
      %dma_start3A_54 = arith.constant 0 : i32
      %dma_start3A_55 = tpu.memref_slice %arg4[%add3A_53, %dma_start3A_54] : memref<80x128xi32, #tpu.memory_space<vmem>> -> memref<1x128xi32, #tpu.memory_space<vmem>>
      %dma_start3A_56 = tpu.memref_squeeze %dma_start3A_55 : memref<1x128xi32, #tpu.memory_space<vmem>> -> memref<128xi32, #tpu.memory_space<vmem>>
      %dma_start3A_57 = arith.constant 0 : i32
      %dma_start3A_58 = tpu.memref_slice %arg7[%dma_start3A_57] : memref<10240xf32, #tpu.memory_space<vmem_shared>> -> memref<10240xf32, #tpu.memory_space<vmem_shared>>
      tpu.enqueue_indirect_dma source(%arg5 : memref<128xf32, #tpu.memory_space<vmem>>) target(%dma_start3A_58 : memref<10240xf32, #tpu.memory_space<vmem_shared>>) offsets(%dma_start3A_56 : memref<128xi32, #tpu.memory_space<vmem>>) semaphore(%arg8 : memref<!tpu.dma_semaphore, #tpu.memory_space<semaphore_mem>>) {add = true}
      %add3A_59 = arith.constant 3 : i32
      %add3A_60 = arith.addi %add3A_38, %add3A_59 : i32
      %dma_start3A_61 = arith.constant 0 : i32
      %dma_start3A_62 = tpu.memref_slice %arg4[%add3A_60, %dma_start3A_61] : memref<80x128xi32, #tpu.memory_space<vmem>> -> memref<1x128xi32, #tpu.memory_space<vmem>>
      %dma_start3A_63 = tpu.memref_squeeze %dma_start3A_62 : memref<1x128xi32, #tpu.memory_space<vmem>> -> memref<128xi32, #tpu.memory_space<vmem>>
      %dma_start3A_64 = arith.constant 0 : i32
      %dma_start3A_65 = tpu.memref_slice %arg7[%dma_start3A_64] : memref<10240xf32, #tpu.memory_space<vmem_shared>> -> memref<10240xf32, #tpu.memory_space<vmem_shared>>
      tpu.enqueue_indirect_dma source(%arg5 : memref<128xf32, #tpu.memory_space<vmem>>) target(%dma_start3A_65 : memref<10240xf32, #tpu.memory_space<vmem_shared>>) offsets(%dma_start3A_63 : memref<128xi32, #tpu.memory_space<vmem>>) semaphore(%arg8 : memref<!tpu.dma_semaphore, #tpu.memory_space<semaphore_mem>>) {add = true}
      %add3A_66 = arith.constant 4 : i32
      %add3A_67 = arith.addi %add3A_38, %add3A_66 : i32
      %dma_start3A_68 = arith.constant 0 : i32
      %dma_start3A_69 = tpu.memref_slice %arg4[%add3A_67, %dma_start3A_68] : memref<80x128xi32, #tpu.memory_space<vmem>> -> memref<1x128xi32, #tpu.memory_space<vmem>>
      %dma_start3A_70 = tpu.memref_squeeze %dma_start3A_69 : memref<1x128xi32, #tpu.memory_space<vmem>> -> memref<128xi32, #tpu.memory_space<vmem>>
      %dma_start3A_71 = arith.constant 0 : i32
      %dma_start3A_72 = tpu.memref_slice %arg7[%dma_start3A_71] : memref<10240xf32, #tpu.memory_space<vmem_shared>> -> memref<10240xf32, #tpu.memory_space<vmem_shared>>
      tpu.enqueue_indirect_dma source(%arg5 : memref<128xf32, #tpu.memory_space<vmem>>) target(%dma_start3A_72 : memref<10240xf32, #tpu.memory_space<vmem_shared>>) offsets(%dma_start3A_70 : memref<128xi32, #tpu.memory_space<vmem>>) semaphore(%arg8 : memref<!tpu.dma_semaphore, #tpu.memory_space<semaphore_mem>>) {add = true}
      %add3A_73 = arith.constant 5 : i32
      %add3A_74 = arith.addi %add3A_38, %add3A_73 : i32
      %dma_start3A_75 = arith.constant 0 : i32
      %dma_start3A_76 = tpu.memref_slice %arg4[%add3A_74, %dma_start3A_75] : memref<80x128xi32, #tpu.memory_space<vmem>> -> memref<1x128xi32, #tpu.memory_space<vmem>>
      %dma_start3A_77 = tpu.memref_squeeze %dma_start3A_76 : memref<1x128xi32, #tpu.memory_space<vmem>> -> memref<128xi32, #tpu.memory_space<vmem>>
      %dma_start3A_78 = arith.constant 0 : i32
      %dma_start3A_79 = tpu.memref_slice %arg7[%dma_start3A_78] : memref<10240xf32, #tpu.memory_space<vmem_shared>> -> memref<10240xf32, #tpu.memory_space<vmem_shared>>
      tpu.enqueue_indirect_dma source(%arg5 : memref<128xf32, #tpu.memory_space<vmem>>) target(%dma_start3A_79 : memref<10240xf32, #tpu.memory_space<vmem_shared>>) offsets(%dma_start3A_77 : memref<128xi32, #tpu.memory_space<vmem>>) semaphore(%arg8 : memref<!tpu.dma_semaphore, #tpu.memory_space<semaphore_mem>>) {add = true}
      %add3A_80 = arith.constant 6 : i32
      %add3A_81 = arith.addi %add3A_38, %add3A_80 : i32
      %dma_start3A_82 = arith.constant 0 : i32
      %dma_start3A_83 = tpu.memref_slice %arg4[%add3A_81, %dma_start3A_82] : memref<80x128xi32, #tpu.memory_space<vmem>> -> memref<1x128xi32, #tpu.memory_space<vmem>>
      %dma_start3A_84 = tpu.memref_squeeze %dma_start3A_83 : memref<1x128xi32, #tpu.memory_space<vmem>> -> memref<128xi32, #tpu.memory_space<vmem>>
      %dma_start3A_85 = arith.constant 0 : i32
      %dma_start3A_86 = tpu.memref_slice %arg7[%dma_start3A_85] : memref<10240xf32, #tpu.memory_space<vmem_shared>> -> memref<10240xf32, #tpu.memory_space<vmem_shared>>
      tpu.enqueue_indirect_dma source(%arg5 : memref<128xf32, #tpu.memory_space<vmem>>) target(%dma_start3A_86 : memref<10240xf32, #tpu.memory_space<vmem_shared>>) offsets(%dma_start3A_84 : memref<128xi32, #tpu.memory_space<vmem>>) semaphore(%arg8 : memref<!tpu.dma_semaphore, #tpu.memory_space<semaphore_mem>>) {add = true}
      %add3A_87 = arith.constant 7 : i32
      %add3A_88 = arith.addi %add3A_38, %add3A_87 : i32
      %dma_start3A_89 = arith.constant 0 : i32
      %dma_start3A_90 = tpu.memref_slice %arg4[%add3A_88, %dma_start3A_89] : memref<80x128xi32, #tpu.memory_space<vmem>> -> memref<1x128xi32, #tpu.memory_space<vmem>>
      %dma_start3A_91 = tpu.memref_squeeze %dma_start3A_90 : memref<1x128xi32, #tpu.memory_space<vmem>> -> memref<128xi32, #tpu.memory_space<vmem>>
      %dma_start3A_92 = arith.constant 0 : i32
      %dma_start3A_93 = tpu.memref_slice %arg7[%dma_start3A_92] : memref<10240xf32, #tpu.memory_space<vmem_shared>> -> memref<10240xf32, #tpu.memory_space<vmem_shared>>
      tpu.enqueue_indirect_dma source(%arg5 : memref<128xf32, #tpu.memory_space<vmem>>) target(%dma_start3A_93 : memref<10240xf32, #tpu.memory_space<vmem_shared>>) offsets(%dma_start3A_91 : memref<128xi32, #tpu.memory_space<vmem>>) semaphore(%arg8 : memref<!tpu.dma_semaphore, #tpu.memory_space<semaphore_mem>>) {add = true}
      %add3A_94 = arith.constant 0 : i32
      %add3A_95 = arith.addi %add3A_38, %add3A_94 : i32
      %dma_wait3A = arith.constant 0 : i32
      %dma_wait3A_96 = tpu.memref_slice %arg4[%add3A_95, %dma_wait3A] : memref<80x128xi32, #tpu.memory_space<vmem>> -> memref<1x128xi32, #tpu.memory_space<vmem>>
      %dma_wait3A_97 = tpu.memref_squeeze %dma_wait3A_96 : memref<1x128xi32, #tpu.memory_space<vmem>> -> memref<128xi32, #tpu.memory_space<vmem>>
      %dma_wait3A_98 = arith.constant 0 : i32
      %dma_wait3A_99 = tpu.memref_slice %arg7[%dma_wait3A_98] : memref<10240xf32, #tpu.memory_space<vmem_shared>> -> memref<10240xf32, #tpu.memory_space<vmem_shared>>
      tpu.wait_indirect_dma semaphore(%arg8 : memref<!tpu.dma_semaphore, #tpu.memory_space<semaphore_mem>>) src(%arg5 : memref<128xf32, #tpu.memory_space<vmem>>) dst(%dma_wait3A_99 : memref<10240xf32, #tpu.memory_space<vmem_shared>>)
      %add3A_100 = arith.constant 1 : i32
      %add3A_101 = arith.addi %add3A_38, %add3A_100 : i32
      %dma_wait3A_102 = arith.constant 0 : i32
      %dma_wait3A_103 = tpu.memref_slice %arg4[%add3A_101, %dma_wait3A_102] : memref<80x128xi32, #tpu.memory_space<vmem>> -> memref<1x128xi32, #tpu.memory_space<vmem>>
      %dma_wait3A_104 = tpu.memref_squeeze %dma_wait3A_103 : memref<1x128xi32, #tpu.memory_space<vmem>> -> memref<128xi32, #tpu.memory_space<vmem>>
      %dma_wait3A_105 = arith.constant 0 : i32
      %dma_wait3A_106 = tpu.memref_slice %arg7[%dma_wait3A_105] : memref<10240xf32, #tpu.memory_space<vmem_shared>> -> memref<10240xf32, #tpu.memory_space<vmem_shared>>
      tpu.wait_indirect_dma semaphore(%arg8 : memref<!tpu.dma_semaphore, #tpu.memory_space<semaphore_mem>>) src(%arg5 : memref<128xf32, #tpu.memory_space<vmem>>) dst(%dma_wait3A_106 : memref<10240xf32, #tpu.memory_space<vmem_shared>>)
      %add3A_107 = arith.constant 2 : i32
      %add3A_108 = arith.addi %add3A_38, %add3A_107 : i32
      %dma_wait3A_109 = arith.constant 0 : i32
      %dma_wait3A_110 = tpu.memref_slice %arg4[%add3A_108, %dma_wait3A_109] : memref<80x128xi32, #tpu.memory_space<vmem>> -> memref<1x128xi32, #tpu.memory_space<vmem>>
      %dma_wait3A_111 = tpu.memref_squeeze %dma_wait3A_110 : memref<1x128xi32, #tpu.memory_space<vmem>> -> memref<128xi32, #tpu.memory_space<vmem>>
      %dma_wait3A_112 = arith.constant 0 : i32
      %dma_wait3A_113 = tpu.memref_slice %arg7[%dma_wait3A_112] : memref<10240xf32, #tpu.memory_space<vmem_shared>> -> memref<10240xf32, #tpu.memory_space<vmem_shared>>
      tpu.wait_indirect_dma semaphore(%arg8 : memref<!tpu.dma_semaphore, #tpu.memory_space<semaphore_mem>>) src(%arg5 : memref<128xf32, #tpu.memory_space<vmem>>) dst(%dma_wait3A_113 : memref<10240xf32, #tpu.memory_space<vmem_shared>>)
      %add3A_114 = arith.constant 3 : i32
      %add3A_115 = arith.addi %add3A_38, %add3A_114 : i32
      %dma_wait3A_116 = arith.constant 0 : i32
      %dma_wait3A_117 = tpu.memref_slice %arg4[%add3A_115, %dma_wait3A_116] : memref<80x128xi32, #tpu.memory_space<vmem>> -> memref<1x128xi32, #tpu.memory_space<vmem>>
      %dma_wait3A_118 = tpu.memref_squeeze %dma_wait3A_117 : memref<1x128xi32, #tpu.memory_space<vmem>> -> memref<128xi32, #tpu.memory_space<vmem>>
      %dma_wait3A_119 = arith.constant 0 : i32
      %dma_wait3A_120 = tpu.memref_slice %arg7[%dma_wait3A_119] : memref<10240xf32, #tpu.memory_space<vmem_shared>> -> memref<10240xf32, #tpu.memory_space<vmem_shared>>
      tpu.wait_indirect_dma semaphore(%arg8 : memref<!tpu.dma_semaphore, #tpu.memory_space<semaphore_mem>>) src(%arg5 : memref<128xf32, #tpu.memory_space<vmem>>) dst(%dma_wait3A_120 : memref<10240xf32, #tpu.memory_space<vmem_shared>>)
      %add3A_121 = arith.constant 4 : i32
      %add3A_122 = arith.addi %add3A_38, %add3A_121 : i32
      %dma_wait3A_123 = arith.constant 0 : i32
      %dma_wait3A_124 = tpu.memref_slice %arg4[%add3A_122, %dma_wait3A_123] : memref<80x128xi32, #tpu.memory_space<vmem>> -> memref<1x128xi32, #tpu.memory_space<vmem>>
      %dma_wait3A_125 = tpu.memref_squeeze %dma_wait3A_124 : memref<1x128xi32, #tpu.memory_space<vmem>> -> memref<128xi32, #tpu.memory_space<vmem>>
      %dma_wait3A_126 = arith.constant 0 : i32
      %dma_wait3A_127 = tpu.memref_slice %arg7[%dma_wait3A_126] : memref<10240xf32, #tpu.memory_space<vmem_shared>> -> memref<10240xf32, #tpu.memory_space<vmem_shared>>
      tpu.wait_indirect_dma semaphore(%arg8 : memref<!tpu.dma_semaphore, #tpu.memory_space<semaphore_mem>>) src(%arg5 : memref<128xf32, #tpu.memory_space<vmem>>) dst(%dma_wait3A_127 : memref<10240xf32, #tpu.memory_space<vmem_shared>>)
      %add3A_128 = arith.constant 5 : i32
      %add3A_129 = arith.addi %add3A_38, %add3A_128 : i32
      %dma_wait3A_130 = arith.constant 0 : i32
      %dma_wait3A_131 = tpu.memref_slice %arg4[%add3A_129, %dma_wait3A_130] : memref<80x128xi32, #tpu.memory_space<vmem>> -> memref<1x128xi32, #tpu.memory_space<vmem>>
      %dma_wait3A_132 = tpu.memref_squeeze %dma_wait3A_131 : memref<1x128xi32, #tpu.memory_space<vmem>> -> memref<128xi32, #tpu.memory_space<vmem>>
      %dma_wait3A_133 = arith.constant 0 : i32
      %dma_wait3A_134 = tpu.memref_slice %arg7[%dma_wait3A_133] : memref<10240xf32, #tpu.memory_space<vmem_shared>> -> memref<10240xf32, #tpu.memory_space<vmem_shared>>
      tpu.wait_indirect_dma semaphore(%arg8 : memref<!tpu.dma_semaphore, #tpu.memory_space<semaphore_mem>>) src(%arg5 : memref<128xf32, #tpu.memory_space<vmem>>) dst(%dma_wait3A_134 : memref<10240xf32, #tpu.memory_space<vmem_shared>>)
      %add3A_135 = arith.constant 6 : i32
      %add3A_136 = arith.addi %add3A_38, %add3A_135 : i32
      %dma_wait3A_137 = arith.constant 0 : i32
      %dma_wait3A_138 = tpu.memref_slice %arg4[%add3A_136, %dma_wait3A_137] : memref<80x128xi32, #tpu.memory_space<vmem>> -> memref<1x128xi32, #tpu.memory_space<vmem>>
      %dma_wait3A_139 = tpu.memref_squeeze %dma_wait3A_138 : memref<1x128xi32, #tpu.memory_space<vmem>> -> memref<128xi32, #tpu.memory_space<vmem>>
      %dma_wait3A_140 = arith.constant 0 : i32
      %dma_wait3A_141 = tpu.memref_slice %arg7[%dma_wait3A_140] : memref<10240xf32, #tpu.memory_space<vmem_shared>> -> memref<10240xf32, #tpu.memory_space<vmem_shared>>
      tpu.wait_indirect_dma semaphore(%arg8 : memref<!tpu.dma_semaphore, #tpu.memory_space<semaphore_mem>>) src(%arg5 : memref<128xf32, #tpu.memory_space<vmem>>) dst(%dma_wait3A_141 : memref<10240xf32, #tpu.memory_space<vmem_shared>>)
      %add3A_142 = arith.constant 7 : i32
      %add3A_143 = arith.addi %add3A_38, %add3A_142 : i32
      %dma_wait3A_144 = arith.constant 0 : i32
      %dma_wait3A_145 = tpu.memref_slice %arg4[%add3A_143, %dma_wait3A_144] : memref<80x128xi32, #tpu.memory_space<vmem>> -> memref<1x128xi32, #tpu.memory_space<vmem>>
      %dma_wait3A_146 = tpu.memref_squeeze %dma_wait3A_145 : memref<1x128xi32, #tpu.memory_space<vmem>> -> memref<128xi32, #tpu.memory_space<vmem>>
      %dma_wait3A_147 = arith.constant 0 : i32
      %dma_wait3A_148 = tpu.memref_slice %arg7[%dma_wait3A_147] : memref<10240xf32, #tpu.memory_space<vmem_shared>> -> memref<10240xf32, #tpu.memory_space<vmem_shared>>
      tpu.wait_indirect_dma semaphore(%arg8 : memref<!tpu.dma_semaphore, #tpu.memory_space<semaphore_mem>>) src(%arg5 : memref<128xf32, #tpu.memory_space<vmem>>) dst(%dma_wait3A_148 : memref<10240xf32, #tpu.memory_space<vmem_shared>>)
    }
    %scan3A_25 = arith.constant 10 : i32
    %barrier3A_26 = arith.constant 0 : index
    tpu.barrier barrier_id(%barrier3A_26)
    %mul3A_27 = arith.constant 640 : i32
    %mul3A_28 = arith.muli %arg1, %mul3A_27 : i32
    "tpu.region"() ({
      %run_scoped3A = tpu.sem_alloc : memref<!tpu.dma_semaphore, #tpu.memory_space<semaphore_mem>>
      %dma_start3A = tpu.memref_slice %arg7[%mul3A_28] : memref<10240xf32, #tpu.memory_space<vmem_shared>> -> memref<640xf32, #tpu.memory_space<vmem_shared>>
      %dma_start3A_34 = tpu.memref_slice %arg7[%mul3A_28] : memref<10240xf32, #tpu.memory_space<vmem_shared>> -> memref<640xf32, #tpu.memory_space<vmem_shared>>
      tpu.enqueue_dma source(%dma_start3A_34 : memref<640xf32, #tpu.memory_space<vmem_shared>>) target(%arg6 : memref<640xf32, #tpu.memory_space<vmem>>) target_semaphore(%run_scoped3A : memref<!tpu.dma_semaphore, #tpu.memory_space<semaphore_mem>>)
      %dma_wait3A = tpu.memref_slice %arg7[%mul3A_28] : memref<10240xf32, #tpu.memory_space<vmem_shared>> -> memref<640xf32, #tpu.memory_space<vmem_shared>>
      %dma_wait3A_35 = tpu.memref_slice %arg7[%mul3A_28] : memref<10240xf32, #tpu.memory_space<vmem_shared>> -> memref<640xf32, #tpu.memory_space<vmem_shared>>
      tpu.wait_dma2 semaphore(%run_scoped3A : memref<!tpu.dma_semaphore, #tpu.memory_space<semaphore_mem>>) src(%dma_wait3A_35 : memref<640xf32, #tpu.memory_space<vmem_shared>>) dst(%arg6 : memref<640xf32, #tpu.memory_space<vmem>>)
      tpu.yield
    }) : () -> ()
    %mul3A_29 = arith.constant 10240 : i32
    %mul3A_30 = arith.muli %arg0, %mul3A_29 : i32
    %mul3A_31 = arith.constant 640 : i32
    %mul3A_32 = arith.muli %arg1, %mul3A_31 : i32
    %add3A_33 = arith.addi %mul3A_30, %mul3A_32 : i32
    "tpu.region"() ({
      %run_scoped3A = tpu.sem_alloc : memref<!tpu.dma_semaphore, #tpu.memory_space<semaphore_mem>>
      %dma_start3A = tpu.memref_slice %arg3[%add3A_33] : memref<20480xf32, #tpu.memory_space<hbm>> -> memref<640xf32, #tpu.memory_space<hbm>>
      %dma_start3A_34 = tpu.memref_slice %arg3[%add3A_33] : memref<20480xf32, #tpu.memory_space<hbm>> -> memref<640xf32, #tpu.memory_space<hbm>>
      tpu.enqueue_dma source(%arg6 : memref<640xf32, #tpu.memory_space<vmem>>) target(%dma_start3A_34 : memref<640xf32, #tpu.memory_space<hbm>>) target_semaphore(%run_scoped3A : memref<!tpu.dma_semaphore, #tpu.memory_space<semaphore_mem>>)
      %dma_wait3A = tpu.memref_slice %arg3[%add3A_33] : memref<20480xf32, #tpu.memory_space<hbm>> -> memref<640xf32, #tpu.memory_space<hbm>>
      %dma_wait3A_35 = tpu.memref_slice %arg3[%add3A_33] : memref<20480xf32, #tpu.memory_space<hbm>> -> memref<640xf32, #tpu.memory_space<hbm>>
      tpu.wait_dma2 semaphore(%run_scoped3A : memref<!tpu.dma_semaphore, #tpu.memory_space<semaphore_mem>>) src(%arg6 : memref<640xf32, #tpu.memory_space<vmem>>) dst(%dma_wait3A_35 : memref<640xf32, #tpu.memory_space<hbm>>)
      tpu.yield
    }) : () -> ()
    return
  }
}

module attributes {stable_mosaic.version = 14 : i64} {
  func.func @_scale_body(%arg0: i32, %arg1: memref<2x1024x1xf32, #tpu.memory_space<vmem>>, %arg2: memref<1024x128xf32, #tpu.memory_space<vmem>>, %arg3: memref<1024x1xf32, #tpu.memory_space<vmem>>, %arg4: memref<1024x128xf32, #tpu.memory_space<vmem>>) attributes {dimension_semantics = [#tpu.dimension_semantics<arbitrary>], iteration_bounds = array<i64: 10>, scalar_prefetch = 0 : i64, scratch_operands = 0 : i64, tpu.core_type = #tpu.core_type<tc>, window_params = [{transform_indices = @transform_0, window_bounds = array<i64: 2, 1024, 1>}, {transform_indices = @transform_1, window_bounds = array<i64: 1024, 128>}, {transform_indices = @transform_2, window_bounds = array<i64: 1024, 1>}, {transform_indices = @transform_3, window_bounds = array<i64: 1024, 128>}]} {
    %get3A = arith.constant 0 : index
    %get3A_0 = arith.constant 0 : index
    %get3A_1 = arith.constant 0 : index
    %get3A_2 = vector.load %arg1[%get3A, %get3A_0, %get3A_1] : memref<2x1024x1xf32, #tpu.memory_space<vmem>>, vector<1x1024x1xf32>
    %get3A_3 = vector.shape_cast %get3A_2 : vector<1x1024x1xf32> to vector<1024x1xf32>
    %get3A_4 = arith.constant 1 : index
    %get3A_5 = arith.constant 0 : index
    %get3A_6 = arith.constant 0 : index
    %get3A_7 = vector.load %arg1[%get3A_4, %get3A_5, %get3A_6] : memref<2x1024x1xf32, #tpu.memory_space<vmem>>, vector<1x1024x1xf32>
    %get3A_8 = vector.shape_cast %get3A_7 : vector<1x1024x1xf32> to vector<1024x1xf32>
    %add3A = arith.addf %get3A_3, %get3A_8 : vector<1024x1xf32>
    %add3A_9 = arith.constant 1.000000e+00 : f32
    %add3A_10 = vector.broadcast %add3A_9 : f32 to vector<1024x1xf32>
    %add3A_11 = arith.addf %add3A, %add3A_10 : vector<1024x1xf32>
    %rsqrt3A = math.rsqrt %add3A_11 : vector<1024x1xf32>
    %swap3A = arith.constant 0 : index
    %swap3A_12 = arith.constant 0 : index
    %swap3A_13 = vector.load %arg3[%swap3A, %swap3A_12] : memref<1024x1xf32, #tpu.memory_space<vmem>>, vector<1024x1xf32>
    tpu.vector_store %arg3[%swap3A, %swap3A_12], %rsqrt3A {strides = array<i32>} : memref<1024x1xf32, #tpu.memory_space<vmem>>, vector<1024x1xf32>,
    %get3A_14 = arith.constant 0 : index
    %get3A_15 = arith.constant 0 : index
    %get3A_16 = vector.load %arg2[%get3A_14, %get3A_15] : memref<1024x128xf32, #tpu.memory_space<vmem>>, vector<1024x128xf32>
    %mul3A = vector.broadcast %rsqrt3A : vector<1024x1xf32> to vector<1024x128xf32>
    %mul3A_17 = arith.mulf %get3A_16, %mul3A : vector<1024x128xf32>
    %swap3A_18 = arith.constant 0 : index
    %swap3A_19 = arith.constant 0 : index
    %swap3A_20 = vector.load %arg4[%swap3A_18, %swap3A_19] : memref<1024x128xf32, #tpu.memory_space<vmem>>, vector<1024x128xf32>
    tpu.vector_store %arg4[%swap3A_18, %swap3A_19], %mul3A_17 {strides = array<i32>} : memref<1024x128xf32, #tpu.memory_space<vmem>>, vector<1024x128xf32>,
    return
  }
  func.func @transform_0(%arg0: i32) -> (i32, i32, i32) {
    %c0_i32 = arith.constant 0 : i32
    %c0_i32_0 = arith.constant 0 : i32
    %c0_i32_1 = arith.constant 0 : i32
    return %c0_i32, %arg0, %c0_i32_0 : i32, i32, i32
  }
  func.func @transform_1(%arg0: i32) -> (i32, i32) {
    %c0_i32 = arith.constant 0 : i32
    %c0_i32_0 = arith.constant 0 : i32
    return %arg0, %c0_i32 : i32, i32
  }
  func.func @transform_2(%arg0: i32) -> (i32, i32) {
    %c0_i32 = arith.constant 0 : i32
    %c0_i32_0 = arith.constant 0 : i32
    return %arg0, %c0_i32 : i32, i32
  }
  func.func @transform_3(%arg0: i32) -> (i32, i32) {
    %c0_i32 = arith.constant 0 : i32
    %c0_i32_0 = arith.constant 0 : i32
    return %arg0, %c0_i32 : i32, i32
  }
}

module attributes {stable_mosaic.version = 14 : i64} {
  func.func @_dense_body(%arg0: i32, %arg1: memref<2x1024x128xf32, #tpu.memory_space<vmem>>, %arg2: memref<1024x128xf32, #tpu.memory_space<vmem>>, %arg3: memref<1024x1xf32, #tpu.memory_space<vmem>>, %arg4: memref<128x256xf32, #tpu.memory_space<vmem>>, %arg5: memref<1x256xf32, #tpu.memory_space<vmem>>, %arg6: memref<256x128xf32, #tpu.memory_space<vmem>>, %arg7: memref<1024x128xf32, #tpu.memory_space<vmem>>) attributes {dimension_semantics = [#tpu.dimension_semantics<arbitrary>], iteration_bounds = array<i64: 10>, scalar_prefetch = 0 : i64, scratch_operands = 0 : i64, tpu.core_type = #tpu.core_type<tc>, window_params = [{transform_indices = @transform_0, window_bounds = array<i64: 2, 1024, 128>}, {transform_indices = @transform_1, window_bounds = array<i64: 1024, 128>}, {transform_indices = @transform_2, window_bounds = array<i64: 1024, 1>}, {pipeline_mode = #tpu.pipeline_mode<synchronous>, transform_indices = @transform_3, window_bounds = array<i64: 128, 256>}, {pipeline_mode = #tpu.pipeline_mode<synchronous>, transform_indices = @transform_4, window_bounds = array<i64: 1, 256>}, {pipeline_mode = #tpu.pipeline_mode<synchronous>, transform_indices = @transform_5, window_bounds = array<i64: 256, 128>}, {transform_indices = @transform_6, window_bounds = array<i64: 1024, 128>}]} {
    %get3A = arith.constant 0 : index
    %get3A_0 = arith.constant 0 : index
    %get3A_1 = arith.constant 0 : index
    %get3A_2 = vector.load %arg1[%get3A, %get3A_0, %get3A_1] : memref<2x1024x128xf32, #tpu.memory_space<vmem>>, vector<1x1024x128xf32>
    %get3A_3 = vector.shape_cast %get3A_2 : vector<1x1024x128xf32> to vector<1024x128xf32>
    %get3A_4 = arith.constant 1 : index
    %get3A_5 = arith.constant 0 : index
    %get3A_6 = arith.constant 0 : index
    %get3A_7 = vector.load %arg1[%get3A_4, %get3A_5, %get3A_6] : memref<2x1024x128xf32, #tpu.memory_space<vmem>>, vector<1x1024x128xf32>
    %get3A_8 = vector.shape_cast %get3A_7 : vector<1x1024x128xf32> to vector<1024x128xf32>
    %add3A = arith.addf %get3A_3, %get3A_8 : vector<1024x128xf32>
    %get3A_9 = arith.constant 0 : index
    %get3A_10 = arith.constant 0 : index
    %get3A_11 = vector.load %arg2[%get3A_9, %get3A_10] : memref<1024x128xf32, #tpu.memory_space<vmem>>, vector<1024x128xf32>
    %add3A_12 = arith.addf %add3A, %get3A_11 : vector<1024x128xf32>
    %get3A_13 = arith.constant 0 : index
    %get3A_14 = arith.constant 0 : index
    %get3A_15 = vector.load %arg3[%get3A_13, %get3A_14] : memref<1024x1xf32, #tpu.memory_space<vmem>>, vector<1024x1xf32>
    %convert_element_type3A = arith.truncf %add3A_12 : vector<1024x128xf32> to vector<1024x128xbf16>
    %get3A_16 = arith.constant 0 : index
    %get3A_17 = arith.constant 0 : index
    %get3A_18 = vector.load %arg4[%get3A_16, %get3A_17] : memref<128x256xf32, #tpu.memory_space<vmem>>, vector<128x256xf32>
    %convert_element_type3A_19 = arith.truncf %get3A_18 : vector<128x256xf32> to vector<128x256xbf16>
    %dot_general3A = arith.constant dense<0.000000e+00> : vector<1024x256xf32>
    %dot_general3A_20 = tpu.matmul %convert_element_type3A, %convert_element_type3A_19, %dot_general3A {dimension_numbers = #tpu.dot_dimension_numbers<[1], [0], [0], [1], [0, 0, 1, 1], [], []>, transpose_lhs_hint = false} : vector<1024x128xbf16>, vector<128x256xbf16>, vector<1024x256xf32> -> vector<1024x256xf32>
    %mul3A = vector.broadcast %get3A_15 : vector<1024x1xf32> to vector<1024x256xf32>
    %mul3A_21 = arith.mulf %dot_general3A_20, %mul3A : vector<1024x256xf32>
    %get3A_22 = arith.constant 0 : index
    %get3A_23 = arith.constant 0 : index
    %get3A_24 = vector.load %arg5[%get3A_22, %get3A_23] : memref<1x256xf32, #tpu.memory_space<vmem>>, vector<1x256xf32>
    %add3A_25 = vector.broadcast %get3A_24 : vector<1x256xf32> to vector<1024x256xf32>
    %add3A_26 = arith.addf %mul3A_21, %add3A_25 : vector<1024x256xf32>
    %max3A = arith.constant 0.000000e+00 : f32
    %max3A_27 = vector.broadcast %max3A : f32 to vector<1024x256xf32>
    %max3A_28 = arith.maximumf %add3A_26, %max3A_27 : vector<1024x256xf32>
    %convert_element_type3A_29 = arith.truncf %max3A_28 : vector<1024x256xf32> to vector<1024x256xbf16>
    %get3A_30 = arith.constant 0 : index
    %get3A_31 = arith.constant 0 : index
    %get3A_32 = vector.load %arg6[%get3A_30, %get3A_31] : memref<256x128xf32, #tpu.memory_space<vmem>>, vector<256x128xf32>
    %convert_element_type3A_33 = arith.truncf %get3A_32 : vector<256x128xf32> to vector<256x128xbf16>
    %dot_general3A_34 = arith.constant dense<0.000000e+00> : vector<1024x128xf32>
    %dot_general3A_35 = tpu.matmul %convert_element_type3A_29, %convert_element_type3A_33, %dot_general3A_34 {dimension_numbers = #tpu.dot_dimension_numbers<[1], [0], [0], [1], [0, 0, 1, 1], [], []>, transpose_lhs_hint = false} : vector<1024x256xbf16>, vector<256x128xbf16>, vector<1024x128xf32> -> vector<1024x128xf32>
    %mul3A_36 = vector.broadcast %get3A_15 : vector<1024x1xf32> to vector<1024x128xf32>
    %mul3A_37 = arith.mulf %dot_general3A_35, %mul3A_36 : vector<1024x128xf32>
    %swap3A = arith.constant 0 : index
    %swap3A_38 = arith.constant 0 : index
    %swap3A_39 = vector.load %arg7[%swap3A, %swap3A_38] : memref<1024x128xf32, #tpu.memory_space<vmem>>, vector<1024x128xf32>
    tpu.vector_store %arg7[%swap3A, %swap3A_38], %mul3A_37 {strides = array<i32>} : memref<1024x128xf32, #tpu.memory_space<vmem>>, vector<1024x128xf32>,
    return
  }
  func.func @transform_0(%arg0: i32) -> (i32, i32, i32) {
    %c0_i32 = arith.constant 0 : i32
    %c0_i32_0 = arith.constant 0 : i32
    %c0_i32_1 = arith.constant 0 : i32
    return %c0_i32, %arg0, %c0_i32_0 : i32, i32, i32
  }
  func.func @transform_1(%arg0: i32) -> (i32, i32) {
    %c0_i32 = arith.constant 0 : i32
    %c0_i32_0 = arith.constant 0 : i32
    return %arg0, %c0_i32 : i32, i32
  }
  func.func @transform_2(%arg0: i32) -> (i32, i32) {
    %c0_i32 = arith.constant 0 : i32
    %c0_i32_0 = arith.constant 0 : i32
    return %arg0, %c0_i32 : i32, i32
  }
  func.func @transform_3(%arg0: i32) -> (i32, i32) {
    %c0_i32 = arith.constant 0 : i32
    %c0_i32_0 = arith.constant 0 : i32
    %c0_i32_1 = arith.constant 0 : i32
    return %c0_i32, %c0_i32_0 : i32, i32
  }
  func.func @transform_4(%arg0: i32) -> (i32, i32) {
    %c0_i32 = arith.constant 0 : i32
    %c0_i32_0 = arith.constant 0 : i32
    %c0_i32_1 = arith.constant 0 : i32
    return %c0_i32, %c0_i32_0 : i32, i32
  }
  func.func @transform_5(%arg0: i32) -> (i32, i32) {
    %c0_i32 = arith.constant 0 : i32
    %c0_i32_0 = arith.constant 0 : i32
    %c0_i32_1 = arith.constant 0 : i32
    return %c0_i32, %c0_i32_0 : i32, i32
  }
  func.func @transform_6(%arg0: i32) -> (i32, i32) {
    %c0_i32 = arith.constant 0 : i32
    %c0_i32_0 = arith.constant 0 : i32
    return %arg0, %c0_i32 : i32, i32
  }
}

module attributes {stable_mosaic.version = 14 : i64} {
  func.func @_final_body(%arg0: i32, %arg1: memref<2x1024x128xf32, #tpu.memory_space<vmem>>, %arg2: memref<1024x128xf32, #tpu.memory_space<vmem>>, %arg3: memref<1024x1xf32, #tpu.memory_space<vmem>>, %arg4: memref<1x128xf32, #tpu.memory_space<vmem>>, %arg5: memref<1024x128xf32, #tpu.memory_space<vmem>>) attributes {dimension_semantics = [#tpu.dimension_semantics<arbitrary>], iteration_bounds = array<i64: 10>, scalar_prefetch = 0 : i64, scratch_operands = 0 : i64, tpu.core_type = #tpu.core_type<tc>, window_params = [{transform_indices = @transform_0, window_bounds = array<i64: 2, 1024, 128>}, {transform_indices = @transform_1, window_bounds = array<i64: 1024, 128>}, {transform_indices = @transform_2, window_bounds = array<i64: 1024, 1>}, {pipeline_mode = #tpu.pipeline_mode<synchronous>, transform_indices = @transform_3, window_bounds = array<i64: 1, 128>}, {transform_indices = @transform_4, window_bounds = array<i64: 1024, 128>}]} {
    %get3A = arith.constant 0 : index
    %get3A_0 = arith.constant 0 : index
    %get3A_1 = arith.constant 0 : index
    %get3A_2 = vector.load %arg1[%get3A, %get3A_0, %get3A_1] : memref<2x1024x128xf32, #tpu.memory_space<vmem>>, vector<1x1024x128xf32>
    %get3A_3 = vector.shape_cast %get3A_2 : vector<1x1024x128xf32> to vector<1024x128xf32>
    %get3A_4 = arith.constant 1 : index
    %get3A_5 = arith.constant 0 : index
    %get3A_6 = arith.constant 0 : index
    %get3A_7 = vector.load %arg1[%get3A_4, %get3A_5, %get3A_6] : memref<2x1024x128xf32, #tpu.memory_space<vmem>>, vector<1x1024x128xf32>
    %get3A_8 = vector.shape_cast %get3A_7 : vector<1x1024x128xf32> to vector<1024x128xf32>
    %add3A = arith.addf %get3A_3, %get3A_8 : vector<1024x128xf32>
    %get3A_9 = arith.constant 0 : index
    %get3A_10 = arith.constant 0 : index
    %get3A_11 = vector.load %arg2[%get3A_9, %get3A_10] : memref<1024x128xf32, #tpu.memory_space<vmem>>, vector<1024x128xf32>
    %add3A_12 = arith.addf %add3A, %get3A_11 : vector<1024x128xf32>
    %get3A_13 = arith.constant 0 : index
    %get3A_14 = arith.constant 0 : index
    %get3A_15 = vector.load %arg3[%get3A_13, %get3A_14] : memref<1024x1xf32, #tpu.memory_space<vmem>>, vector<1024x1xf32>
    %mul3A = vector.broadcast %get3A_15 : vector<1024x1xf32> to vector<1024x128xf32>
    %mul3A_16 = arith.mulf %add3A_12, %mul3A : vector<1024x128xf32>
    %get3A_17 = arith.constant 0 : index
    %get3A_18 = arith.constant 0 : index
    %get3A_19 = vector.load %arg4[%get3A_17, %get3A_18] : memref<1x128xf32, #tpu.memory_space<vmem>>, vector<1x128xf32>
    %add3A_20 = vector.broadcast %get3A_19 : vector<1x128xf32> to vector<1024x128xf32>
    %add3A_21 = arith.addf %mul3A_16, %add3A_20 : vector<1024x128xf32>
    %swap3A = arith.constant 0 : index
    %swap3A_22 = arith.constant 0 : index
    %swap3A_23 = vector.load %arg5[%swap3A, %swap3A_22] : memref<1024x128xf32, #tpu.memory_space<vmem>>, vector<1024x128xf32>
    tpu.vector_store %arg5[%swap3A, %swap3A_22], %add3A_21 {strides = array<i32>} : memref<1024x128xf32, #tpu.memory_space<vmem>>, vector<1024x128xf32>,
    return
  }
  func.func @transform_0(%arg0: i32) -> (i32, i32, i32) {
    %c0_i32 = arith.constant 0 : i32
    %c0_i32_0 = arith.constant 0 : i32
    %c0_i32_1 = arith.constant 0 : i32
    return %c0_i32, %arg0, %c0_i32_0 : i32, i32, i32
  }
  func.func @transform_1(%arg0: i32) -> (i32, i32) {
    %c0_i32 = arith.constant 0 : i32
    %c0_i32_0 = arith.constant 0 : i32
    return %arg0, %c0_i32 : i32, i32
  }
  func.func @transform_2(%arg0: i32) -> (i32, i32) {
    %c0_i32 = arith.constant 0 : i32
    %c0_i32_0 = arith.constant 0 : i32
    return %arg0, %c0_i32 : i32, i32
  }
  func.func @transform_3(%arg0: i32) -> (i32, i32) {
    %c0_i32 = arith.constant 0 : i32
    %c0_i32_0 = arith.constant 0 : i32
    %c0_i32_1 = arith.constant 0 : i32
    return %c0_i32, %c0_i32_0 : i32, i32
  }
  func.func @transform_4(%arg0: i32) -> (i32, i32) {
    %c0_i32 = arith.constant 0 : i32
    %c0_i32_0 = arith.constant 0 : i32
    return %arg0, %c0_i32 : i32, i32
  }
}

</mosaic_0001>

<sc_bundles>
// kernel: kernel.11.cloned.1.call-start
scs
__scs_entry_jumppad:
0x0: {  	(pc) =	sbr.rel $0x88, $3  }
0x1: {  	(tag) =	ssettag $0x0;
	lr =	simm.s32 $0x1  }
0x2: {  	[smem:$0x3F9B] =	sst lr;
	_ =	strace $0xD0000000  }
0x3: {  	_ = 	snop  }
0x4: {  	_ = 	snop  }
0x5: {  	_ = 	snop  }
0x6: {  	_ = 	snop  }
0x7: {  	_ = 	snop  }
__scs_overlays_trampoline_lowered:
0x8: {  	[smem:$0x3FAA] =	sst s0  }
0x9: {  	[smem:$0x3FAB] =	sst s1  }
0xa: {  	[smem:$0x3FAC] =	sst s2  }
0xb: {  	[smem:$0x3FAD] =	sst s3  }
0xc: {  	[smem:$0x3FAE] =	sst s4  }
0xd: {  	[smem:$0x3FAF] =	sst s5  }
0xe: {  	[smem:$0x3FB0] =	sst s6  }
0xf: {  	[smem:$0x3FB1] =	sst s7  }
0x10: {  	[smem:$0x3FB2] =	sst s8  }
0x11: {  	[smem:$0x3FB3] =	sst s9;
	s0 =	simm.s32 @!p0 $0x0  }
0x12: {  	s1 =	sld [smem:$0x3F99];
	s0 =	simm.s32 @p0 $0x1  }
0x13: {  	[smem:$0x3FB4] =	sst s0;
	s0 =	simm.s32 @!p1 $0x0  }
0x14: {  	s2 =	sld [smem:$0x3F98];
	s0 =	simm.s32 @p1 $0x1  }
0x15: {  	[smem:$0x3FB5] =	sst s0;
	s0 =	simm.s32 @!p2 $0x0  }
0x16: {  	s3 =	sld [smem:$0x3FDB];
	s0 =	simm.s32 @p2 $0x1  }
0x17: {  	s4 =	simm.s32 $0x1BF5;
	[smem:$0x3FB7] =	sst s0  }
0x18: {  	s0 =	sld [smem:$0x3F9A];
	_ =	swait.ge [sflag:s4], $0x0  }
0x19: {  	s7 =	sld [smem:$0x3F9B]  }
0x1a: {  	s8 =	sadd.s32 $0xFFFFE003, lr  }
0x1b: {  	s9 =	sadd.s32 $0xFFFFFEF7, lr;
	s5 =	simm.s32 $0xFFFFFFFF;
	p2 =	slt.u32 s8, $0xFFFFF086  }
0x1c: {  	p1 =	slt.u32 s9, $0xF7A;
	s5 =	simm.s32 @!p2 $0x0  }
0x1d: {  	s5 =	simm.s32 @p1 $0x1;
	p0 =	seq.s32 s7, s2  }
0x1e: {  	s7 =	smul.u32 @!p0 $0xF7A, s2;
	p2 =	seq.s32 @!p0 s5, $0x0  }
0x1f: {  	s9 =	smul.u32 $0xF7A, s1;
	s8 =	simm.s32 @!p0 $0x1BF5;
	p2 =	por !p2, p0  }
0x20: {  	[sflag:s8] =	ssyncset.s32 @!p0 $0xFFFFF086;
	s6 =	sadd.s32 @!p0 s3, s7;
	s7 =	simm.s32 @!p0 $0x108  }
0x21: {  	s3 =	sadd.s32 s3, s9;
	s6 =	sadd.s32 @!p0 $0x88, s6;
	s7 =	simm.s32 @p2 $0x1082  }
0x22: {  	[simem:s7], [sflag:s8] =	dma.local @!p0 [hbm:s6], $0xF7A  }
0x23: {  	s9 =	sor.u32 $0xD0000000, s2;
	s6 =	simm.s32 $0x108;
	_ =	swait.ge @!p0 [sflag:s8], $0x0  }
0x24: {  	s3 =	sadd.s32 $0x88, s3;
	s6 =	simm.s32 @!p1 $0x1082;
	[sflag:s4] =	ssyncset.s32 $0xFFFFF086  }
0x25: {  	[simem:s6], [sflag:s4] =	dma.local [hbm:s3], $0xF7A  }
0x26: {  	[smem:$0x3F9B] =	sst s1;
	(tag) =	ssettag s2;
	_ =	strace s9  }
0x27: {  	s1 =	sld [smem:$0x3FAB]  }
0x28: {  	s2 =	sld [smem:$0x3FAC]  }
0x29: {  	s4 =	sld [smem:$0x3FAE]  }
0x2a: {  	p0 =	seq.s32 s5, $0x0;
	s5 =	sld [smem:$0x3FAF]  }
0x2b: {  	s6 =	sld [smem:$0x3FB0]  }
0x2c: {  	s7 =	sld [smem:$0x3FB1]  }
0x2d: {  	s3 =	simm.s32 $0x108;
	s8 =	sld [smem:$0x3FB2]  }
0x2e: {  	s3 =	simm.s32 @!p0 $0x1082;
	s9 =	sld [smem:$0x3FB3]  }
0x2f: {  	lr =	sadd.s32 s0, s3;
	s0 =	sld [smem:$0x3FAA]  }
0x30: {  	s3 =	sld [smem:$0x3FAD]  }
0x31: {  	[smem:$0x3FB6] =	sst s10  }
0x32: {  	s10 =	sld [smem:$0x3FB4];
	_ =	sdelay $0x3  }
0x33: {  	p0 =	seq.s32 s10, $0x1;
	s10 =	sld [smem:$0x3FB6];
	_ =	sdelay $0x3  }
0x34: {  	[smem:$0x3FB6] =	sst s10  }
0x35: {  	s10 =	sld [smem:$0x3FB5];
	_ =	sdelay $0x3  }
0x36: {  	p1 =	seq.s32 s10, $0x1;
	s10 =	sld [smem:$0x3FB6];
	_ =	sdelay $0x3  }
0x37: {  	[smem:$0x3FB6] =	sst s10  }
0x38: {  	s10 =	sld [smem:$0x3FB7]  }
0x39: {  	_ = 	snop;
	(pc) =	sbr.ind lr, $3  }
0x3a: {  	_ = 	snop  }
0x3b: {  	_ = 	snop  }
0x3c: {  	p2 =	seq.s32 s10, $0x1;
	s10 =	sld [smem:$0x3FB6]  }
0x3d: {  	_ =	shalt  }
0x3e: {  	_ =	shalt  }
0x3f: {  	_ =	shalt  }
0x40: {  	_ =	shalt  }
0x41: {  	_ =	shalt  }
0x42: {  	_ =	shalt  }
0x43: {  	_ =	shalt  }
0x44: {  	_ =	shalt  }
0x45: {  	_ =	shalt  }
0x46: {  	_ =	shalt  }
0x47: {  	_ =	shalt  }
0x48: {  	_ =	shalt  }
0x49: {  	_ =	shalt  }
0x4a: {  	_ =	shalt  }
0x4b: {  	_ =	shalt  }
0x4c: {  	_ =	shalt  }
0x4d: {  	_ =	shalt  }
0x4e: {  	_ =	shalt  }
0x4f: {  	_ =	shalt  }
0x50: {  	_ =	shalt  }
0x51: {  	_ =	shalt  }
0x52: {  	_ =	shalt  }
0x53: {  	_ =	shalt  }
0x54: {  	_ =	shalt  }
0x55: {  	_ =	shalt  }
0x56: {  	_ =	shalt  }
0x57: {  	_ =	shalt  }
0x58: {  	_ =	shalt  }
0x59: {  	_ =	shalt  }
0x5a: {  	_ =	shalt  }
0x5b: {  	_ =	shalt  }
0x5c: {  	_ =	shalt  }
0x5d: {  	_ =	shalt  }
0x5e: {  	_ =	shalt  }
0x5f: {  	_ =	shalt  }
0x60: {  	_ =	shalt  }
0x61: {  	_ =	shalt  }
0x62: {  	_ =	shalt  }
0x63: {  	_ =	shalt  }
0x64: {  	_ =	shalt  }
0x65: {  	_ =	shalt  }
0x66: {  	_ =	shalt  }
0x67: {  	_ =	shalt  }
0x68: {  	_ =	shalt  }
0x69: {  	_ =	shalt  }
0x6a: {  	_ =	shalt  }
0x6b: {  	_ =	shalt  }
0x6c: {  	_ =	shalt  }
0x6d: {  	_ =	shalt  }
0x6e: {  	_ =	shalt  }
0x6f: {  	_ =	shalt  }
0x70: {  	_ =	shalt  }
0x71: {  	_ =	shalt  }
0x72: {  	_ =	shalt  }
0x73: {  	_ =	shalt  }
0x74: {  	_ =	shalt  }
0x75: {  	_ =	shalt  }
0x76: {  	_ =	shalt  }
0x77: {  	_ =	shalt  }
0x78: {  	_ =	shalt  }
0x79: {  	_ =	shalt  }
0x7a: {  	_ =	shalt  }
0x7b: {  	_ =	shalt  }
0x7c: {  	_ =	shalt  }
0x7d: {  	_ =	shalt  }
0x7e: {  	_ =	shalt  }
0x7f: {  	_ =	shalt  }
0x80: {  	_ =	shalt  }
0x81: {  	_ =	shalt  }
0x82: {  	_ =	shalt  }
0x83: {  	_ =	shalt  }
0x84: {  	_ =	shalt  }
0x85: {  	_ =	shalt  }
0x86: {  	_ =	shalt  }
0x87: {  	_ =	shalt  }
.Lfunc_end0:
.L_simem_size_0:
called_computation.1_lowered:
.L_overlay_start_0:
0x88: {  	s2 =	sld [smem:$0x3FD9]  }
0x89: {  	s3 =	sld [smem:$0x3FFE];
	_ =	sdelay $0x1  }
0x8a: {  	s1 =	srdreg.scid  }
0x8b: {  	s0 =	sand.u32 $0x1, s1  }
0x8c: {  	s17 =	sshll.u32 s0, $0xA;
	s2 =	sadd.s32 s3, s2  }
0x8d: {  	s2 =	sadd.s32 s2, s17  }
0x8e: {  	[smem:$0x3FC2] =	sst s2  }
0x8f: {  	_ = 	snop  }
0x90: {  	s2 =	sld [smem:$0x3FD0];
	(tm) =	ssettm $0x1  }
0x91: {  	s18 =	sld [smem:$0x3FFB];
	_ =	sdelay $0x3  }
0x92: {  	_ =	strace s18  }
0x93: {  	s3 =	sld [smem:$0x3FFC];
	_ =	sdelay $0x3  }
0x94: {  	_ =	strace s3  }
0x95: {  	s3 =	sld [smem:$0x3FFD];
	_ =	sdelay $0x3  }
0x96: {  	_ =	strace s3  }
0x97: {  	_ =	strace $0x8FFFFFFF  }
0x98: {  	s19 =	sld [smem:$0x3FDB];
	_ =	sdelay $0x1  }
0x99: {  	s4 =	simm.s32 $_scs_section_size  }
0x9a: {  	s5 =	simm.s32 $_size__tile_overlayer_lowered;
	s6 =	simm.s32 $_tile_overlayer_lowered  }
0x9b: {  	s22 =	simm.s32 $0x1BFF;
	s21 =	sshll.u32 s6, $0x1;
	s3 =	sadd.s32 s4, s19  }
0x9c: {  	s7 =	simm.s32 $0x0;
	s20 =	sshll.u32 s5, $0x1;
	s5 =	sadd.s32 s21, s3  }
0x9d: {  	[timem:s7], [sflag:s22] =	dma.local [hbm:s5], s20  }
0x9e: {  	_ =	swait.ge [sflag:s22], s20  }
0x9f: {  	s4 =	ssub.s32 $0x0, s20;
	[sflag:s22] =	ssyncset.done $0x0  }
0xa0: {  	[sflag:s22] =	ssyncadd.s32 s4;
	_ =	sdelay $0x1  }
0xa1: {  	s23 =	simm.s32 $0x1B8B  }
0xa2: {  	_ =	swait.ge [sflag:s23], $0x1  }
0xa3: {  	[sflag:s23] =	ssyncset.done $0x0  }
0xa4: {  	s25 =	simm.s32 $0x1B8E;
	s24 =	sld [smem:$0x3FFE];
	[sflag:s23] =	ssyncadd.s32 $0xFFFFFFFF  }
0xa5: {  	s26 =	simm.s32 $execute0_lowered;
	[smem:$0x3FD2] =	sst s25  }
0xa6: {  	s5 =	sshll.u32 s26, $0x1;
	_ =	strace $0x80000049;
	[dreg:$0x1] =	wrdreg $0xFFFFFFFF  }
0xa7: {  	s28 =	simm.s32 $_size_execute0_lowered;
	s3 =	sadd.s32 s3, s5;
	[dreg:$0x0] =	wrdreg $0x0  }
0xa8: {  	s5 =	sshll.u32 s28, $0x1;
	[dreg:$0x2] =	wrdreg s3  }
0xa9: {  	[dreg:$0x3] =	wrdreg s5  }
0xaa: {  	[dreg:$0x4] =	wrdreg $0xC0  }
0xab: {  	_ =	task [dreg:s7], $0x5FFFF  }
0xac: {  	[dreg:$0x1] =	wrdreg $0xFFFFFFFF  }
0xad: {  	[dreg:$0x0] =	wrdreg $0x60  }
0xae: {  	[dreg:$0x2] =	wrdreg s24  }
0xaf: {  	[dreg:$0x3] =	wrdreg s2  }
0xb0: {  	[dreg:$0x4] =	wrdreg $0x88000  }
0xb1: {  	[dreg:$0x5] =	wrdreg $0x9  }
0xb2: {  	_ =	task.clear_ibuf [dreg:s7], $0x6FFFF;
	_ =	strace $0x90000049  }
0xb3: {  	s29 =	simm.s32 $0x9;
	_ =	strace $0x8000004B  }
0xb4: {  	_ =	swait.ge [sflag:s29], $0x1  }
0xb5: {  	[sflag:s29] =	ssyncadd.s32 $0xFFFFFFFF  }
0xb6: {  	_ =	strace $0x9000004B  }
0xb7: {  	_ =	sfence  }
0xb8: {  	s30 =	sld [smem:$0x0];
	_ =	sdelay $0x2  }
0xb9: {  	s31 =	sshll.u32 s1, $0xD;
	s1 =	sshrl.u32 s1, $0x2  }
0xba: {  	s3 =	sand.u32 $0x4000, s31;
	s1 =	sadd.s32 s1, s30  }
0xbb: {  	s0 =	sor.u32 s3, s0;
	s1 =	sshll.u32 s1, $0x11  }
0xbc: {  	s0 =	sor.u32 s1, s0  }
0xbd: {  	s0 =	sadd.s32 $0x8F2B, s0  }
0xbe: {  	[sflag:s0] =	ssyncadd.remote.s32 $0x1  }
0xbf: {  	_ =	sfence.sel $0xFFFF  }
0xc0: {  	[dreg:$0x0] =	wrdreg $0xFFFFFFFF;
	(pc) =	sbr.abs _section_cstart, $3  }
0xc1: {  	[dreg:$0x1] =	wrdreg $0xFFFFFFFF  }
0xc2: {  	_ =	task.clear_ibuf [dreg:s7], $0x2FFFF;
	_ =	strace $0x9FFFFFFF  }
0xc3: {  	(tm) =	ssettm $0x7FFFFFFF  }
tec
execute0_lowered:
.L_overlay_start_1:
0x0: {  	(tag) =	ssettag $0x1  }
0x1: {  	s0 =	rddreg [dreg:$0x0]  }
0x2: {  	s1 =	rddreg [dreg:$0x1]  }
0x3: {  	s2 =	rddreg [dreg:$0x2]  }
0x4: {  	s4 =	srdreg.scid;
	s12 =	stileid.u32  }
0x5: {  	s3 =	simm.s32 $0x0;
	s28 =	simm.s32 $0x80;
	s29 =	simm.s32 $0x100  }
0x6: {  	s30 =	simm.s32 $0x4800;
	s31 =	simm.s32 $0x3;
	s7 =	smul.u32 $0x50000, s12  }
0x7: {  	s5 =	sand.u32 $0x1, s4;
	s18 =	sshll.u32 s12, $0x1;
	s9 =	smul.u32 $0x14000, s12  }
0x8: {  	[smem:$0x7FF] =	sst s3;
	s4 =	sadd.s32 $0x2800, s0;
	s17 =	smul.u32 $0x1400, s12  }
0x9: {  	s0 =	sadd.s32 $0x2A800, s0;
	s6 =	sor.u32 s5, s18;
	s11 =	smul.u32 $0x140000, s5  }
0xa: {  	_ =	strace $0x8000004A;
	s8 =	ssub.s32 $0x2, s5;
	s18 =	smul.u32 $0x28, s12  }
0xb: {  	s12 =	simm.s32 $0x480;
	s6 =	smul.u32 $0xA00, s6;
	s10 =	sshrl.u32 s8, $0x1  }
0xc: {  	s7 =	sshrl.u32 s7, $0x2;
	s19 =	sadd.s32 $0x4000, s9;
	s23 =	sadd.s32 $0x8000, s9  }
0xd: {  	s26 =	sadd.s32 $0xC000, s9;
	s8 =	ssub.s32 s8, s10;
	s21 =	sadd.s32 s7, s2  }
0xe: {  	s20 =	sadd.s32 s9, s11;
	s22 =	sadd.s32 s19, s2;
	s24 =	sadd.s32 s23, s2  }
0xf: {  	s25 =	sadd.s32 s11, s23;
	s9 =	sadd.s32 $0x10000, s9;
	[dreg:$0x7] =	wrdreg s22  }
0x10: {  	s13 =	sadd.s32 s26, s2;
	s15 =	sadd.s32 s11, s26;
	[dreg:$0x9] =	wrdreg s24  }
0x11: {  	s10 =	simm.s32 $0x380;
	s6 =	sadd.s32 s1, s6;
	[dreg:$0xb] =	wrdreg s13  }
0x12: {  	s7 =	sshrl.u32 s20, $0x3;
	s14 =	sadd.s32 s9, s2;
	[dreg:$0x4] =	wrdreg s21  }
0x13: {  	s16 =	sadd.s32 s11, s9;
	s20 =	smax.u32 s8, $0x1;
	[dreg:$0x5] =	wrdreg s6  }
0x14: {  	s22 =	sadd.s32 $0x4000, s21;
	s23 =	sadd.s32 $0x8000, s21;
	[dreg:$0xd] =	wrdreg s14  }
0x15: {  	s24 =	sadd.s32 s17, s1;
	s26 =	sadd.s32 $0x10000, s21;
	[dreg:$0x10] =	wrdreg s20  }
0x16: {  	s8 =	simm.s32 $0x300;
	s9 =	simm.s32 $0x280;
	[dreg:$0x11] =	wrdreg s22  }
0x17: {  	s13 =	simm.s32 $0x600;
	s17 =	simm.s32 $0x780;
	[dreg:$0x12] =	wrdreg s23  }
0x18: {  	s6 =	sadd.s32 $0x80, s6;
	s7 =	sadd.s32 s0, s7;
	[dreg:$0x14] =	wrdreg s26  }
0x19: {  	s26 =	simm.s32 $0x400;
	s14 =	simm.s32 $0x580;
	[dreg:$0x6] =	wrdreg s6  }
0x1a: {  	s6 =	sadd.s32 s11, s19;
	[dreg:$0x8] =	wrdreg s7;
	s19 =	smul.u32 $0x14, s5  }
0x1b: {  	s7 =	sshrl.u32 s16, $0x3;
	s5 =	smul.u32 $0xA00, s5;
	s6 =	sshrl.u32 s6, $0x3  }
0x1c: {  	s11 =	simm.s32 $0x500;
	s16 =	simm.s32 $0x680;
	s6 =	sadd.s32 s0, s6  }
0x1d: {  	s5 =	sadd.s32 s5, s24;
	s24 =	simm.s32 $0x800;
	[dreg:$0xa] =	wrdreg s6  }
0x1e: {  	s6 =	sshrl.u32 s25, $0x3;
	s25 =	sadd.s32 $0xC000, s21;
	s22 =	sadd.s32 $0x180, s5  }
0x1f: {  	s6 =	sadd.s32 s0, s6;
	[dreg:$0x13] =	wrdreg s25;
	s25 =	simm.s32 $0x5  }
0x20: {  	[dreg:$0xc] =	wrdreg s6;
	s6 =	sshrl.u32 s15, $0x3;
	s15 =	simm.s32 $0x700  }
.Ltmp0:
0x21: {  	s6 =	sadd.s32 s0, s6;
	s0 =	sadd.s32 s0, s7;
	(pc) =	sbr.rel .LBB2_1-.Ltmp0, $4  }
0x22: {  	s7 =	simm.s32 $0x180;
	[dreg:$0xf] =	wrdreg s0;
	s0 =	sadd.s32 s19, s18  }
0x23: {  	[dreg:$0xe] =	wrdreg s6;
	s6 =	simm.s32 $0x2;
	s0 =	sshll.u32 s0, $0x7  }
0x24: {  	s18 =	simm.s32 $0x1;
	s19 =	simm.s32 $0x0;
	s0 =	sadd.s32 s0, s1  }
0x25: {  	v0 =	vimm.f32 $0.0e+00;
	s1 =	simm.s32 $0x4;
	s23 =	sadd.s32 $0x100, s0;
	s0 =	simm.s32 $0x200  }
.LBB2_6:
0x26: {  	_ =	swait.ge [sflag:s1], $0x4000  }
0x27: {  	[sflag:s1] =	ssyncset.done $0x0  }
0x28: {  	[sflag:s1] =	ssyncadd.s32 $0xFFFFC000  }
0x29: {  	[spmem:s2] =	stream.indirect.scatter.add.f32 [tilespmem:s30], [sflag:$0x5], $0x80, s17, s28, $0xb8;
	[tilespmem:$0x1C800] =	vst v63  }
0x2a: {  	_ =	swait.ge [sflag:s25], $0x4000  }
0x2b: {  	[sflag:s25] =	ssyncset.done $0x0  }
0x2c: {  	[sflag:s25] =	ssyncadd.s32 $0xFFFFC000  }
0x2d: {  	[bflag:$0x0] =	sbarrier.arrive $0xFFFF  }
0x2e: {  	[tilespmem:s24], [sflag:$0x3] =	stream.linear.gather [spmem:s21], $0x4000, $0x38;
	[tilespmem:$0x1C800] =	vst v63  }
0x2f: {  	s5 =	rddreg [dreg:$0x7]  }
0x30: {  	[tilespmem:s30], [sflag:$0x4] =	stream.linear.gather [spmem:s5], $0x4000, $0x38;
	[tilespmem:$0x1C800] =	vst v63  }
0x31: {  	_ =	swait.ge [sflag:s31], $0x4000  }
0x32: {  	[sflag:s31] =	ssyncset.done $0x0  }
0x33: {  	s19 =	rddreg [dreg:$0x8];
	[sflag:s31] =	ssyncadd.s32 $0xFFFFC000  }
0x34: {  	[hbm4b:s19+s3] =	stream.linear.scatter [tilespmem:s24], [sflag:$0x5], $0x4000, $0x38;
	[tilespmem:$0x1C800] =	vst v63  }
0x35: {  	_ =	swait.ge [sflag:s25], $0x4000  }
0x36: {  	[sflag:s25] =	ssyncset.done $0x0  }
0x37: {  	s20 =	rddreg [dreg:$0x9];
	[sflag:s25] =	ssyncadd.s32 $0xFFFFC000  }
0x38: {  	[tilespmem:s24], [sflag:$0x3] =	stream.linear.gather [spmem:s20], $0x4000, $0x38;
	[tilespmem:$0x1C800] =	vst v63  }
0x39: {  	_ =	swait.ge [sflag:s1], $0x4000  }
0x3a: {  	[sflag:s1] =	ssyncset.done $0x0  }
0x3b: {  	s21 =	rddreg [dreg:$0xa];
	[sflag:s1] =	ssyncadd.s32 $0xFFFFC000  }
0x3c: {  	[hbm4b:s21+s3] =	stream.linear.scatter [tilespmem:s30], [sflag:$0x5], $0x4000, $0x38;
	[tilespmem:$0x1C800] =	vst v63  }
0x3d: {  	_ =	swait.ge [sflag:s25], $0x4000  }
0x3e: {  	[sflag:s25] =	ssyncset.done $0x0  }
0x3f: {  	s19 =	rddreg [dreg:$0xb];
	[sflag:s25] =	ssyncadd.s32 $0xFFFFC000  }
0x40: {  	[tilespmem:s30], [sflag:$0x4] =	stream.linear.gather [spmem:s19], $0x4000, $0x38;
	[tilespmem:$0x1C800] =	vst v63  }
0x41: {  	_ =	swait.ge [sflag:s31], $0x4000  }
0x42: {  	[sflag:s31] =	ssyncset.done $0x0  }
0x43: {  	s20 =	rddreg [dreg:$0xc];
	[sflag:s31] =	ssyncadd.s32 $0xFFFFC000  }
0x44: {  	[hbm4b:s20+s3] =	stream.linear.scatter [tilespmem:s24], [sflag:$0x5], $0x4000, $0x38;
	[tilespmem:$0x1C800] =	vst v63  }
0x45: {  	_ =	swait.ge [sflag:s25], $0x4000  }
0x46: {  	[sflag:s25] =	ssyncset.done $0x0  }
0x47: {  	s21 =	rddreg [dreg:$0xd];
	[sflag:s25] =	ssyncadd.s32 $0xFFFFC000  }
0x48: {  	[tilespmem:s24], [sflag:$0x3] =	stream.linear.gather [spmem:s21], $0x4000, $0x38;
	[tilespmem:$0x1C800] =	vst v63  }
0x49: {  	_ =	swait.ge [sflag:s1], $0x4000  }
0x4a: {  	[sflag:s1] =	ssyncset.done $0x0  }
0x4b: {  	s19 =	rddreg [dreg:$0xe];
	[sflag:s1] =	ssyncadd.s32 $0xFFFFC000  }
0x4c: {  	[hbm4b:s19+s3] =	stream.linear.scatter [tilespmem:s30], [sflag:$0x5], $0x4000, $0x38;
	[tilespmem:$0x1C800] =	vst v63  }
0x4d: {  	_ =	swait.ge [sflag:s25], $0x4000  }
0x4e: {  	[sflag:s25] =	ssyncset.done $0x0  }
0x4f: {  	[sflag:s25] =	ssyncadd.s32 $0xFFFFC000  }
0x50: {  	_ =	swait.ge [sflag:s31], $0x4000  }
0x51: {  	[sflag:s31] =	ssyncset.done $0x0  }
0x52: {  	s20 =	rddreg [dreg:$0xf];
	[sflag:s31] =	ssyncadd.s32 $0xFFFFC000  }
0x53: {  	[hbm4b:s20+s3] =	stream.linear.scatter [tilespmem:s24], [sflag:$0x5], $0x4000, $0x38;
	[tilespmem:$0x1C800] =	vst v63  }
0x54: {  	_ =	swait.ge [sflag:s25], $0x4000  }
0x55: {  	s19 =	rddreg [dreg:$0x15]  }
0x56: {  	s21 =	rddreg [dreg:$0x10];
	s19 =	sadd.s32 $0x1, s19  }
0x57: {  	p0 =	sne.s32 s19, s21  }
.Ltmp1:
0x58: {  	_ = 	snop;
	(pc) =	sbr.rel @!p0 .LBB2_7-.Ltmp1, $3  }
0x59: {  	_ =	sdelay $0x1  }
0x5a: {  	[sflag:s25] =	ssyncset.done $0x0  }
0x5b: {  	[sflag:s25] =	ssyncadd.s32 $0xFFFFC000  }
.LBB2_1:
0x5c: {  	s5 =	sand.u32 $0xFE00, s3  }
0x5d: {  	[dreg:$0x15] =	wrdreg s19;
	s21 =	sand.u32 $0x70, s3;
	s5 =	sshrl.u32 s5, $0x2  }
0x5e: {  	s20 =	simm.s32 $0x40;
	s5 =	sor.u32 s21, s5;
	s21 =	simm.s32 $0x0  }
.LBB2_2:
0x5f: {  	p0 =	sne.s32 s20, $0xFFC0  }
0x60: {  	[tilespmem:s5+$0x800] =	vst v0;
	s21 =	sadd.s32 $0x10, s21;
	s5 =	smov.u32 s20;
	s20 =	sadd.s32 $0x40, s20  }
.Ltmp2:
0x61: {  	(pc) =	sbr.rel @p0 .LBB2_2-.Ltmp2, $4  }
0x62: {  	_ = 	snop  }
0x63: {  	s5 =	sand.u32 $0xFE00, s5  }
0x64: {  	s19 =	sand.u32 $0x70, s21;
	s5 =	sshrl.u32 s5, $0x2  }
0x65: {  	s5 =	sor.u32 s19, s5  }
0x66: {  	[tilespmem:s5+$0x800] =	vst v0;
	s21 =	rddreg [dreg:$0x4]  }
0x67: {  	[spmem:s21] =	stream.linear.scatter [tilespmem:s24], [sflag:$0x5], $0x4000, $0x38;
	[tilespmem:$0x1C800] =	vst v63  }
0x68: {  	_ =	swait.ge [sflag:s25], $0x4000  }
0x69: {  	[sflag:s25] =	ssyncset.done $0x0  }
0x6a: {  	s19 =	rddreg [dreg:$0x11];
	[sflag:s25] =	ssyncadd.s32 $0xFFFFC000  }
0x6b: {  	[spmem:s19] =	stream.linear.scatter [tilespmem:s24], [sflag:$0x5], $0x4000, $0x38;
	[tilespmem:$0x1C800] =	vst v63  }
0x6c: {  	_ =	swait.ge [sflag:s25], $0x4000  }
0x6d: {  	[sflag:s25] =	ssyncset.done $0x0  }
0x6e: {  	s20 =	rddreg [dreg:$0x12];
	[sflag:s25] =	ssyncadd.s32 $0xFFFFC000  }
0x6f: {  	[spmem:s20] =	stream.linear.scatter [tilespmem:s24], [sflag:$0x5], $0x4000, $0x38;
	[tilespmem:$0x1C800] =	vst v63  }
0x70: {  	_ =	swait.ge [sflag:s25], $0x4000  }
0x71: {  	[sflag:s25] =	ssyncset.done $0x0  }
0x72: {  	s19 =	rddreg [dreg:$0x13];
	[sflag:s25] =	ssyncadd.s32 $0xFFFFC000  }
0x73: {  	[spmem:s19] =	stream.linear.scatter [tilespmem:s24], [sflag:$0x5], $0x4000, $0x38;
	[tilespmem:$0x1C800] =	vst v63  }
0x74: {  	_ =	swait.ge [sflag:s25], $0x4000  }
0x75: {  	[sflag:s25] =	ssyncset.done $0x0  }
0x76: {  	s20 =	rddreg [dreg:$0x14];
	[sflag:s25] =	ssyncadd.s32 $0xFFFFC000  }
0x77: {  	[spmem:s20] =	stream.linear.scatter [tilespmem:s24], [sflag:$0x5], $0x4000, $0x38;
	[tilespmem:$0x1C800] =	vst v63  }
0x78: {  	_ =	swait.ge [sflag:s25], $0x4000  }
0x79: {  	[sflag:s25] =	ssyncset.done $0x0  }
0x7a: {  	[sflag:s25] =	ssyncadd.s32 $0xFFFFC000  }
0x7b: {  	[bflag:$0x0] =	sbarrier.arrive $0xFFFF  }
0x7c: {  	s20 =	simm.s32 $0x0;
	s19 =	rddreg [dreg:$0x5]  }
0x7d: {  	[tilespmem:s20], [sflag:$0x5] =	stream.linear.gather [hbm4b:s19+s20], $0x400, $0x38;
	[tilespmem:$0x1C800] =	vst v63  }
0x7e: {  	_ =	swait.ge [sflag:s25], $0x400  }
0x7f: {  	[sflag:s25] =	ssyncset.done $0x0  }
0x80: {  	s19 =	rddreg [dreg:$0x6];
	[sflag:s25] =	ssyncadd.s32 $0xFFFFFC00  }
0x81: {  	[tilespmem:s26], [sflag:$0x2] =	stream.linear.gather [hbm4b:s19+s20], $0x400, $0x38;
	[tilespmem:$0x1C800] =	vst v63  }
0x82: {  	_ = 	snop  }
0x83: {  	[tilespmem:s24], [sflag:$0x3] =	stream.indirect.gather [hbm4b:s4+s28], $0x80, s20, s28, $0xb8;
	[tilespmem:$0x1C800] =	vst v63  }
.LBB2_4:
0x84: {  	[tilespmem:s30], [sflag:$0x4] =	stream.indirect.gather [hbm4b:s4+s28], $0x80, s29, s28, $0xb8;
	[tilespmem:$0x1C800] =	vst v63  }
0x85: {  	_ =	swait.ge [sflag:s31], $0x4000  }
0x86: {  	[sflag:s31] =	ssyncset.done $0x0  }
0x87: {  	[sflag:s31] =	ssyncadd.s32 $0xFFFFC000  }
0x88: {  	[spmem:s2] =	stream.indirect.scatter.add.f32 [tilespmem:s24], [sflag:$0x5], $0x80, s28, s28, $0xb8;
	[tilespmem:$0x1C800] =	vst v63  }
0x89: {  	_ =	swait.ge [sflag:s25], $0x4000  }
0x8a: {  	[sflag:s25] =	ssyncset.done $0x0  }
0x8b: {  	[sflag:s25] =	ssyncadd.s32 $0xFFFFC000  }
0x8c: {  	[tilespmem:s24], [sflag:$0x3] =	stream.indirect.gather [hbm4b:s4+s28], $0x80, s0, s28, $0xb8;
	[tilespmem:$0x1C800] =	vst v63  }
0x8d: {  	_ =	swait.ge [sflag:s1], $0x4000  }
0x8e: {  	[sflag:s1] =	ssyncset.done $0x0  }
0x8f: {  	[sflag:s1] =	ssyncadd.s32 $0xFFFFC000  }
0x90: {  	[spmem:s2] =	stream.indirect.scatter.add.f32 [tilespmem:s30], [sflag:$0x5], $0x80, s7, s28, $0xb8;
	[tilespmem:$0x1C800] =	vst v63  }
0x91: {  	_ =	swait.ge [sflag:s25], $0x4000  }
0x92: {  	[sflag:s25] =	ssyncset.done $0x0  }
0x93: {  	[sflag:s25] =	ssyncadd.s32 $0xFFFFC000  }
0x94: {  	[tilespmem:s30], [sflag:$0x4] =	stream.indirect.gather [hbm4b:s4+s28], $0x80, s8, s28, $0xb8;
	[tilespmem:$0x1C800] =	vst v63  }
0x95: {  	_ =	swait.ge [sflag:s31], $0x4000  }
0x96: {  	[sflag:s31] =	ssyncset.done $0x0  }
0x97: {  	[sflag:s31] =	ssyncadd.s32 $0xFFFFC000  }
0x98: {  	[spmem:s2] =	stream.indirect.scatter.add.f32 [tilespmem:s24], [sflag:$0x5], $0x80, s9, s28, $0xb8;
	[tilespmem:$0x1C800] =	vst v63  }
0x99: {  	_ =	swait.ge [sflag:s25], $0x4000  }
0x9a: {  	[sflag:s25] =	ssyncset.done $0x0  }
0x9b: {  	[sflag:s25] =	ssyncadd.s32 $0xFFFFC000  }
0x9c: {  	_ =	swait.ge [sflag:s6], $0x400  }
0x9d: {  	[sflag:s6] =	ssyncset.done $0x0  }
0x9e: {  	[sflag:s6] =	ssyncadd.s32 $0xFFFFFC00  }
0x9f: {  	[tilespmem:s24], [sflag:$0x3] =	stream.indirect.gather [hbm4b:s4+s28], $0x80, s26, s28, $0xb8;
	[tilespmem:$0x1C800] =	vst v63  }
0xa0: {  	_ =	swait.ge [sflag:s1], $0x4000  }
0xa1: {  	[sflag:s1] =	ssyncset.done $0x0  }
0xa2: {  	[sflag:s1] =	ssyncadd.s32 $0xFFFFC000  }
0xa3: {  	[spmem:s2] =	stream.indirect.scatter.add.f32 [tilespmem:s30], [sflag:$0x5], $0x80, s10, s28, $0xb8;
	[tilespmem:$0x1C800] =	vst v63  }
0xa4: {  	_ =	swait.ge [sflag:s25], $0x4000  }
0xa5: {  	p0 =	seq.s32 s20, $0x900;
	[sflag:s25] =	ssyncset.done $0x0  }
0xa6: {  	s5 =	sadd.s32 @!p0 s20, s23;
	s19 =	simm.s32 @!p0 $0x0;
	[sflag:s25] =	ssyncadd.s32 $0xFFFFC000  }
0xa7: {  	[tilespmem:s19], [sflag:$0x1] =	stream.linear.gather @!p0 [hbm4b:s5+s19], $0x400, $0x38;
	[tilespmem:$0x1C800] =	vst v63  }
0xa8: {  	_ = 	snop  }
0xa9: {  	[tilespmem:s30], [sflag:$0x4] =	stream.indirect.gather [hbm4b:s4+s28], $0x80, s11, s28, $0xb8;
	[tilespmem:$0x1C800] =	vst v63  }
0xaa: {  	_ =	swait.ge [sflag:s31], $0x4000  }
0xab: {  	[sflag:s31] =	ssyncset.done $0x0  }
0xac: {  	[sflag:s31] =	ssyncadd.s32 $0xFFFFC000  }
0xad: {  	[spmem:s2] =	stream.indirect.scatter.add.f32 [tilespmem:s24], [sflag:$0x5], $0x80, s12, s28, $0xb8;
	[tilespmem:$0x1C800] =	vst v63  }
0xae: {  	_ =	swait.ge [sflag:s25], $0x4000  }
0xaf: {  	[sflag:s25] =	ssyncset.done $0x0  }
0xb0: {  	[sflag:s25] =	ssyncadd.s32 $0xFFFFC000  }
0xb1: {  	[tilespmem:s24], [sflag:$0x3] =	stream.indirect.gather [hbm4b:s4+s28], $0x80, s13, s28, $0xb8;
	[tilespmem:$0x1C800] =	vst v63  }
0xb2: {  	_ =	swait.ge [sflag:s1], $0x4000  }
0xb3: {  	[sflag:s1] =	ssyncset.done $0x0  }
0xb4: {  	[sflag:s1] =	ssyncadd.s32 $0xFFFFC000  }
0xb5: {  	[spmem:s2] =	stream.indirect.scatter.add.f32 [tilespmem:s30], [sflag:$0x5], $0x80, s14, s28, $0xb8;
	[tilespmem:$0x1C800] =	vst v63  }
0xb6: {  	_ =	swait.ge [sflag:s25], $0x4000  }
0xb7: {  	[sflag:s25] =	ssyncset.done $0x0  }
0xb8: {  	[sflag:s25] =	ssyncadd.s32 $0xFFFFC000  }
0xb9: {  	[tilespmem:s30], [sflag:$0x4] =	stream.indirect.gather [hbm4b:s4+s28], $0x80, s15, s28, $0xb8;
	[tilespmem:$0x1C800] =	vst v63  }
0xba: {  	_ =	swait.ge [sflag:s31], $0x4000  }
0xbb: {  	[sflag:s31] =	ssyncset.done $0x0  }
.Ltmp3:
0xbc: {  	[sflag:s31] =	ssyncadd.s32 $0xFFFFC000;
	(pc) =	sbr.rel @p0 .LBB2_6-.Ltmp3, $4  }
0xbd: {  	[spmem:s2] =	stream.indirect.scatter.add.f32 [tilespmem:s24], [sflag:$0x5], $0x80, s16, s28, $0xb8;
	[tilespmem:$0x1C800] =	vst v63  }
0xbe: {  	_ =	swait.ge [sflag:s25], $0x4000  }
0xbf: {  	[sflag:s25] =	ssyncset.done $0x0  }
0xc0: {  	[sflag:s25] =	ssyncadd.s32 $0xFFFFC000  }
0xc1: {  	_ =	swait.ge [sflag:s18], $0x400  }
0xc2: {  	[sflag:s18] =	ssyncset.done $0x0  }
0xc3: {  	[sflag:s18] =	ssyncadd.s32 $0xFFFFFC00  }
0xc4: {  	[tilespmem:s24], [sflag:$0x3] =	stream.indirect.gather [hbm4b:s4+s28], $0x80, s3, s28, $0xb8;
	[tilespmem:$0x1C800] =	vst v63  }
0xc5: {  	_ =	swait.ge [sflag:s1], $0x4000  }
0xc6: {  	[sflag:s1] =	ssyncset.done $0x0  }
0xc7: {  	[sflag:s1] =	ssyncadd.s32 $0xFFFFC000  }
0xc8: {  	[spmem:s2] =	stream.indirect.scatter.add.f32 [tilespmem:s30], [sflag:$0x5], $0x80, s17, s28, $0xb8;
	[tilespmem:$0x1C800] =	vst v63  }
.Ltmp4:
0xc9: {  	_ = 	snop;
	(pc) =	sbr.rel .LBB2_4-.Ltmp4, $4  }
0xca: {  	_ =	swait.ge [sflag:s25], $0x4000  }
0xcb: {  	[sflag:s25] =	ssyncset.done $0x0  }
0xcc: {  	s5 =	sadd.s32 s20, s22;
	s20 =	sadd.s32 $0x100, s20;
	[sflag:s25] =	ssyncadd.s32 $0xFFFFC000  }
0xcd: {  	[tilespmem:s26], [sflag:$0x2] =	stream.linear.gather [hbm4b:s5+s3], $0x400, $0x38;
	[tilespmem:$0x1C800] =	vst v63  }
.LBB2_7:
0xce: {  	_ =	sfence.sel $0x180000  }
0xcf: {  	[bflag:$0x0] =	sbarrier.arrive $0xFFFF  }
0xd0: {  	_ =	strace $0x9000004A  }
0xd1: {  	s0 =	stileid.u32;
	[bflag:$0x2] =	sbarrier.arrive $0xFFFF  }
0xd2: {  	p0 =	sne.s32 s0, $0x0;
	s0 =	rddreg [dreg:$0x3]  }
0xd3: {  	s0 =	sadd.s32 @!p0 $0x100000, s0  }
0xd4: {  	[sflag:s0] =	ssyncadd.tile.s32 @!p0 $0x1;
	_ =	shalt  }
.Lfunc_end2:
_tile_overlayer_lowered:
.L_overlay_start_2:
0xd5: {  	(tag) =	ssettag $0x2  }
0xd6: {  	s0 =	rddreg [dreg:$0x0];
	s2 =	stileid.u32  }
0xd7: {  	s1 =	rddreg [dreg:$0x1];
	p0 =	sne.s32 s2, $0x0  }
0xd8: {  	s3 =	rddreg [dreg:$0x2];
	[bflag:$0x3] =	sbarrier.arrive $0xFFFF;
	s2 =	simm.s32 @!p0 $0x1C05  }
0xd9: {  	[timem:s3], [sflag:s2] =	dma.local @!p0 [hbm:s0], s1  }
0xda: {  	s0 =	simm.s32 @!p0 $0x5  }
0xdb: {  	_ =	swait.ge @!p0 [sflag:s0], s1  }
0xdc: {  	s1 =	ssub.s32 @!p0 $0x0, s1;
	[sflag:s0] =	ssyncset.done @!p0 $0x0  }
0xdd: {  	[sflag:s0] =	ssyncadd.s32 @!p0 s1  }
0xde: {  	[bflag:$0x3] =	sbarrier.arrive $0xFFFF  }
0xdf: {  	_ =	shalt  }

// kernel: kernel.14.cloned.1.call-start
scs
__scs_entry_jumppad:
0x0: {  	(pc) =	sbr.rel $0x88, $3  }
0x1: {  	(tag) =	ssettag $0x0;
	lr =	simm.s32 $0x1  }
0x2: {  	[smem:$0x3F9B] =	sst lr;
	_ =	strace $0xD0000000  }
0x3: {  	_ = 	snop  }
0x4: {  	_ = 	snop  }
0x5: {  	_ = 	snop  }
0x6: {  	_ = 	snop  }
0x7: {  	_ = 	snop  }
__scs_overlays_trampoline_lowered:
0x8: {  	[smem:$0x3FAA] =	sst s0  }
0x9: {  	[smem:$0x3FAB] =	sst s1  }
0xa: {  	[smem:$0x3FAC] =	sst s2  }
0xb: {  	[smem:$0x3FAD] =	sst s3  }
0xc: {  	[smem:$0x3FAE] =	sst s4  }
0xd: {  	[smem:$0x3FAF] =	sst s5  }
0xe: {  	[smem:$0x3FB0] =	sst s6  }
0xf: {  	[smem:$0x3FB1] =	sst s7  }
0x10: {  	[smem:$0x3FB2] =	sst s8  }
0x11: {  	[smem:$0x3FB3] =	sst s9;
	s0 =	simm.s32 @!p0 $0x0  }
0x12: {  	s1 =	sld [smem:$0x3F99];
	s0 =	simm.s32 @p0 $0x1  }
0x13: {  	[smem:$0x3FB4] =	sst s0;
	s0 =	simm.s32 @!p1 $0x0  }
0x14: {  	s2 =	sld [smem:$0x3F98];
	s0 =	simm.s32 @p1 $0x1  }
0x15: {  	[smem:$0x3FB5] =	sst s0;
	s0 =	simm.s32 @!p2 $0x0  }
0x16: {  	s3 =	sld [smem:$0x3FDB];
	s0 =	simm.s32 @p2 $0x1  }
0x17: {  	s4 =	simm.s32 $0x1BF5;
	[smem:$0x3FB7] =	sst s0  }
0x18: {  	s0 =	sld [smem:$0x3F9A];
	_ =	swait.ge [sflag:s4], $0x0  }
0x19: {  	s7 =	sld [smem:$0x3F9B]  }
0x1a: {  	s8 =	sadd.s32 $0xFFFFE003, lr  }
0x1b: {  	s9 =	sadd.s32 $0xFFFFFEF7, lr;
	s5 =	simm.s32 $0xFFFFFFFF;
	p2 =	slt.u32 s8, $0xFFFFF086  }
0x1c: {  	p1 =	slt.u32 s9, $0xF7A;
	s5 =	simm.s32 @!p2 $0x0  }
0x1d: {  	s5 =	simm.s32 @p1 $0x1;
	p0 =	seq.s32 s7, s2  }
0x1e: {  	s7 =	smul.u32 @!p0 $0xF7A, s2;
	p2 =	seq.s32 @!p0 s5, $0x0  }
0x1f: {  	s9 =	smul.u32 $0xF7A, s1;
	s8 =	simm.s32 @!p0 $0x1BF5;
	p2 =	por !p2, p0  }
0x20: {  	[sflag:s8] =	ssyncset.s32 @!p0 $0xFFFFF086;
	s6 =	sadd.s32 @!p0 s3, s7;
	s7 =	simm.s32 @!p0 $0x108  }
0x21: {  	s3 =	sadd.s32 s3, s9;
	s6 =	sadd.s32 @!p0 $0x88, s6;
	s7 =	simm.s32 @p2 $0x1082  }
0x22: {  	[simem:s7], [sflag:s8] =	dma.local @!p0 [hbm:s6], $0xF7A  }
0x23: {  	s9 =	sor.u32 $0xD0000000, s2;
	s6 =	simm.s32 $0x108;
	_ =	swait.ge @!p0 [sflag:s8], $0x0  }
0x24: {  	s3 =	sadd.s32 $0x88, s3;
	s6 =	simm.s32 @!p1 $0x1082;
	[sflag:s4] =	ssyncset.s32 $0xFFFFF086  }
0x25: {  	[simem:s6], [sflag:s4] =	dma.local [hbm:s3], $0xF7A  }
0x26: {  	[smem:$0x3F9B] =	sst s1;
	(tag) =	ssettag s2;
	_ =	strace s9  }
0x27: {  	s1 =	sld [smem:$0x3FAB]  }
0x28: {  	s2 =	sld [smem:$0x3FAC]  }
0x29: {  	s4 =	sld [smem:$0x3FAE]  }
0x2a: {  	p0 =	seq.s32 s5, $0x0;
	s5 =	sld [smem:$0x3FAF]  }
0x2b: {  	s6 =	sld [smem:$0x3FB0]  }
0x2c: {  	s7 =	sld [smem:$0x3FB1]  }
0x2d: {  	s3 =	simm.s32 $0x108;
	s8 =	sld [smem:$0x3FB2]  }
0x2e: {  	s3 =	simm.s32 @!p0 $0x1082;
	s9 =	sld [smem:$0x3FB3]  }
0x2f: {  	lr =	sadd.s32 s0, s3;
	s0 =	sld [smem:$0x3FAA]  }
0x30: {  	s3 =	sld [smem:$0x3FAD]  }
0x31: {  	[smem:$0x3FB6] =	sst s10  }
0x32: {  	s10 =	sld [smem:$0x3FB4];
	_ =	sdelay $0x3  }
0x33: {  	p0 =	seq.s32 s10, $0x1;
	s10 =	sld [smem:$0x3FB6];
	_ =	sdelay $0x3  }
0x34: {  	[smem:$0x3FB6] =	sst s10  }
0x35: {  	s10 =	sld [smem:$0x3FB5];
	_ =	sdelay $0x3  }
0x36: {  	p1 =	seq.s32 s10, $0x1;
	s10 =	sld [smem:$0x3FB6];
	_ =	sdelay $0x3  }
0x37: {  	[smem:$0x3FB6] =	sst s10  }
0x38: {  	s10 =	sld [smem:$0x3FB7]  }
0x39: {  	_ = 	snop;
	(pc) =	sbr.ind lr, $3  }
0x3a: {  	_ = 	snop  }
0x3b: {  	_ = 	snop  }
0x3c: {  	p2 =	seq.s32 s10, $0x1;
	s10 =	sld [smem:$0x3FB6]  }
0x3d: {  	_ =	shalt  }
0x3e: {  	_ =	shalt  }
0x3f: {  	_ =	shalt  }
0x40: {  	_ =	shalt  }
0x41: {  	_ =	shalt  }
0x42: {  	_ =	shalt  }
0x43: {  	_ =	shalt  }
0x44: {  	_ =	shalt  }
0x45: {  	_ =	shalt  }
0x46: {  	_ =	shalt  }
0x47: {  	_ =	shalt  }
0x48: {  	_ =	shalt  }
0x49: {  	_ =	shalt  }
0x4a: {  	_ =	shalt  }
0x4b: {  	_ =	shalt  }
0x4c: {  	_ =	shalt  }
0x4d: {  	_ =	shalt  }
0x4e: {  	_ =	shalt  }
0x4f: {  	_ =	shalt  }
0x50: {  	_ =	shalt  }
0x51: {  	_ =	shalt  }
0x52: {  	_ =	shalt  }
0x53: {  	_ =	shalt  }
0x54: {  	_ =	shalt  }
0x55: {  	_ =	shalt  }
0x56: {  	_ =	shalt  }
0x57: {  	_ =	shalt  }
0x58: {  	_ =	shalt  }
0x59: {  	_ =	shalt  }
0x5a: {  	_ =	shalt  }
0x5b: {  	_ =	shalt  }
0x5c: {  	_ =	shalt  }
0x5d: {  	_ =	shalt  }
0x5e: {  	_ =	shalt  }
0x5f: {  	_ =	shalt  }
0x60: {  	_ =	shalt  }
0x61: {  	_ =	shalt  }
0x62: {  	_ =	shalt  }
0x63: {  	_ =	shalt  }
0x64: {  	_ =	shalt  }
0x65: {  	_ =	shalt  }
0x66: {  	_ =	shalt  }
0x67: {  	_ =	shalt  }
0x68: {  	_ =	shalt  }
0x69: {  	_ =	shalt  }
0x6a: {  	_ =	shalt  }
0x6b: {  	_ =	shalt  }
0x6c: {  	_ =	shalt  }
0x6d: {  	_ =	shalt  }
0x6e: {  	_ =	shalt  }
0x6f: {  	_ =	shalt  }
0x70: {  	_ =	shalt  }
0x71: {  	_ =	shalt  }
0x72: {  	_ =	shalt  }
0x73: {  	_ =	shalt  }
0x74: {  	_ =	shalt  }
0x75: {  	_ =	shalt  }
0x76: {  	_ =	shalt  }
0x77: {  	_ =	shalt  }
0x78: {  	_ =	shalt  }
0x79: {  	_ =	shalt  }
0x7a: {  	_ =	shalt  }
0x7b: {  	_ =	shalt  }
0x7c: {  	_ =	shalt  }
0x7d: {  	_ =	shalt  }
0x7e: {  	_ =	shalt  }
0x7f: {  	_ =	shalt  }
0x80: {  	_ =	shalt  }
0x81: {  	_ =	shalt  }
0x82: {  	_ =	shalt  }
0x83: {  	_ =	shalt  }
0x84: {  	_ =	shalt  }
0x85: {  	_ =	shalt  }
0x86: {  	_ =	shalt  }
0x87: {  	_ =	shalt  }
.Lfunc_end0:
.L_simem_size_0:
called_computation.2_lowered:
.L_overlay_start_0:
0x88: {  	s2 =	sld [smem:$0x3FD9]  }
0x89: {  	s3 =	sld [smem:$0x3FFE];
	_ =	sdelay $0x1  }
0x8a: {  	s1 =	srdreg.scid  }
0x8b: {  	s0 =	sand.u32 $0x1, s1  }
0x8c: {  	s17 =	sshll.u32 s0, $0xA;
	s2 =	sadd.s32 s3, s2  }
0x8d: {  	s2 =	sadd.s32 s2, s17  }
0x8e: {  	[smem:$0x3FC2] =	sst s2  }
0x8f: {  	_ = 	snop  }
0x90: {  	s2 =	sld [smem:$0x3FD0];
	(tm) =	ssettm $0x1  }
0x91: {  	s18 =	sld [smem:$0x3FFB];
	_ =	sdelay $0x3  }
0x92: {  	_ =	strace s18  }
0x93: {  	s3 =	sld [smem:$0x3FFC];
	_ =	sdelay $0x3  }
0x94: {  	_ =	strace s3  }
0x95: {  	s3 =	sld [smem:$0x3FFD];
	_ =	sdelay $0x3  }
0x96: {  	_ =	strace s3  }
0x97: {  	_ =	strace $0x8FFFFFFF  }
0x98: {  	s19 =	sld [smem:$0x3FDB];
	_ =	sdelay $0x1  }
0x99: {  	s4 =	simm.s32 $_scs_section_size  }
0x9a: {  	s5 =	simm.s32 $_size__tile_overlayer_lowered;
	s6 =	simm.s32 $_tile_overlayer_lowered  }
0x9b: {  	s22 =	simm.s32 $0x1BFF;
	s21 =	sshll.u32 s6, $0x1;
	s3 =	sadd.s32 s4, s19  }
0x9c: {  	s7 =	simm.s32 $0x0;
	s20 =	sshll.u32 s5, $0x1;
	s5 =	sadd.s32 s21, s3  }
0x9d: {  	[timem:s7], [sflag:s22] =	dma.local [hbm:s5], s20  }
0x9e: {  	_ =	swait.ge [sflag:s22], s20  }
0x9f: {  	s4 =	ssub.s32 $0x0, s20;
	[sflag:s22] =	ssyncset.done $0x0  }
0xa0: {  	[sflag:s22] =	ssyncadd.s32 s4;
	_ =	sdelay $0x1  }
0xa1: {  	s23 =	simm.s32 $0x1B8B  }
0xa2: {  	_ =	swait.ge [sflag:s23], $0x1  }
0xa3: {  	[sflag:s23] =	ssyncset.done $0x0  }
0xa4: {  	s25 =	simm.s32 $0x1B8E;
	s24 =	sld [smem:$0x3FFE];
	[sflag:s23] =	ssyncadd.s32 $0xFFFFFFFF  }
0xa5: {  	s26 =	simm.s32 $execute0_lowered;
	[smem:$0x3FD2] =	sst s25  }
0xa6: {  	s5 =	sshll.u32 s26, $0x1;
	_ =	strace $0x8000004C;
	[dreg:$0x1] =	wrdreg $0xFFFFFFFF  }
0xa7: {  	s28 =	simm.s32 $_size_execute0_lowered;
	s3 =	sadd.s32 s3, s5;
	[dreg:$0x0] =	wrdreg $0x0  }
0xa8: {  	s5 =	sshll.u32 s28, $0x1;
	[dreg:$0x2] =	wrdreg s3  }
0xa9: {  	[dreg:$0x3] =	wrdreg s5  }
0xaa: {  	[dreg:$0x4] =	wrdreg $0xC0  }
0xab: {  	_ =	task [dreg:s7], $0x5FFFF  }
0xac: {  	[dreg:$0x1] =	wrdreg $0xFFFFFFFF  }
0xad: {  	[dreg:$0x0] =	wrdreg $0x60  }
0xae: {  	[dreg:$0x2] =	wrdreg s24  }
0xaf: {  	[dreg:$0x3] =	wrdreg s2  }
0xb0: {  	[dreg:$0x4] =	wrdreg $0x88000  }
0xb1: {  	[dreg:$0x5] =	wrdreg $0x9  }
0xb2: {  	_ =	task.clear_ibuf [dreg:s7], $0x6FFFF;
	_ =	strace $0x9000004C  }
0xb3: {  	s29 =	simm.s32 $0x9;
	_ =	strace $0x8000004E  }
0xb4: {  	_ =	swait.ge [sflag:s29], $0x1  }
0xb5: {  	[sflag:s29] =	ssyncadd.s32 $0xFFFFFFFF  }
0xb6: {  	_ =	strace $0x9000004E  }
0xb7: {  	_ =	sfence  }
0xb8: {  	s30 =	sld [smem:$0x0];
	_ =	sdelay $0x2  }
0xb9: {  	s31 =	sshll.u32 s1, $0xD;
	s1 =	sshrl.u32 s1, $0x2  }
0xba: {  	s3 =	sand.u32 $0x4000, s31;
	s1 =	sadd.s32 s1, s30  }
0xbb: {  	s0 =	sor.u32 s3, s0;
	s1 =	sshll.u32 s1, $0x11  }
0xbc: {  	s0 =	sor.u32 s1, s0  }
0xbd: {  	s0 =	sadd.s32 $0x8F2B, s0  }
0xbe: {  	[sflag:s0] =	ssyncadd.remote.s32 $0x1  }
0xbf: {  	_ =	sfence.sel $0xFFFF  }
0xc0: {  	[dreg:$0x0] =	wrdreg $0xFFFFFFFF;
	(pc) =	sbr.abs _section_cstart, $3  }
0xc1: {  	[dreg:$0x1] =	wrdreg $0xFFFFFFFF  }
0xc2: {  	_ =	task.clear_ibuf [dreg:s7], $0x2FFFF;
	_ =	strace $0x9FFFFFFF  }
0xc3: {  	(tm) =	ssettm $0x7FFFFFFF  }
tec
execute0_lowered:
.L_overlay_start_1:
0x0: {  	(tag) =	ssettag $0x1  }
0x1: {  	s0 =	rddreg [dreg:$0x0]  }
0x2: {  	s1 =	rddreg [dreg:$0x1]  }
0x3: {  	s2 =	rddreg [dreg:$0x2]  }
0x4: {  	s4 =	srdreg.scid;
	s12 =	stileid.u32  }
0x5: {  	s3 =	simm.s32 $0x0;
	s28 =	simm.s32 $0x80;
	s29 =	simm.s32 $0x100  }
0x6: {  	s30 =	simm.s32 $0x4800;
	s31 =	simm.s32 $0x3;
	s7 =	smul.u32 $0x50000, s12  }
0x7: {  	s5 =	sand.u32 $0x1, s4;
	s18 =	sshll.u32 s12, $0x1;
	s9 =	smul.u32 $0x14000, s12  }
0x8: {  	[smem:$0x7FF] =	sst s3;
	s4 =	sadd.s32 $0x2800, s0;
	s17 =	smul.u32 $0x1400, s12  }
0x9: {  	s0 =	sadd.s32 $0x2A800, s0;
	s6 =	sor.u32 s5, s18;
	s11 =	smul.u32 $0x140000, s5  }
0xa: {  	_ =	strace $0x8000004D;
	s8 =	ssub.s32 $0x2, s5;
	s18 =	smul.u32 $0x28, s12  }
0xb: {  	s12 =	simm.s32 $0x480;
	s6 =	smul.u32 $0xA00, s6;
	s10 =	sshrl.u32 s8, $0x1  }
0xc: {  	s7 =	sshrl.u32 s7, $0x2;
	s19 =	sadd.s32 $0x4000, s9;
	s23 =	sadd.s32 $0x8000, s9  }
0xd: {  	s26 =	sadd.s32 $0xC000, s9;
	s8 =	ssub.s32 s8, s10;
	s21 =	sadd.s32 s7, s2  }
0xe: {  	s20 =	sadd.s32 s9, s11;
	s22 =	sadd.s32 s19, s2;
	s24 =	sadd.s32 s23, s2  }
0xf: {  	s25 =	sadd.s32 s11, s23;
	s9 =	sadd.s32 $0x10000, s9;
	[dreg:$0x7] =	wrdreg s22  }
0x10: {  	s13 =	sadd.s32 s26, s2;
	s15 =	sadd.s32 s11, s26;
	[dreg:$0x9] =	wrdreg s24  }
0x11: {  	s10 =	simm.s32 $0x380;
	s6 =	sadd.s32 s1, s6;
	[dreg:$0xb] =	wrdreg s13  }
0x12: {  	s7 =	sshrl.u32 s20, $0x3;
	s14 =	sadd.s32 s9, s2;
	[dreg:$0x4] =	wrdreg s21  }
0x13: {  	s16 =	sadd.s32 s11, s9;
	s20 =	smax.u32 s8, $0x1;
	[dreg:$0x5] =	wrdreg s6  }
0x14: {  	s22 =	sadd.s32 $0x4000, s21;
	s23 =	sadd.s32 $0x8000, s21;
	[dreg:$0xd] =	wrdreg s14  }
0x15: {  	s24 =	sadd.s32 s17, s1;
	s26 =	sadd.s32 $0x10000, s21;
	[dreg:$0x10] =	wrdreg s20  }
0x16: {  	s8 =	simm.s32 $0x300;
	s9 =	simm.s32 $0x280;
	[dreg:$0x11] =	wrdreg s22  }
0x17: {  	s13 =	simm.s32 $0x600;
	s17 =	simm.s32 $0x780;
	[dreg:$0x12] =	wrdreg s23  }
0x18: {  	s6 =	sadd.s32 $0x80, s6;
	s7 =	sadd.s32 s0, s7;
	[dreg:$0x14] =	wrdreg s26  }
0x19: {  	s26 =	simm.s32 $0x400;
	s14 =	simm.s32 $0x580;
	[dreg:$0x6] =	wrdreg s6  }
0x1a: {  	s6 =	sadd.s32 s11, s19;
	[dreg:$0x8] =	wrdreg s7;
	s19 =	smul.u32 $0x14, s5  }
0x1b: {  	s7 =	sshrl.u32 s16, $0x3;
	s5 =	smul.u32 $0xA00, s5;
	s6 =	sshrl.u32 s6, $0x3  }
0x1c: {  	s11 =	simm.s32 $0x500;
	s16 =	simm.s32 $0x680;
	s6 =	sadd.s32 s0, s6  }
0x1d: {  	s5 =	sadd.s32 s5, s24;
	s24 =	simm.s32 $0x800;
	[dreg:$0xa] =	wrdreg s6  }
0x1e: {  	s6 =	sshrl.u32 s25, $0x3;
	s25 =	sadd.s32 $0xC000, s21;
	s22 =	sadd.s32 $0x180, s5  }
0x1f: {  	s6 =	sadd.s32 s0, s6;
	[dreg:$0x13] =	wrdreg s25;
	s25 =	simm.s32 $0x5  }
0x20: {  	[dreg:$0xc] =	wrdreg s6;
	s6 =	sshrl.u32 s15, $0x3;
	s15 =	simm.s32 $0x700  }
.Ltmp0:
0x21: {  	s6 =	sadd.s32 s0, s6;
	s0 =	sadd.s32 s0, s7;
	(pc) =	sbr.rel .LBB2_1-.Ltmp0, $4  }
0x22: {  	s7 =	simm.s32 $0x180;
	[dreg:$0xf] =	wrdreg s0;
	s0 =	sadd.s32 s19, s18  }
0x23: {  	[dreg:$0xe] =	wrdreg s6;
	s6 =	simm.s32 $0x2;
	s0 =	sshll.u32 s0, $0x7  }
0x24: {  	s18 =	simm.s32 $0x1;
	s19 =	simm.s32 $0x0;
	s0 =	sadd.s32 s0, s1  }
0x25: {  	v0 =	vimm.f32 $0.0e+00;
	s1 =	simm.s32 $0x4;
	s23 =	sadd.s32 $0x100, s0;
	s0 =	simm.s32 $0x200  }
.LBB2_6:
0x26: {  	_ =	swait.ge [sflag:s1], $0x4000  }
0x27: {  	[sflag:s1] =	ssyncset.done $0x0  }
0x28: {  	[sflag:s1] =	ssyncadd.s32 $0xFFFFC000  }
0x29: {  	[spmem:s2] =	stream.indirect.scatter.add.f32 [tilespmem:s30], [sflag:$0x5], $0x80, s17, s28, $0xb8;
	[tilespmem:$0x1C800] =	vst v63  }
0x2a: {  	_ =	swait.ge [sflag:s25], $0x4000  }
0x2b: {  	[sflag:s25] =	ssyncset.done $0x0  }
0x2c: {  	[sflag:s25] =	ssyncadd.s32 $0xFFFFC000  }
0x2d: {  	[bflag:$0x0] =	sbarrier.arrive $0xFFFF  }
0x2e: {  	[tilespmem:s24], [sflag:$0x3] =	stream.linear.gather [spmem:s21], $0x4000, $0x38;
	[tilespmem:$0x1C800] =	vst v63  }
0x2f: {  	s5 =	rddreg [dreg:$0x7]  }
0x30: {  	[tilespmem:s30], [sflag:$0x4] =	stream.linear.gather [spmem:s5], $0x4000, $0x38;
	[tilespmem:$0x1C800] =	vst v63  }
0x31: {  	_ =	swait.ge [sflag:s31], $0x4000  }
0x32: {  	[sflag:s31] =	ssyncset.done $0x0  }
0x33: {  	s19 =	rddreg [dreg:$0x8];
	[sflag:s31] =	ssyncadd.s32 $0xFFFFC000  }
0x34: {  	[hbm4b:s19+s3] =	stream.linear.scatter [tilespmem:s24], [sflag:$0x5], $0x4000, $0x38;
	[tilespmem:$0x1C800] =	vst v63  }
0x35: {  	_ =	swait.ge [sflag:s25], $0x4000  }
0x36: {  	[sflag:s25] =	ssyncset.done $0x0  }
0x37: {  	s20 =	rddreg [dreg:$0x9];
	[sflag:s25] =	ssyncadd.s32 $0xFFFFC000  }
0x38: {  	[tilespmem:s24], [sflag:$0x3] =	stream.linear.gather [spmem:s20], $0x4000, $0x38;
	[tilespmem:$0x1C800] =	vst v63  }
0x39: {  	_ =	swait.ge [sflag:s1], $0x4000  }
0x3a: {  	[sflag:s1] =	ssyncset.done $0x0  }
0x3b: {  	s21 =	rddreg [dreg:$0xa];
	[sflag:s1] =	ssyncadd.s32 $0xFFFFC000  }
0x3c: {  	[hbm4b:s21+s3] =	stream.linear.scatter [tilespmem:s30], [sflag:$0x5], $0x4000, $0x38;
	[tilespmem:$0x1C800] =	vst v63  }
0x3d: {  	_ =	swait.ge [sflag:s25], $0x4000  }
0x3e: {  	[sflag:s25] =	ssyncset.done $0x0  }
0x3f: {  	s19 =	rddreg [dreg:$0xb];
	[sflag:s25] =	ssyncadd.s32 $0xFFFFC000  }
0x40: {  	[tilespmem:s30], [sflag:$0x4] =	stream.linear.gather [spmem:s19], $0x4000, $0x38;
	[tilespmem:$0x1C800] =	vst v63  }
0x41: {  	_ =	swait.ge [sflag:s31], $0x4000  }
0x42: {  	[sflag:s31] =	ssyncset.done $0x0  }
0x43: {  	s20 =	rddreg [dreg:$0xc];
	[sflag:s31] =	ssyncadd.s32 $0xFFFFC000  }
0x44: {  	[hbm4b:s20+s3] =	stream.linear.scatter [tilespmem:s24], [sflag:$0x5], $0x4000, $0x38;
	[tilespmem:$0x1C800] =	vst v63  }
0x45: {  	_ =	swait.ge [sflag:s25], $0x4000  }
0x46: {  	[sflag:s25] =	ssyncset.done $0x0  }
0x47: {  	s21 =	rddreg [dreg:$0xd];
	[sflag:s25] =	ssyncadd.s32 $0xFFFFC000  }
0x48: {  	[tilespmem:s24], [sflag:$0x3] =	stream.linear.gather [spmem:s21], $0x4000, $0x38;
	[tilespmem:$0x1C800] =	vst v63  }
0x49: {  	_ =	swait.ge [sflag:s1], $0x4000  }
0x4a: {  	[sflag:s1] =	ssyncset.done $0x0  }
0x4b: {  	s19 =	rddreg [dreg:$0xe];
	[sflag:s1] =	ssyncadd.s32 $0xFFFFC000  }
0x4c: {  	[hbm4b:s19+s3] =	stream.linear.scatter [tilespmem:s30], [sflag:$0x5], $0x4000, $0x38;
	[tilespmem:$0x1C800] =	vst v63  }
0x4d: {  	_ =	swait.ge [sflag:s25], $0x4000  }
0x4e: {  	[sflag:s25] =	ssyncset.done $0x0  }
0x4f: {  	[sflag:s25] =	ssyncadd.s32 $0xFFFFC000  }
0x50: {  	_ =	swait.ge [sflag:s31], $0x4000  }
0x51: {  	[sflag:s31] =	ssyncset.done $0x0  }
0x52: {  	s20 =	rddreg [dreg:$0xf];
	[sflag:s31] =	ssyncadd.s32 $0xFFFFC000  }
0x53: {  	[hbm4b:s20+s3] =	stream.linear.scatter [tilespmem:s24], [sflag:$0x5], $0x4000, $0x38;
	[tilespmem:$0x1C800] =	vst v63  }
0x54: {  	_ =	swait.ge [sflag:s25], $0x4000  }
0x55: {  	s19 =	rddreg [dreg:$0x15]  }
0x56: {  	s21 =	rddreg [dreg:$0x10];
	s19 =	sadd.s32 $0x1, s19  }
0x57: {  	p0 =	sne.s32 s19, s21  }
.Ltmp1:
0x58: {  	_ = 	snop;
	(pc) =	sbr.rel @!p0 .LBB2_7-.Ltmp1, $3  }
0x59: {  	_ =	sdelay $0x1  }
0x5a: {  	[sflag:s25] =	ssyncset.done $0x0  }
0x5b: {  	[sflag:s25] =	ssyncadd.s32 $0xFFFFC000  }
.LBB2_1:
0x5c: {  	s5 =	sand.u32 $0xFE00, s3  }
0x5d: {  	[dreg:$0x15] =	wrdreg s19;
	s21 =	sand.u32 $0x70, s3;
	s5 =	sshrl.u32 s5, $0x2  }
0x5e: {  	s20 =	simm.s32 $0x40;
	s5 =	sor.u32 s21, s5;
	s21 =	simm.s32 $0x0  }
.LBB2_2:
0x5f: {  	p0 =	sne.s32 s20, $0xFFC0  }
0x60: {  	[tilespmem:s5+$0x800] =	vst v0;
	s21 =	sadd.s32 $0x10, s21;
	s5 =	smov.u32 s20;
	s20 =	sadd.s32 $0x40, s20  }
.Ltmp2:
0x61: {  	(pc) =	sbr.rel @p0 .LBB2_2-.Ltmp2, $4  }
0x62: {  	_ = 	snop  }
0x63: {  	s5 =	sand.u32 $0xFE00, s5  }
0x64: {  	s19 =	sand.u32 $0x70, s21;
	s5 =	sshrl.u32 s5, $0x2  }
0x65: {  	s5 =	sor.u32 s19, s5  }
0x66: {  	[tilespmem:s5+$0x800] =	vst v0;
	s21 =	rddreg [dreg:$0x4]  }
0x67: {  	[spmem:s21] =	stream.linear.scatter [tilespmem:s24], [sflag:$0x5], $0x4000, $0x38;
	[tilespmem:$0x1C800] =	vst v63  }
0x68: {  	_ =	swait.ge [sflag:s25], $0x4000  }
0x69: {  	[sflag:s25] =	ssyncset.done $0x0  }
0x6a: {  	s19 =	rddreg [dreg:$0x11];
	[sflag:s25] =	ssyncadd.s32 $0xFFFFC000  }
0x6b: {  	[spmem:s19] =	stream.linear.scatter [tilespmem:s24], [sflag:$0x5], $0x4000, $0x38;
	[tilespmem:$0x1C800] =	vst v63  }
0x6c: {  	_ =	swait.ge [sflag:s25], $0x4000  }
0x6d: {  	[sflag:s25] =	ssyncset.done $0x0  }
0x6e: {  	s20 =	rddreg [dreg:$0x12];
	[sflag:s25] =	ssyncadd.s32 $0xFFFFC000  }
0x6f: {  	[spmem:s20] =	stream.linear.scatter [tilespmem:s24], [sflag:$0x5], $0x4000, $0x38;
	[tilespmem:$0x1C800] =	vst v63  }
0x70: {  	_ =	swait.ge [sflag:s25], $0x4000  }
0x71: {  	[sflag:s25] =	ssyncset.done $0x0  }
0x72: {  	s19 =	rddreg [dreg:$0x13];
	[sflag:s25] =	ssyncadd.s32 $0xFFFFC000  }
0x73: {  	[spmem:s19] =	stream.linear.scatter [tilespmem:s24], [sflag:$0x5], $0x4000, $0x38;
	[tilespmem:$0x1C800] =	vst v63  }
0x74: {  	_ =	swait.ge [sflag:s25], $0x4000  }
0x75: {  	[sflag:s25] =	ssyncset.done $0x0  }
0x76: {  	s20 =	rddreg [dreg:$0x14];
	[sflag:s25] =	ssyncadd.s32 $0xFFFFC000  }
0x77: {  	[spmem:s20] =	stream.linear.scatter [tilespmem:s24], [sflag:$0x5], $0x4000, $0x38;
	[tilespmem:$0x1C800] =	vst v63  }
0x78: {  	_ =	swait.ge [sflag:s25], $0x4000  }
0x79: {  	[sflag:s25] =	ssyncset.done $0x0  }
0x7a: {  	[sflag:s25] =	ssyncadd.s32 $0xFFFFC000  }
0x7b: {  	[bflag:$0x0] =	sbarrier.arrive $0xFFFF  }
0x7c: {  	s20 =	simm.s32 $0x0;
	s19 =	rddreg [dreg:$0x5]  }
0x7d: {  	[tilespmem:s20], [sflag:$0x5] =	stream.linear.gather [hbm4b:s19+s20], $0x400, $0x38;
	[tilespmem:$0x1C800] =	vst v63  }
0x7e: {  	_ =	swait.ge [sflag:s25], $0x400  }
0x7f: {  	[sflag:s25] =	ssyncset.done $0x0  }
0x80: {  	s19 =	rddreg [dreg:$0x6];
	[sflag:s25] =	ssyncadd.s32 $0xFFFFFC00  }
0x81: {  	[tilespmem:s26], [sflag:$0x2] =	stream.linear.gather [hbm4b:s19+s20], $0x400, $0x38;
	[tilespmem:$0x1C800] =	vst v63  }
0x82: {  	_ = 	snop  }
0x83: {  	[tilespmem:s24], [sflag:$0x3] =	stream.indirect.gather [hbm4b:s4+s28], $0x80, s20, s28, $0xb8;
	[tilespmem:$0x1C800] =	vst v63  }
.LBB2_4:
0x84: {  	[tilespmem:s30], [sflag:$0x4] =	stream.indirect.gather [hbm4b:s4+s28], $0x80, s29, s28, $0xb8;
	[tilespmem:$0x1C800] =	vst v63  }
0x85: {  	_ =	swait.ge [sflag:s31], $0x4000  }
0x86: {  	[sflag:s31] =	ssyncset.done $0x0  }
0x87: {  	[sflag:s31] =	ssyncadd.s32 $0xFFFFC000  }
0x88: {  	[spmem:s2] =	stream.indirect.scatter.add.f32 [tilespmem:s24], [sflag:$0x5], $0x80, s28, s28, $0xb8;
	[tilespmem:$0x1C800] =	vst v63  }
0x89: {  	_ =	swait.ge [sflag:s25], $0x4000  }
0x8a: {  	[sflag:s25] =	ssyncset.done $0x0  }
0x8b: {  	[sflag:s25] =	ssyncadd.s32 $0xFFFFC000  }
0x8c: {  	[tilespmem:s24], [sflag:$0x3] =	stream.indirect.gather [hbm4b:s4+s28], $0x80, s0, s28, $0xb8;
	[tilespmem:$0x1C800] =	vst v63  }
0x8d: {  	_ =	swait.ge [sflag:s1], $0x4000  }
0x8e: {  	[sflag:s1] =	ssyncset.done $0x0  }
0x8f: {  	[sflag:s1] =	ssyncadd.s32 $0xFFFFC000  }
0x90: {  	[spmem:s2] =	stream.indirect.scatter.add.f32 [tilespmem:s30], [sflag:$0x5], $0x80, s7, s28, $0xb8;
	[tilespmem:$0x1C800] =	vst v63  }
0x91: {  	_ =	swait.ge [sflag:s25], $0x4000  }
0x92: {  	[sflag:s25] =	ssyncset.done $0x0  }
0x93: {  	[sflag:s25] =	ssyncadd.s32 $0xFFFFC000  }
0x94: {  	[tilespmem:s30], [sflag:$0x4] =	stream.indirect.gather [hbm4b:s4+s28], $0x80, s8, s28, $0xb8;
	[tilespmem:$0x1C800] =	vst v63  }
0x95: {  	_ =	swait.ge [sflag:s31], $0x4000  }
0x96: {  	[sflag:s31] =	ssyncset.done $0x0  }
0x97: {  	[sflag:s31] =	ssyncadd.s32 $0xFFFFC000  }
0x98: {  	[spmem:s2] =	stream.indirect.scatter.add.f32 [tilespmem:s24], [sflag:$0x5], $0x80, s9, s28, $0xb8;
	[tilespmem:$0x1C800] =	vst v63  }
0x99: {  	_ =	swait.ge [sflag:s25], $0x4000  }
0x9a: {  	[sflag:s25] =	ssyncset.done $0x0  }
0x9b: {  	[sflag:s25] =	ssyncadd.s32 $0xFFFFC000  }
0x9c: {  	_ =	swait.ge [sflag:s6], $0x400  }
0x9d: {  	[sflag:s6] =	ssyncset.done $0x0  }
0x9e: {  	[sflag:s6] =	ssyncadd.s32 $0xFFFFFC00  }
0x9f: {  	[tilespmem:s24], [sflag:$0x3] =	stream.indirect.gather [hbm4b:s4+s28], $0x80, s26, s28, $0xb8;
	[tilespmem:$0x1C800] =	vst v63  }
0xa0: {  	_ =	swait.ge [sflag:s1], $0x4000  }
0xa1: {  	[sflag:s1] =	ssyncset.done $0x0  }
0xa2: {  	[sflag:s1] =	ssyncadd.s32 $0xFFFFC000  }
0xa3: {  	[spmem:s2] =	stream.indirect.scatter.add.f32 [tilespmem:s30], [sflag:$0x5], $0x80, s10, s28, $0xb8;
	[tilespmem:$0x1C800] =	vst v63  }
0xa4: {  	_ =	swait.ge [sflag:s25], $0x4000  }
0xa5: {  	p0 =	seq.s32 s20, $0x900;
	[sflag:s25] =	ssyncset.done $0x0  }
0xa6: {  	s5 =	sadd.s32 @!p0 s20, s23;
	s19 =	simm.s32 @!p0 $0x0;
	[sflag:s25] =	ssyncadd.s32 $0xFFFFC000  }
0xa7: {  	[tilespmem:s19], [sflag:$0x1] =	stream.linear.gather @!p0 [hbm4b:s5+s19], $0x400, $0x38;
	[tilespmem:$0x1C800] =	vst v63  }
0xa8: {  	_ = 	snop  }
0xa9: {  	[tilespmem:s30], [sflag:$0x4] =	stream.indirect.gather [hbm4b:s4+s28], $0x80, s11, s28, $0xb8;
	[tilespmem:$0x1C800] =	vst v63  }
0xaa: {  	_ =	swait.ge [sflag:s31], $0x4000  }
0xab: {  	[sflag:s31] =	ssyncset.done $0x0  }
0xac: {  	[sflag:s31] =	ssyncadd.s32 $0xFFFFC000  }
0xad: {  	[spmem:s2] =	stream.indirect.scatter.add.f32 [tilespmem:s24], [sflag:$0x5], $0x80, s12, s28, $0xb8;
	[tilespmem:$0x1C800] =	vst v63  }
0xae: {  	_ =	swait.ge [sflag:s25], $0x4000  }
0xaf: {  	[sflag:s25] =	ssyncset.done $0x0  }
0xb0: {  	[sflag:s25] =	ssyncadd.s32 $0xFFFFC000  }
0xb1: {  	[tilespmem:s24], [sflag:$0x3] =	stream.indirect.gather [hbm4b:s4+s28], $0x80, s13, s28, $0xb8;
	[tilespmem:$0x1C800] =	vst v63  }
0xb2: {  	_ =	swait.ge [sflag:s1], $0x4000  }
0xb3: {  	[sflag:s1] =	ssyncset.done $0x0  }
0xb4: {  	[sflag:s1] =	ssyncadd.s32 $0xFFFFC000  }
0xb5: {  	[spmem:s2] =	stream.indirect.scatter.add.f32 [tilespmem:s30], [sflag:$0x5], $0x80, s14, s28, $0xb8;
	[tilespmem:$0x1C800] =	vst v63  }
0xb6: {  	_ =	swait.ge [sflag:s25], $0x4000  }
0xb7: {  	[sflag:s25] =	ssyncset.done $0x0  }
0xb8: {  	[sflag:s25] =	ssyncadd.s32 $0xFFFFC000  }
0xb9: {  	[tilespmem:s30], [sflag:$0x4] =	stream.indirect.gather [hbm4b:s4+s28], $0x80, s15, s28, $0xb8;
	[tilespmem:$0x1C800] =	vst v63  }
0xba: {  	_ =	swait.ge [sflag:s31], $0x4000  }
0xbb: {  	[sflag:s31] =	ssyncset.done $0x0  }
.Ltmp3:
0xbc: {  	[sflag:s31] =	ssyncadd.s32 $0xFFFFC000;
	(pc) =	sbr.rel @p0 .LBB2_6-.Ltmp3, $4  }
0xbd: {  	[spmem:s2] =	stream.indirect.scatter.add.f32 [tilespmem:s24], [sflag:$0x5], $0x80, s16, s28, $0xb8;
	[tilespmem:$0x1C800] =	vst v63  }
0xbe: {  	_ =	swait.ge [sflag:s25], $0x4000  }
0xbf: {  	[sflag:s25] =	ssyncset.done $0x0  }
0xc0: {  	[sflag:s25] =	ssyncadd.s32 $0xFFFFC000  }
0xc1: {  	_ =	swait.ge [sflag:s18], $0x400  }
0xc2: {  	[sflag:s18] =	ssyncset.done $0x0  }
0xc3: {  	[sflag:s18] =	ssyncadd.s32 $0xFFFFFC00  }
0xc4: {  	[tilespmem:s24], [sflag:$0x3] =	stream.indirect.gather [hbm4b:s4+s28], $0x80, s3, s28, $0xb8;
	[tilespmem:$0x1C800] =	vst v63  }
0xc5: {  	_ =	swait.ge [sflag:s1], $0x4000  }
0xc6: {  	[sflag:s1] =	ssyncset.done $0x0  }
0xc7: {  	[sflag:s1] =	ssyncadd.s32 $0xFFFFC000  }
0xc8: {  	[spmem:s2] =	stream.indirect.scatter.add.f32 [tilespmem:s30], [sflag:$0x5], $0x80, s17, s28, $0xb8;
	[tilespmem:$0x1C800] =	vst v63  }
.Ltmp4:
0xc9: {  	_ = 	snop;
	(pc) =	sbr.rel .LBB2_4-.Ltmp4, $4  }
0xca: {  	_ =	swait.ge [sflag:s25], $0x4000  }
0xcb: {  	[sflag:s25] =	ssyncset.done $0x0  }
0xcc: {  	s5 =	sadd.s32 s20, s22;
	s20 =	sadd.s32 $0x100, s20;
	[sflag:s25] =	ssyncadd.s32 $0xFFFFC000  }
0xcd: {  	[tilespmem:s26], [sflag:$0x2] =	stream.linear.gather [hbm4b:s5+s3], $0x400, $0x38;
	[tilespmem:$0x1C800] =	vst v63  }
.LBB2_7:
0xce: {  	_ =	sfence.sel $0x180000  }
0xcf: {  	[bflag:$0x0] =	sbarrier.arrive $0xFFFF  }
0xd0: {  	_ =	strace $0x9000004D  }
0xd1: {  	s0 =	stileid.u32;
	[bflag:$0x2] =	sbarrier.arrive $0xFFFF  }
0xd2: {  	p0 =	sne.s32 s0, $0x0;
	s0 =	rddreg [dreg:$0x3]  }
0xd3: {  	s0 =	sadd.s32 @!p0 $0x100000, s0  }
0xd4: {  	[sflag:s0] =	ssyncadd.tile.s32 @!p0 $0x1;
	_ =	shalt  }
.Lfunc_end2:
_tile_overlayer_lowered:
.L_overlay_start_2:
0xd5: {  	(tag) =	ssettag $0x2  }
0xd6: {  	s0 =	rddreg [dreg:$0x0];
	s2 =	stileid.u32  }
0xd7: {  	s1 =	rddreg [dreg:$0x1];
	p0 =	sne.s32 s2, $0x0  }
0xd8: {  	s3 =	rddreg [dreg:$0x2];
	[bflag:$0x3] =	sbarrier.arrive $0xFFFF;
	s2 =	simm.s32 @!p0 $0x1C05  }
0xd9: {  	[timem:s3], [sflag:s2] =	dma.local @!p0 [hbm:s0], s1  }
0xda: {  	s0 =	simm.s32 @!p0 $0x5  }
0xdb: {  	_ =	swait.ge @!p0 [sflag:s0], s1  }
0xdc: {  	s1 =	ssub.s32 @!p0 $0x0, s1;
	[sflag:s0] =	ssyncset.done @!p0 $0x0  }
0xdd: {  	[sflag:s0] =	ssyncadd.s32 @!p0 s1  }
0xde: {  	[bflag:$0x3] =	sbarrier.arrive $0xFFFF  }
0xdf: {  	_ =	shalt  }

// kernel: kernel.8.cloned.1.call-start
scs
__scs_entry_jumppad:
0x0: {  	(pc) =	sbr.rel $0x88, $3  }
0x1: {  	(tag) =	ssettag $0x0;
	lr =	simm.s32 $0x1  }
0x2: {  	[smem:$0x3F9B] =	sst lr;
	_ =	strace $0xD0000000  }
0x3: {  	_ = 	snop  }
0x4: {  	_ = 	snop  }
0x5: {  	_ = 	snop  }
0x6: {  	_ = 	snop  }
0x7: {  	_ = 	snop  }
__scs_overlays_trampoline_lowered:
0x8: {  	[smem:$0x3FAA] =	sst s0  }
0x9: {  	[smem:$0x3FAB] =	sst s1  }
0xa: {  	[smem:$0x3FAC] =	sst s2  }
0xb: {  	[smem:$0x3FAD] =	sst s3  }
0xc: {  	[smem:$0x3FAE] =	sst s4  }
0xd: {  	[smem:$0x3FAF] =	sst s5  }
0xe: {  	[smem:$0x3FB0] =	sst s6  }
0xf: {  	[smem:$0x3FB1] =	sst s7  }
0x10: {  	[smem:$0x3FB2] =	sst s8  }
0x11: {  	[smem:$0x3FB3] =	sst s9;
	s0 =	simm.s32 @!p0 $0x0  }
0x12: {  	s1 =	sld [smem:$0x3F99];
	s0 =	simm.s32 @p0 $0x1  }
0x13: {  	[smem:$0x3FB4] =	sst s0;
	s0 =	simm.s32 @!p1 $0x0  }
0x14: {  	s2 =	sld [smem:$0x3F98];
	s0 =	simm.s32 @p1 $0x1  }
0x15: {  	[smem:$0x3FB5] =	sst s0;
	s0 =	simm.s32 @!p2 $0x0  }
0x16: {  	s3 =	sld [smem:$0x3FDB];
	s0 =	simm.s32 @p2 $0x1  }
0x17: {  	s4 =	simm.s32 $0x1BF5;
	[smem:$0x3FB7] =	sst s0  }
0x18: {  	s0 =	sld [smem:$0x3F9A];
	_ =	swait.ge [sflag:s4], $0x0  }
0x19: {  	s7 =	sld [smem:$0x3F9B]  }
0x1a: {  	s8 =	sadd.s32 $0xFFFFE003, lr  }
0x1b: {  	s9 =	sadd.s32 $0xFFFFFEF7, lr;
	s5 =	simm.s32 $0xFFFFFFFF;
	p2 =	slt.u32 s8, $0xFFFFF086  }
0x1c: {  	p1 =	slt.u32 s9, $0xF7A;
	s5 =	simm.s32 @!p2 $0x0  }
0x1d: {  	s5 =	simm.s32 @p1 $0x1;
	p0 =	seq.s32 s7, s2  }
0x1e: {  	s7 =	smul.u32 @!p0 $0xF7A, s2;
	p2 =	seq.s32 @!p0 s5, $0x0  }
0x1f: {  	s9 =	smul.u32 $0xF7A, s1;
	s8 =	simm.s32 @!p0 $0x1BF5;
	p2 =	por !p2, p0  }
0x20: {  	[sflag:s8] =	ssyncset.s32 @!p0 $0xFFFFF086;
	s6 =	sadd.s32 @!p0 s3, s7;
	s7 =	simm.s32 @!p0 $0x108  }
0x21: {  	s3 =	sadd.s32 s3, s9;
	s6 =	sadd.s32 @!p0 $0x88, s6;
	s7 =	simm.s32 @p2 $0x1082  }
0x22: {  	[simem:s7], [sflag:s8] =	dma.local @!p0 [hbm:s6], $0xF7A  }
0x23: {  	s9 =	sor.u32 $0xD0000000, s2;
	s6 =	simm.s32 $0x108;
	_ =	swait.ge @!p0 [sflag:s8], $0x0  }
0x24: {  	s3 =	sadd.s32 $0x88, s3;
	s6 =	simm.s32 @!p1 $0x1082;
	[sflag:s4] =	ssyncset.s32 $0xFFFFF086  }
0x25: {  	[simem:s6], [sflag:s4] =	dma.local [hbm:s3], $0xF7A  }
0x26: {  	[smem:$0x3F9B] =	sst s1;
	(tag) =	ssettag s2;
	_ =	strace s9  }
0x27: {  	s1 =	sld [smem:$0x3FAB]  }
0x28: {  	s2 =	sld [smem:$0x3FAC]  }
0x29: {  	s4 =	sld [smem:$0x3FAE]  }
0x2a: {  	p0 =	seq.s32 s5, $0x0;
	s5 =	sld [smem:$0x3FAF]  }
0x2b: {  	s6 =	sld [smem:$0x3FB0]  }
0x2c: {  	s7 =	sld [smem:$0x3FB1]  }
0x2d: {  	s3 =	simm.s32 $0x108;
	s8 =	sld [smem:$0x3FB2]  }
0x2e: {  	s3 =	simm.s32 @!p0 $0x1082;
	s9 =	sld [smem:$0x3FB3]  }
0x2f: {  	lr =	sadd.s32 s0, s3;
	s0 =	sld [smem:$0x3FAA]  }
0x30: {  	s3 =	sld [smem:$0x3FAD]  }
0x31: {  	[smem:$0x3FB6] =	sst s10  }
0x32: {  	s10 =	sld [smem:$0x3FB4];
	_ =	sdelay $0x3  }
0x33: {  	p0 =	seq.s32 s10, $0x1;
	s10 =	sld [smem:$0x3FB6];
	_ =	sdelay $0x3  }
0x34: {  	[smem:$0x3FB6] =	sst s10  }
0x35: {  	s10 =	sld [smem:$0x3FB5];
	_ =	sdelay $0x3  }
0x36: {  	p1 =	seq.s32 s10, $0x1;
	s10 =	sld [smem:$0x3FB6];
	_ =	sdelay $0x3  }
0x37: {  	[smem:$0x3FB6] =	sst s10  }
0x38: {  	s10 =	sld [smem:$0x3FB7]  }
0x39: {  	_ = 	snop;
	(pc) =	sbr.ind lr, $3  }
0x3a: {  	_ = 	snop  }
0x3b: {  	_ = 	snop  }
0x3c: {  	p2 =	seq.s32 s10, $0x1;
	s10 =	sld [smem:$0x3FB6]  }
0x3d: {  	_ =	shalt  }
0x3e: {  	_ =	shalt  }
0x3f: {  	_ =	shalt  }
0x40: {  	_ =	shalt  }
0x41: {  	_ =	shalt  }
0x42: {  	_ =	shalt  }
0x43: {  	_ =	shalt  }
0x44: {  	_ =	shalt  }
0x45: {  	_ =	shalt  }
0x46: {  	_ =	shalt  }
0x47: {  	_ =	shalt  }
0x48: {  	_ =	shalt  }
0x49: {  	_ =	shalt  }
0x4a: {  	_ =	shalt  }
0x4b: {  	_ =	shalt  }
0x4c: {  	_ =	shalt  }
0x4d: {  	_ =	shalt  }
0x4e: {  	_ =	shalt  }
0x4f: {  	_ =	shalt  }
0x50: {  	_ =	shalt  }
0x51: {  	_ =	shalt  }
0x52: {  	_ =	shalt  }
0x53: {  	_ =	shalt  }
0x54: {  	_ =	shalt  }
0x55: {  	_ =	shalt  }
0x56: {  	_ =	shalt  }
0x57: {  	_ =	shalt  }
0x58: {  	_ =	shalt  }
0x59: {  	_ =	shalt  }
0x5a: {  	_ =	shalt  }
0x5b: {  	_ =	shalt  }
0x5c: {  	_ =	shalt  }
0x5d: {  	_ =	shalt  }
0x5e: {  	_ =	shalt  }
0x5f: {  	_ =	shalt  }
0x60: {  	_ =	shalt  }
0x61: {  	_ =	shalt  }
0x62: {  	_ =	shalt  }
0x63: {  	_ =	shalt  }
0x64: {  	_ =	shalt  }
0x65: {  	_ =	shalt  }
0x66: {  	_ =	shalt  }
0x67: {  	_ =	shalt  }
0x68: {  	_ =	shalt  }
0x69: {  	_ =	shalt  }
0x6a: {  	_ =	shalt  }
0x6b: {  	_ =	shalt  }
0x6c: {  	_ =	shalt  }
0x6d: {  	_ =	shalt  }
0x6e: {  	_ =	shalt  }
0x6f: {  	_ =	shalt  }
0x70: {  	_ =	shalt  }
0x71: {  	_ =	shalt  }
0x72: {  	_ =	shalt  }
0x73: {  	_ =	shalt  }
0x74: {  	_ =	shalt  }
0x75: {  	_ =	shalt  }
0x76: {  	_ =	shalt  }
0x77: {  	_ =	shalt  }
0x78: {  	_ =	shalt  }
0x79: {  	_ =	shalt  }
0x7a: {  	_ =	shalt  }
0x7b: {  	_ =	shalt  }
0x7c: {  	_ =	shalt  }
0x7d: {  	_ =	shalt  }
0x7e: {  	_ =	shalt  }
0x7f: {  	_ =	shalt  }
0x80: {  	_ =	shalt  }
0x81: {  	_ =	shalt  }
0x82: {  	_ =	shalt  }
0x83: {  	_ =	shalt  }
0x84: {  	_ =	shalt  }
0x85: {  	_ =	shalt  }
0x86: {  	_ =	shalt  }
0x87: {  	_ =	shalt  }
.Lfunc_end0:
.L_simem_size_0:
called_computation_lowered:
.L_overlay_start_0:
0x88: {  	s2 =	sld [smem:$0x3FD9]  }
0x89: {  	s3 =	sld [smem:$0x3FFE];
	_ =	sdelay $0x1  }
0x8a: {  	s1 =	srdreg.scid  }
0x8b: {  	s0 =	sand.u32 $0x1, s1  }
0x8c: {  	s16 =	sshll.u32 s0, $0xA;
	s2 =	sadd.s32 s3, s2  }
0x8d: {  	s2 =	sadd.s32 s2, s16  }
0x8e: {  	[smem:$0x3FC2] =	sst s2  }
0x8f: {  	_ = 	snop  }
0x90: {  	(tm) =	ssettm $0x1  }
0x91: {  	s17 =	sld [smem:$0x3FFB];
	_ =	sdelay $0x3  }
0x92: {  	_ =	strace s17  }
0x93: {  	s2 =	sld [smem:$0x3FFC];
	_ =	sdelay $0x3  }
0x94: {  	_ =	strace s2  }
0x95: {  	s2 =	sld [smem:$0x3FFD];
	_ =	sdelay $0x3  }
0x96: {  	_ =	strace s2  }
0x97: {  	_ =	strace $0x8FFFFFFF  }
0x98: {  	s18 =	sld [smem:$0x3FDB];
	_ =	sdelay $0x1  }
0x99: {  	s19 =	simm.s32 $_scs_section_size  }
0x9a: {  	s4 =	simm.s32 $_size__tile_overlayer_lowered;
	s5 =	simm.s32 $_tile_overlayer_lowered  }
0x9b: {  	s22 =	simm.s32 $0x1BFF;
	s21 =	sshll.u32 s5, $0x1;
	s2 =	sadd.s32 s19, s18  }
0x9c: {  	s6 =	simm.s32 $0x0;
	s20 =	sshll.u32 s4, $0x1;
	s4 =	sadd.s32 s21, s2  }
0x9d: {  	[timem:s6], [sflag:s22] =	dma.local [hbm:s4], s20  }
0x9e: {  	_ =	swait.ge [sflag:s22], s20  }
0x9f: {  	s3 =	ssub.s32 $0x0, s20;
	[sflag:s22] =	ssyncset.done $0x0  }
0xa0: {  	[sflag:s22] =	ssyncadd.s32 s3;
	_ =	sdelay $0x1  }
0xa1: {  	s23 =	simm.s32 $0x1B8B  }
0xa2: {  	_ =	swait.ge [sflag:s23], $0x1  }
0xa3: {  	[sflag:s23] =	ssyncset.done $0x0  }
0xa4: {  	s25 =	simm.s32 $0x1B8E;
	s24 =	sld [smem:$0x3FFE];
	[sflag:s23] =	ssyncadd.s32 $0xFFFFFFFF  }
0xa5: {  	s26 =	simm.s32 $execute0_lowered;
	[smem:$0x3FD2] =	sst s25  }
0xa6: {  	s4 =	sshll.u32 s26, $0x1;
	_ =	strace $0x80000046;
	[dreg:$0x1] =	wrdreg $0xFFFFFFFF  }
0xa7: {  	s28 =	simm.s32 $_size_execute0_lowered;
	s2 =	sadd.s32 s2, s4;
	[dreg:$0x0] =	wrdreg $0x0  }
0xa8: {  	s4 =	sshll.u32 s28, $0x1;
	[dreg:$0x2] =	wrdreg s2  }
0xa9: {  	[dreg:$0x3] =	wrdreg s4  }
0xaa: {  	[dreg:$0x4] =	wrdreg $0xC0  }
0xab: {  	_ =	task [dreg:s6], $0x5FFFF  }
0xac: {  	[dreg:$0x1] =	wrdreg $0xFFFFFFFF  }
0xad: {  	[dreg:$0x0] =	wrdreg $0x60  }
0xae: {  	[dreg:$0x2] =	wrdreg s24  }
0xaf: {  	[dreg:$0x3] =	wrdreg $0x2B000  }
0xb0: {  	[dreg:$0x4] =	wrdreg $0x9  }
0xb1: {  	_ =	task.clear_ibuf [dreg:s6], $0x5FFFF;
	_ =	strace $0x90000046  }
0xb2: {  	s29 =	simm.s32 $0x9;
	_ =	strace $0x80000048  }
0xb3: {  	_ =	swait.ge [sflag:s29], $0x1  }
0xb4: {  	[sflag:s29] =	ssyncadd.s32 $0xFFFFFFFF  }
0xb5: {  	_ =	strace $0x90000048  }
0xb6: {  	_ =	sfence  }
0xb7: {  	s30 =	sld [smem:$0x0];
	_ =	sdelay $0x2  }
0xb8: {  	s31 =	sshll.u32 s1, $0xD;
	s1 =	sshrl.u32 s1, $0x2  }
0xb9: {  	s3 =	sand.u32 $0x4000, s31;
	s1 =	sadd.s32 s1, s30  }
0xba: {  	s0 =	sor.u32 s3, s0;
	s1 =	sshll.u32 s1, $0x11  }
0xbb: {  	s0 =	sor.u32 s1, s0  }
0xbc: {  	s0 =	sadd.s32 $0x8F2B, s0  }
0xbd: {  	[sflag:s0] =	ssyncadd.remote.s32 $0x1  }
0xbe: {  	_ =	sfence.sel $0xFFFF  }
0xbf: {  	[dreg:$0x0] =	wrdreg $0xFFFFFFFF;
	(pc) =	sbr.abs _section_cstart, $3  }
0xc0: {  	[dreg:$0x1] =	wrdreg $0xFFFFFFFF  }
0xc1: {  	_ =	task.clear_ibuf [dreg:s6], $0x2FFFF;
	_ =	strace $0x9FFFFFFF  }
0xc2: {  	(tm) =	ssettm $0x7FFFFFFF  }
0xc3: {  	_ =	shalt  }
tec
execute0_lowered:
.L_overlay_start_1:
0x0: {  	(tag) =	ssettag $0x1  }
0x1: {  	s4 =	rddreg [dreg:$0x0]  }
0x2: {  	s2 =	rddreg [dreg:$0x1]  }
0x3: {  	s0 =	rddreg [dreg:$0x2];
	s3 =	srdreg.scid  }
0x4: {  	s1 =	stileid.u32;
	s10 =	simm.s32 $0x80;
	s11 =	simm.s32 $0x2800  }
0x5: {  	s12 =	simm.s32 $0x1;
	s13 =	simm.s32 $0x0;
	s5 =	sand.u32 $0x1, s3  }
0x6: {  	s6 =	sshll.u32 s1, $0x1;
	s7 =	smul.u32 $0x280, s1;
	s3 =	simm.s32 $0x0  }
0x7: {  	s6 =	sor.u32 s5, s6;
	s8 =	smul.u32 $0x2800, s5;
	s5 =	ssub.s32 $0x2, s5  }
0x8: {  	[smem:$0x7FF] =	sst s3;
	s6 =	smul.u32 $0x500, s6;
	s9 =	sshrl.u32 s5, $0x1  }
0x9: {  	_ =	strace $0x80000047;
	s8 =	sadd.s32 s7, s8;
	s9 =	ssub.s32 s5, s9  }
0xa: {  	s5 =	sadd.s32 s7, s2;
	s6 =	sadd.s32 s6, s4;
	s8 =	sshrl.u32 s8, $0x3  }
0xb: {  	s7 =	smax.u32 s9, $0x1;
	s9 =	simm.s32 $0x2880;
	s8 =	sadd.s32 s8, s4  }
0xc: {  	v0 =	vimm.f32 $0.0e+00;
	v1 =	vimm.f32 $1.000000000e+00;
	s4 =	sadd.s32 $0x2800, s6;
	s6 =	sadd.s32 $0xC800, s8;
	s8 =	simm.s32 $0x2  }
.LBB2_1:
0xd: {  	[tilespmem:$0x2880] =	vst v0  }
0xe: {  	[tilespmem:$0x2890] =	vst v0  }
0xf: {  	[tilespmem:$0x28A0] =	vst v0  }
0x10: {  	[tilespmem:$0x28B0] =	vst v0  }
0x11: {  	[tilespmem:$0x28C0] =	vst v0  }
0x12: {  	[tilespmem:$0x28D0] =	vst v0  }
0x13: {  	[tilespmem:$0x28E0] =	vst v0  }
0x14: {  	[tilespmem:$0x28F0] =	vst v0  }
0x15: {  	[tilespmem:$0x2900] =	vst v0  }
0x16: {  	[tilespmem:$0x2910] =	vst v0  }
0x17: {  	[tilespmem:$0x2920] =	vst v0  }
0x18: {  	[tilespmem:$0x2930] =	vst v0  }
0x19: {  	[tilespmem:$0x2940] =	vst v0  }
0x1a: {  	[tilespmem:$0x2950] =	vst v0  }
0x1b: {  	[tilespmem:$0x2960] =	vst v0  }
0x1c: {  	[tilespmem:$0x2970] =	vst v0  }
0x1d: {  	[tilespmem:$0x2980] =	vst v0  }
0x1e: {  	[tilespmem:$0x2990] =	vst v0  }
0x1f: {  	[tilespmem:$0x29A0] =	vst v0  }
0x20: {  	[tilespmem:$0x29B0] =	vst v0  }
0x21: {  	[tilespmem:$0x29C0] =	vst v0  }
0x22: {  	[tilespmem:$0x29D0] =	vst v0  }
0x23: {  	[tilespmem:$0x29E0] =	vst v0  }
0x24: {  	[tilespmem:$0x29F0] =	vst v0  }
0x25: {  	[tilespmem:$0x2A00] =	vst v0  }
0x26: {  	[tilespmem:$0x2A10] =	vst v0  }
0x27: {  	[tilespmem:$0x2A20] =	vst v0  }
0x28: {  	[tilespmem:$0x2A30] =	vst v0  }
0x29: {  	[tilespmem:$0x2A40] =	vst v0  }
0x2a: {  	[tilespmem:$0x2A50] =	vst v0  }
0x2b: {  	[tilespmem:$0x2A60] =	vst v0  }
0x2c: {  	[tilespmem:$0x2A70] =	vst v0  }
0x2d: {  	[tilespmem:$0x2A80] =	vst v0  }
0x2e: {  	[tilespmem:$0x2A90] =	vst v0  }
0x2f: {  	[tilespmem:$0x2AA0] =	vst v0  }
0x30: {  	[tilespmem:$0x2AB0] =	vst v0  }
0x31: {  	[tilespmem:$0x2AC0] =	vst v0  }
0x32: {  	[tilespmem:$0x2AD0] =	vst v0  }
0x33: {  	[tilespmem:$0x2AE0] =	vst v0  }
0x34: {  	[tilespmem:$0x2AF0] =	vst v0  }
0x35: {  	[tilespmem:$0x2800] =	vst v1  }
0x36: {  	[tilespmem:$0x2810] =	vst v1  }
0x37: {  	[tilespmem:$0x2820] =	vst v1  }
0x38: {  	[tilespmem:$0x2830] =	vst v1  }
0x39: {  	[tilespmem:$0x2840] =	vst v1  }
0x3a: {  	[tilespmem:$0x2850] =	vst v1  }
0x3b: {  	[tilespmem:$0x2860] =	vst v1  }
0x3c: {  	[tilespmem:$0x2870] =	vst v1  }
0x3d: {  	[tilespmem:s3], [sflag:$0x2] =	stream.linear.gather [hbm4b:s4+s3], $0x2800, $0x38;
	[tilespmem:$0x2D80] =	vst v63  }
0x3e: {  	_ =	swait.ge [sflag:s8], $0x2800  }
0x3f: {  	[sflag:s8] =	ssyncset.done $0x0  }
0x40: {  	[sflag:s8] =	ssyncadd.s32 $0xFFFFD800  }
0x41: {  	[spmem:s5] =	stream.linear.scatter [tilespmem:s9], [sflag:$0x2], $0x280, $0x38;
	[tilespmem:$0x2D80] =	vst v63  }
0x42: {  	_ =	swait.ge [sflag:s8], $0x280  }
0x43: {  	[sflag:s8] =	ssyncset.done $0x0  }
0x44: {  	[sflag:s8] =	ssyncadd.s32 $0xFFFFFD80  }
0x45: {  	s14 =	simm.s32 $0x0;
	[bflag:$0x0] =	sbarrier.arrive $0xFFFF  }
0x46: {  	[spmem:s2] =	stream.indirect.scatter.add.f32 [tilespmem:s11], [sflag:$0x1], $0x1, s14, s10, $0xb8;
	[tilespmem:$0x2D80] =	vst v63  }
0x47: {  	s24 =	simm.s32 $0x80  }
0x48: {  	[spmem:s2] =	stream.indirect.scatter.add.f32 [tilespmem:s11], [sflag:$0x1], $0x1, s24, s10, $0xb8;
	[tilespmem:$0x2D80] =	vst v63  }
0x49: {  	s25 =	simm.s32 $0x100  }
0x4a: {  	[spmem:s2] =	stream.indirect.scatter.add.f32 [tilespmem:s11], [sflag:$0x1], $0x1, s25, s10, $0xb8;
	[tilespmem:$0x2D80] =	vst v63  }
0x4b: {  	s26 =	simm.s32 $0x180  }
0x4c: {  	[spmem:s2] =	stream.indirect.scatter.add.f32 [tilespmem:s11], [sflag:$0x1], $0x1, s26, s10, $0xb8;
	[tilespmem:$0x2D80] =	vst v63  }
0x4d: {  	s28 =	simm.s32 $0x200  }
0x4e: {  	[spmem:s2] =	stream.indirect.scatter.add.f32 [tilespmem:s11], [sflag:$0x1], $0x1, s28, s10, $0xb8;
	[tilespmem:$0x2D80] =	vst v63  }
0x4f: {  	s29 =	simm.s32 $0x280  }
0x50: {  	[spmem:s2] =	stream.indirect.scatter.add.f32 [tilespmem:s11], [sflag:$0x1], $0x1, s29, s10, $0xb8;
	[tilespmem:$0x2D80] =	vst v63  }
0x51: {  	s30 =	simm.s32 $0x300  }
0x52: {  	[spmem:s2] =	stream.indirect.scatter.add.f32 [tilespmem:s11], [sflag:$0x1], $0x1, s30, s10, $0xb8;
	[tilespmem:$0x2D80] =	vst v63  }
0x53: {  	s31 =	simm.s32 $0x380  }
0x54: {  	[spmem:s2] =	stream.indirect.scatter.add.f32 [tilespmem:s11], [sflag:$0x1], $0x1, s31, s10, $0xb8;
	[tilespmem:$0x2D80] =	vst v63  }
0x55: {  	_ =	swait.ge [sflag:s12], $0x80  }
0x56: {  	[sflag:s12] =	ssyncset.done $0x0  }
0x57: {  	[sflag:s12] =	ssyncadd.s32 $0xFFFFFF80  }
0x58: {  	_ =	swait.ge [sflag:s12], $0x80  }
0x59: {  	[sflag:s12] =	ssyncset.done $0x0  }
0x5a: {  	[sflag:s12] =	ssyncadd.s32 $0xFFFFFF80  }
0x5b: {  	_ =	swait.ge [sflag:s12], $0x80  }
0x5c: {  	[sflag:s12] =	ssyncset.done $0x0  }
0x5d: {  	[sflag:s12] =	ssyncadd.s32 $0xFFFFFF80  }
0x5e: {  	_ =	swait.ge [sflag:s12], $0x80  }
0x5f: {  	[sflag:s12] =	ssyncset.done $0x0  }
0x60: {  	[sflag:s12] =	ssyncadd.s32 $0xFFFFFF80  }
0x61: {  	_ =	swait.ge [sflag:s12], $0x80  }
0x62: {  	[sflag:s12] =	ssyncset.done $0x0  }
0x63: {  	[sflag:s12] =	ssyncadd.s32 $0xFFFFFF80  }
0x64: {  	_ =	swait.ge [sflag:s12], $0x80  }
0x65: {  	[sflag:s12] =	ssyncset.done $0x0  }
0x66: {  	[sflag:s12] =	ssyncadd.s32 $0xFFFFFF80  }
0x67: {  	_ =	swait.ge [sflag:s12], $0x80  }
0x68: {  	[sflag:s12] =	ssyncset.done $0x0  }
0x69: {  	[sflag:s12] =	ssyncadd.s32 $0xFFFFFF80  }
0x6a: {  	_ =	swait.ge [sflag:s12], $0x80  }
0x6b: {  	s16 =	simm.s32 $0x2000;
	s14 =	simm.s32 $0x1000;
	[sflag:s12] =	ssyncset.done $0x0  }
.LBB2_2:
0x6c: {  	s17 =	sshra.s32 s14, $0x2  }
0x6d: {  	[sflag:s12] =	ssyncadd.s32 $0xFFFFFF80;
	s14 =	smov.u32 s16;
	s15 =	sadd.s32 $0x1000, s16  }
0x6e: {  	[spmem:s2] =	stream.indirect.scatter.add.f32 [tilespmem:s11], [sflag:$0x1], $0x1, s17, s10, $0xb8;
	[tilespmem:$0x2D80] =	vst v63  }
0x6f: {  	p0 =	sne.s32 s16, $0x9000;
	s16 =	sadd.s32 $0x80, s17  }
0x70: {  	[spmem:s2] =	stream.indirect.scatter.add.f32 [tilespmem:s11], [sflag:$0x1], $0x1, s16, s10, $0xb8;
	[tilespmem:$0x2D80] =	vst v63  }
0x71: {  	s16 =	sadd.s32 $0x100, s17  }
0x72: {  	[spmem:s2] =	stream.indirect.scatter.add.f32 [tilespmem:s11], [sflag:$0x1], $0x1, s16, s10, $0xb8;
	[tilespmem:$0x2D80] =	vst v63  }
0x73: {  	s16 =	sadd.s32 $0x180, s17  }
0x74: {  	[spmem:s2] =	stream.indirect.scatter.add.f32 [tilespmem:s11], [sflag:$0x1], $0x1, s16, s10, $0xb8;
	[tilespmem:$0x2D80] =	vst v63  }
0x75: {  	s16 =	sadd.s32 $0x200, s17  }
0x76: {  	[spmem:s2] =	stream.indirect.scatter.add.f32 [tilespmem:s11], [sflag:$0x1], $0x1, s16, s10, $0xb8;
	[tilespmem:$0x2D80] =	vst v63  }
0x77: {  	s16 =	sadd.s32 $0x280, s17  }
0x78: {  	[spmem:s2] =	stream.indirect.scatter.add.f32 [tilespmem:s11], [sflag:$0x1], $0x1, s16, s10, $0xb8;
	[tilespmem:$0x2D80] =	vst v63  }
0x79: {  	s16 =	sadd.s32 $0x300, s17  }
0x7a: {  	[spmem:s2] =	stream.indirect.scatter.add.f32 [tilespmem:s11], [sflag:$0x1], $0x1, s16, s10, $0xb8;
	[tilespmem:$0x2D80] =	vst v63  }
0x7b: {  	s16 =	sadd.s32 $0x380, s17  }
0x7c: {  	[spmem:s2] =	stream.indirect.scatter.add.f32 [tilespmem:s11], [sflag:$0x1], $0x1, s16, s10, $0xb8;
	[tilespmem:$0x2D80] =	vst v63  }
0x7d: {  	_ =	swait.ge [sflag:s12], $0x80  }
0x7e: {  	[sflag:s12] =	ssyncset.done $0x0  }
0x7f: {  	[sflag:s12] =	ssyncadd.s32 $0xFFFFFF80  }
0x80: {  	_ =	swait.ge [sflag:s12], $0x80  }
0x81: {  	[sflag:s12] =	ssyncset.done $0x0  }
0x82: {  	[sflag:s12] =	ssyncadd.s32 $0xFFFFFF80  }
0x83: {  	_ =	swait.ge [sflag:s12], $0x80  }
0x84: {  	[sflag:s12] =	ssyncset.done $0x0  }
0x85: {  	[sflag:s12] =	ssyncadd.s32 $0xFFFFFF80  }
0x86: {  	_ =	swait.ge [sflag:s12], $0x80  }
0x87: {  	[sflag:s12] =	ssyncset.done $0x0  }
0x88: {  	[sflag:s12] =	ssyncadd.s32 $0xFFFFFF80  }
0x89: {  	_ =	swait.ge [sflag:s12], $0x80  }
0x8a: {  	[sflag:s12] =	ssyncset.done $0x0  }
0x8b: {  	[sflag:s12] =	ssyncadd.s32 $0xFFFFFF80  }
0x8c: {  	_ =	swait.ge [sflag:s12], $0x80  }
0x8d: {  	[sflag:s12] =	ssyncset.done $0x0  }
0x8e: {  	[sflag:s12] =	ssyncadd.s32 $0xFFFFFF80  }
.Ltmp0:
0x8f: {  	_ =	swait.ge [sflag:s12], $0x80;
	(pc) =	sbr.rel @p0 .LBB2_2-.Ltmp0, $4  }
0x90: {  	[sflag:s12] =	ssyncset.done $0x0  }
0x91: {  	[sflag:s12] =	ssyncadd.s32 $0xFFFFFF80  }
0x92: {  	_ =	swait.ge [sflag:s12], $0x80  }
0x93: {  	s16 =	smov.u32 s15;
	[sflag:s12] =	ssyncset.done $0x0  }
0x94: {  	s14 =	sshra.s32 s14, $0x2;
	[sflag:s12] =	ssyncadd.s32 $0xFFFFFF80  }
0x95: {  	[spmem:s2] =	stream.indirect.scatter.add.f32 [tilespmem:s11], [sflag:$0x1], $0x1, s14, s10, $0xb8;
	[tilespmem:$0x2D80] =	vst v63  }
0x96: {  	s15 =	sadd.s32 $0x80, s14  }
0x97: {  	[spmem:s2] =	stream.indirect.scatter.add.f32 [tilespmem:s11], [sflag:$0x1], $0x1, s15, s10, $0xb8;
	[tilespmem:$0x2D80] =	vst v63  }
0x98: {  	s26 =	sadd.s32 $0x100, s14  }
0x99: {  	[spmem:s2] =	stream.indirect.scatter.add.f32 [tilespmem:s11], [sflag:$0x1], $0x1, s26, s10, $0xb8;
	[tilespmem:$0x2D80] =	vst v63  }
0x9a: {  	s28 =	sadd.s32 $0x180, s14  }
0x9b: {  	[spmem:s2] =	stream.indirect.scatter.add.f32 [tilespmem:s11], [sflag:$0x1], $0x1, s28, s10, $0xb8;
	[tilespmem:$0x2D80] =	vst v63  }
0x9c: {  	s29 =	sadd.s32 $0x200, s14  }
0x9d: {  	[spmem:s2] =	stream.indirect.scatter.add.f32 [tilespmem:s11], [sflag:$0x1], $0x1, s29, s10, $0xb8;
	[tilespmem:$0x2D80] =	vst v63  }
0x9e: {  	s30 =	sadd.s32 $0x280, s14  }
0x9f: {  	[spmem:s2] =	stream.indirect.scatter.add.f32 [tilespmem:s11], [sflag:$0x1], $0x1, s30, s10, $0xb8;
	[tilespmem:$0x2D80] =	vst v63  }
0xa0: {  	s31 =	sadd.s32 $0x300, s14  }
0xa1: {  	[spmem:s2] =	stream.indirect.scatter.add.f32 [tilespmem:s11], [sflag:$0x1], $0x1, s31, s10, $0xb8;
	[tilespmem:$0x2D80] =	vst v63  }
0xa2: {  	s14 =	sadd.s32 $0x380, s14  }
0xa3: {  	[spmem:s2] =	stream.indirect.scatter.add.f32 [tilespmem:s11], [sflag:$0x1], $0x1, s14, s10, $0xb8;
	[tilespmem:$0x2D80] =	vst v63  }
0xa4: {  	_ =	swait.ge [sflag:s12], $0x80  }
0xa5: {  	[sflag:s12] =	ssyncset.done $0x0  }
0xa6: {  	[sflag:s12] =	ssyncadd.s32 $0xFFFFFF80  }
0xa7: {  	_ =	swait.ge [sflag:s12], $0x80  }
0xa8: {  	[sflag:s12] =	ssyncset.done $0x0  }
0xa9: {  	[sflag:s12] =	ssyncadd.s32 $0xFFFFFF80  }
0xaa: {  	_ =	swait.ge [sflag:s12], $0x80  }
0xab: {  	[sflag:s12] =	ssyncset.done $0x0  }
0xac: {  	[sflag:s12] =	ssyncadd.s32 $0xFFFFFF80  }
0xad: {  	_ =	swait.ge [sflag:s12], $0x80  }
0xae: {  	[sflag:s12] =	ssyncset.done $0x0  }
0xaf: {  	[sflag:s12] =	ssyncadd.s32 $0xFFFFFF80  }
0xb0: {  	_ =	swait.ge [sflag:s12], $0x80  }
0xb1: {  	[sflag:s12] =	ssyncset.done $0x0  }
0xb2: {  	[sflag:s12] =	ssyncadd.s32 $0xFFFFFF80  }
0xb3: {  	_ =	swait.ge [sflag:s12], $0x80  }
0xb4: {  	[sflag:s12] =	ssyncset.done $0x0  }
0xb5: {  	[sflag:s12] =	ssyncadd.s32 $0xFFFFFF80  }
0xb6: {  	_ =	swait.ge [sflag:s12], $0x80  }
0xb7: {  	[sflag:s12] =	ssyncset.done $0x0  }
0xb8: {  	[sflag:s12] =	ssyncadd.s32 $0xFFFFFF80  }
0xb9: {  	_ =	swait.ge [sflag:s12], $0x80  }
0xba: {  	[sflag:s12] =	ssyncset.done $0x0  }
0xbb: {  	[sflag:s12] =	ssyncadd.s32 $0xFFFFFF80  }
0xbc: {  	[bflag:$0x0] =	sbarrier.arrive $0xFFFF  }
0xbd: {  	[tilespmem:s9], [sflag:$0x2] =	stream.linear.gather [spmem:s5], $0x280, $0x38;
	[tilespmem:$0x2D80] =	vst v63  }
0xbe: {  	s13 =	sadd.s32 $0x1, s13;
	_ =	swait.ge [sflag:s8], $0x280  }
0xbf: {  	p0 =	sne.s32 s13, s7;
	[sflag:s8] =	ssyncset.done $0x0  }
.Ltmp1:
0xc0: {  	[sflag:s8] =	ssyncadd.s32 $0xFFFFFD80;
	(pc) =	sbr.rel @p0 .LBB2_1-.Ltmp1, $4  }
0xc1: {  	[hbm4b:s6+s3] =	stream.linear.scatter [tilespmem:s9], [sflag:$0x2], $0x280, $0x38;
	[tilespmem:$0x2D80] =	vst v63  }
0xc2: {  	_ =	swait.ge [sflag:s8], $0x280  }
0xc3: {  	[sflag:s8] =	ssyncset.done $0x0  }
0xc4: {  	[sflag:s8] =	ssyncadd.s32 $0xFFFFFD80  }
0xc5: {  	_ =	sfence.sel $0x180000  }
0xc6: {  	[bflag:$0x0] =	sbarrier.arrive $0xFFFF  }
0xc7: {  	p0 =	sne.s32 s1, $0x0;
	_ =	strace $0x90000047  }
0xc8: {  	s0 =	sadd.s32 @!p0 $0x100000, s0;
	[bflag:$0x2] =	sbarrier.arrive $0xFFFF  }
0xc9: {  	[sflag:s0] =	ssyncadd.tile.s32 @!p0 $0x1;
	_ =	shalt  }
.Lfunc_end2:
_tile_overlayer_lowered:
.L_overlay_start_2:
0xca: {  	(tag) =	ssettag $0x2  }
0xcb: {  	s0 =	rddreg [dreg:$0x0];
	s2 =	stileid.u32  }
0xcc: {  	s1 =	rddreg [dreg:$0x1];
	p0 =	sne.s32 s2, $0x0  }
0xcd: {  	s3 =	rddreg [dreg:$0x2];
	[bflag:$0x3] =	sbarrier.arrive $0xFFFF;
	s2 =	simm.s32 @!p0 $0x1C02  }
0xce: {  	[timem:s3], [sflag:s2] =	dma.local @!p0 [hbm:s0], s1  }
0xcf: {  	s0 =	simm.s32 @!p0 $0x2  }
0xd0: {  	_ =	swait.ge @!p0 [sflag:s0], s1  }
0xd1: {  	s1 =	ssub.s32 @!p0 $0x0, s1;
	[sflag:s0] =	ssyncset.done @!p0 $0x0  }
0xd2: {  	[sflag:s0] =	ssyncadd.s32 @!p0 s1  }
0xd3: {  	[bflag:$0x3] =	sbarrier.arrive $0xFFFF  }
0xd4: {  	_ =	shalt  }

</sc_bundles>
